<compile_context>
chip_gen: v7x
topology: tpu7x:2x2x1
jax: 0.10.2.dev20260603
libtpu: 0.0.44.dev20260713+nightly
codegen_flags: <defaults>
</compile_context>

<pallas_src>
import functools

import jax
import jax.numpy as jnp
from jax import lax
from jax.experimental import pallas as pl
from jax.experimental.pallas import tpu as pltpu



def _head_body(x_ref, w1_ref, b1_ref, g1_ref, be1_ref, w2_ref, b2_ref, o_ref):
    x = x_ref[...]
    h = lax.dot_general(x, w1_ref[...], (((1,), (1,)), ((), ())),
                        preferred_element_type=jnp.float32) + b1_ref[...]
    mean = jnp.mean(h, axis=0, keepdims=True)
    var = jnp.mean((h - mean) ** 2, axis=0, keepdims=True)
    h = (h - mean) / jnp.sqrt(var + 1e-5) * g1_ref[...] + be1_ref[...]
    h = jnp.maximum(h, 0.0)
    o_ref[...] = lax.dot_general(h, w2_ref[...], (((1,), (1,)), ((), ())),
                                 preferred_element_type=jnp.float32) + b2_ref[...]


def _head(x, w1, b1, g1, be1, w2, b2):
    B, N, C = x.shape
    out = pl.pallas_call(
        _head_body,
        out_shape=jax.ShapeDtypeStruct((B * N, w2.shape[0]), jnp.float32),
    )(x.reshape(B * N, C), w1, b1.reshape(1, -1), g1.reshape(1, -1),
      be1.reshape(1, -1), w2, b2.reshape(1, -1))
    return out.reshape(B, N, w2.shape[0])



def _fps_body(xyz_ref, cent_ref, nxyz_ref, *, npoint):
    x = xyz_ref[:, 0, :]
    y = xyz_ref[:, 1, :]
    z = xyz_ref[:, 2, :]
    B, N = x.shape
    iota = lax.broadcasted_iota(jnp.int32, (B, N), 1)
    iota_np = lax.broadcasted_iota(jnp.int32, (B, npoint), 1)

    cent_ref[...] = jnp.zeros_like(cent_ref)
    nxyz_ref[...] = jnp.zeros_like(nxyz_ref)

    def body(i, dist):
        amax = jnp.argmax(dist, axis=1, keepdims=True).astype(jnp.int32)
        far = jnp.where(i == 0, jnp.zeros_like(amax), amax)
        seli = (iota_np == i).astype(jnp.int32)
        self_ = seli.astype(jnp.float32)
        cent_ref[...] = cent_ref[...] + seli * (far - cent_ref[...])
        oh = (iota == far).astype(jnp.float32)
        cx = jnp.sum(x * oh, axis=1, keepdims=True)
        cy = jnp.sum(y * oh, axis=1, keepdims=True)
        cz = jnp.sum(z * oh, axis=1, keepdims=True)
        nxyz_ref[:, 0, :] += self_ * (cx - nxyz_ref[:, 0, :])
        nxyz_ref[:, 1, :] += self_ * (cy - nxyz_ref[:, 1, :])
        nxyz_ref[:, 2, :] += self_ * (cz - nxyz_ref[:, 2, :])
        d = (x - cx) ** 2 + (y - cy) ** 2 + (z - cz) ** 2
        return jnp.minimum(dist, d)

    dist0 = jnp.full((B, N), 1e10, dtype=jnp.float32)
    lax.fori_loop(0, npoint, body, dist0)


def _fps(xyz_b3n, npoint):
    B, _, N = xyz_b3n.shape
    cent, nxyz = pl.pallas_call(
        functools.partial(_fps_body, npoint=npoint),
        out_shape=(jax.ShapeDtypeStruct((B, npoint), jnp.int32),
                   jax.ShapeDtypeStruct((B, 3, npoint), jnp.float32)),
    )(xyz_b3n)
    return cent, nxyz



def _gather_wide(arr, idx):
    TS, M = arr.shape
    if M <= 128:
        return jnp.take_along_axis(arr, jnp.clip(idx, 0, M - 1), axis=1)
    out = None
    for c in range(M // 128):
        part = jnp.take_along_axis(arr[:, c * 128:(c + 1) * 128],
                                   jnp.clip(idx - c * 128, 0, 127), axis=1)
        out = part if out is None else jnp.where(idx >= c * 128, part, out)
    return out


def _popcount16(v):
    v = v - ((v >> 1) & 0x5555)
    v = (v & 0x3333) + ((v >> 2) & 0x3333)
    v = (v + (v >> 4)) & 0x0F0F
    return (v + (v >> 8)) & 0x1F


def _bq_body(d_ref, gmat_ref, out_ref, *, r2, nsample):
    d = d_ref[0]
    TS, N = d.shape
    NG = N // 16
    maskf = (d <= r2).astype(jnp.float32)

    bits = lax.dot_general(maskf, gmat_ref[...], (((1,), (0,)), ((), ())),
                           preferred_element_type=jnp.float32)
    bits = bits.astype(jnp.int32)
    gc = _popcount16(bits)
    lane = lax.broadcasted_iota(jnp.int32, (TS, NG), 1)
    fp = gc
    sh = 1
    while sh < NG:
        fp = fp + jnp.where(lane >= sh, pltpu.roll(fp, sh, axis=1), 0)
        sh *= 2

    iota_k = lax.broadcasted_iota(jnp.int32, (TS, nsample), 1)
    t = iota_k + 1
    lo = jnp.zeros((TS, nsample), dtype=jnp.int32)
    hi = jnp.full((TS, nsample), NG, dtype=jnp.int32)
    for _ in range(int(NG + 1).bit_length()):
        mid = (lo + hi) // 2
        v = _gather_wide(fp, jnp.minimum(mid, NG - 1))
        cond = v < t
        lo = jnp.where(cond, mid + 1, lo)
        hi = jnp.where(cond, hi, mid)
    g = jnp.minimum(lo, NG - 1)

    prior = jnp.where(g > 0, _gather_wide(fp, g - 1), 0)
    rem = t - prior
    w = _gather_wide(bits, g)
    u = jnp.zeros((TS, nsample), dtype=jnp.int32)
    for h in (8, 4, 2, 1):
        v8 = (w >> u) & ((1 << h) - 1)
        v8 = v8 - ((v8 >> 1) & 0x5555)
        v8 = (v8 & 0x3333) + ((v8 >> 2) & 0x3333)
        v8 = (v8 + (v8 >> 4)) & 0x0F
        c = (v8 < rem).astype(jnp.int32)
        u = u + h * c
        rem = rem - v8 * c
    idx = g * 16 + u

    count = fp[:, NG - 1:NG]
    first = idx[:, 0:1]
    out = jnp.where(t <= count, idx, first)
    out_ref[0] = jnp.where(count > 0, out, N)


def _ball_query(sqrdists, radius, nsample, ts):
    B, S, N = sqrdists.shape
    NG = N // 16
    n_iota = jnp.arange(N, dtype=jnp.int32)
    gmat = jnp.where((n_iota[:, None] // 16) == jnp.arange(NG)[None, :],
                     (2.0 ** (n_iota % 16))[:, None], 0.0).astype(jnp.float32)
    return pl.pallas_call(
        functools.partial(_bq_body, r2=radius ** 2, nsample=nsample),
        grid=(B, S // ts),
        in_specs=[
            pl.BlockSpec((1, ts, N), lambda b, t: (b, t, 0)),
            pl.BlockSpec((N, NG), lambda b, t: (0, 0)),
        ],
        out_specs=pl.BlockSpec((1, ts, nsample), lambda b, t: (b, t, 0)),
        out_shape=jax.ShapeDtypeStruct((B, S, nsample), jnp.int32),
    )(sqrdists, gmat)



def _nn3_body(d_ref, idx_ref):
    d = d_ref[0]
    TS, N2 = d.shape
    lane = lax.broadcasted_iota(jnp.int32, (TS, N2), 1)
    idxs = []
    for _ in range(3):
        am = jnp.argmin(d, axis=1, keepdims=True).astype(jnp.int32)
        idxs.append(am)
        d = jnp.where(lane == am, 1e30, d)
    idx_ref[0] = jnp.concatenate(idxs, axis=1)


def _nn3(dists, ts):
    B, N1, N2 = dists.shape
    return pl.pallas_call(
        _nn3_body,
        grid=(B, N1 // ts),
        in_specs=[
            pl.BlockSpec((1, ts, N2), lambda b, t: (b, t, 0)),
        ],
        out_specs=pl.BlockSpec((1, ts, 3), lambda b, t: (b, t, 0)),
        out_shape=jax.ShapeDtypeStruct((B, N1, 3), jnp.int32),
    )(dists)



def _bn_relu(x, stats, g, be, r):
    mean = stats[0:1, :] / r
    var = stats[1:2, :] / r - mean * mean
    return jnp.maximum((x - mean) / jnp.sqrt(var + 1e-5) * g + be, 0.0)


def _layer_body(*refs, r, prev, last):
    if prev:
        x_ref, w_ref, b_ref, st_ref, g_ref, be_ref = refs[:6]
        rest = refs[6:]
    else:
        x_ref, w_ref, b_ref = refs[:3]
        rest = refs[3:]
    if last:
        pre_ref, = rest
    else:
        pre_ref, so_ref = rest
    t = pl.program_id(0)
    x = x_ref[...]
    if prev:
        x = _bn_relu(x, st_ref[...], g_ref[...], be_ref[...], r)
    pre = lax.dot_general(x, w_ref[...], (((1,), (1,)), ((), ())),
                          preferred_element_type=jnp.float32) + b_ref[...]
    pre_ref[...] = pre
    if not last:
        loc = jnp.concatenate(
            [jnp.sum(pre, axis=0, keepdims=True),
             jnp.sum(pre * pre, axis=0, keepdims=True)], axis=0)

        @pl.when(t == 0)
        def _():
            so_ref[...] = loc

        @pl.when(t > 0)
        def _():
            so_ref[...] += loc


def _mlp_layer(x, w, b, prev=None, tr=4096, last=False):
    R, cin = x.shape
    cout = w.shape[0]
    tr = min(tr, R)
    args = [x, w, b.reshape(1, -1)]
    in_specs = [
        pl.BlockSpec((tr, cin), lambda t: (t, 0)),
        pl.BlockSpec((cout, cin), lambda t: (0, 0)),
        pl.BlockSpec((1, cout), lambda t: (0, 0)),
    ]
    if prev is not None:
        st, g, be = prev
        args += [st, g.reshape(1, -1), be.reshape(1, -1)]
        in_specs += [
            pl.BlockSpec((2, cin), lambda t: (0, 0)),
            pl.BlockSpec((1, cin), lambda t: (0, 0)),
            pl.BlockSpec((1, cin), lambda t: (0, 0)),
        ]
    out_shape = [jax.ShapeDtypeStruct((R, cout), jnp.float32)]
    out_specs = [pl.BlockSpec((tr, cout), lambda t: (t, 0))]
    if not last:
        out_shape.append(jax.ShapeDtypeStruct((2, cout), jnp.float32))
        out_specs.append(pl.BlockSpec((2, cout), lambda t: (0, 0)))
    out = pl.pallas_call(
        functools.partial(_layer_body, r=float(R), prev=prev is not None,
                          last=last),
        grid=(R // tr,),
        in_specs=in_specs,
        out_specs=out_specs,
        out_shape=out_shape,
    )(*args)
    return out if not last else (out[0], None)


def _close_body(x_ref, st_ref, g_ref, be_ref, o_ref, *, r, k):
    x = _bn_relu(x_ref[...], st_ref[...], g_ref[...], be_ref[...], r)
    if k == 1:
        o_ref[...] = x
    else:
        tr, c = x.shape
        o_ref[...] = jnp.max(x.reshape(tr // k, k, c), axis=1)


def _mlp_close(pre, stats, g, be, k=1, tr=4096):
    R, c = pre.shape
    tr = min(tr, R)
    return pl.pallas_call(
        functools.partial(_close_body, r=float(R), k=k),
        grid=(R // tr,),
        in_specs=[
            pl.BlockSpec((tr, c), lambda t: (t, 0)),
            pl.BlockSpec((2, c), lambda t: (0, 0)),
            pl.BlockSpec((1, c), lambda t: (0, 0)),
            pl.BlockSpec((1, c), lambda t: (0, 0)),
        ],
        out_specs=pl.BlockSpec((tr // k, c), lambda t: (t, 0)),
        out_shape=jax.ShapeDtypeStruct((R // k, c), jnp.float32),
    )(pre, stats, g.reshape(1, -1), be.reshape(1, -1))


def _mlp_chain(x, p, prefix, nlayers, pool_k=None, head=None):
    pre, stats = _mlp_layer(x, p[prefix + '_w0'], p[prefix + '_b0'])
    for i in range(1, nlayers):
        prev = (stats, p[prefix + '_g%d' % (i - 1)], p[prefix + '_be%d' % (i - 1)])
        pre, stats = _mlp_layer(pre, p[prefix + '_w%d' % i], p[prefix + '_b%d' % i],
                                prev=prev)
    lastg = (stats, p[prefix + '_g%d' % (nlayers - 1)],
             p[prefix + '_be%d' % (nlayers - 1)])
    if head is not None:
        w1, b1, g1, be1, w2, b2 = head
        pre, stats = _mlp_layer(pre, w1, b1, prev=lastg)
        out, _ = _mlp_layer(pre, w2, b2, prev=(stats, g1, be1), last=True)
        return out
    return _mlp_close(pre, stats, lastg[1], lastg[2],
                      k=1 if pool_k is None else pool_k)



def _square_distance(src, dst):
    return (jnp.sum(src ** 2, -1)[:, :, None]
            - 2.0 * jnp.einsum('bnc,bmc->bnm', src, dst)
            + jnp.sum(dst ** 2, -1)[:, None, :])


def _index_points(points, idx):
    B = points.shape[0]
    batch = jnp.arange(B).reshape((B,) + (1,) * (idx.ndim - 1))
    return points[batch, idx]


def _farthest_point_sample(xyz, npoint):
    B, N, _ = xyz.shape
    def body(i, state):
        centroids, distance, farthest = state
        centroids = centroids.at[:, i].set(farthest)
        centroid = jnp.take_along_axis(xyz, farthest[:, None, None], axis=1)
        dist = jnp.sum((xyz - centroid) ** 2, -1)
        distance = jnp.minimum(distance, dist)
        farthest = jnp.argmax(distance, -1).astype(jnp.int32)
        return centroids, distance, farthest
    centroids = jnp.zeros((B, npoint), dtype=jnp.int32)
    distance = jnp.full((B, N), 1e10, dtype=xyz.dtype)
    farthest = jnp.zeros((B,), dtype=jnp.int32)
    centroids, _, _ = jax.lax.fori_loop(0, npoint, body,
                                        (centroids, distance, farthest))
    return centroids


def _query_ball_point(radius, nsample, xyz, new_xyz):
    B, N, _ = xyz.shape
    S = new_xyz.shape[1]
    sqrdists = _square_distance(new_xyz, xyz)
    group_idx = jnp.broadcast_to(jnp.arange(N, dtype=jnp.int32), (B, S, N))
    group_idx = jnp.where(sqrdists > radius ** 2, N, group_idx)
    group_idx = jnp.sort(group_idx, axis=-1)[:, :, :nsample]
    group_first = group_idx[:, :, :1]
    group_idx = jnp.where(group_idx == N, group_first, group_idx)
    return group_idx


def _batchnorm(x, g, b, axes):
    mean = jnp.mean(x, axis=axes, keepdims=True)
    var = jnp.var(x, axis=axes, keepdims=True)
    return (x - mean) / jnp.sqrt(var + 1e-5) * g + b


def _mlp(x, p, prefix, nlayers, axes):
    for i in range(nlayers):
        w = p[prefix + '_w%d' % i]
        b = p[prefix + '_b%d' % i]
        x = jnp.einsum('...c,oc->...o', x, w) + b
        x = _batchnorm(x, p[prefix + '_g%d' % i], p[prefix + '_be%d' % i], axes)
        x = jax.nn.relu(x)
    return x


def _set_abstraction(p, prefix, nlayers, xyz, points, npoint, radius, nsample,
                     group_all):
    B, N, _ = xyz.shape
    if group_all:
        new_xyz = jnp.zeros((B, 1, 3), dtype=xyz.dtype)
        grouped = xyz[:, None, :, :]
        if points is not None:
            grouped = jnp.concatenate([grouped, points[:, None, :, :]], -1)
    else:
        cent = _farthest_point_sample(xyz, npoint)
        new_xyz = _index_points(xyz, cent)
        idx = _ball_query(_square_distance(new_xyz, xyz), radius, nsample,
                          ts=min(npoint, 256))
        grouped = _index_points(xyz, idx) - new_xyz[:, :, None, :]
        if points is not None:
            grouped = jnp.concatenate([grouped, _index_points(points, idx)], -1)
    new_points = _mlp(grouped, p, prefix, nlayers, (0, 1, 2))
    new_points = jnp.max(new_points, axis=2)
    return new_xyz, new_points


def _feature_propagation(p, prefix, nlayers, xyz1, xyz2, points1, points2,
                         head=None):
    B, N, _ = xyz1.shape
    S = xyz2.shape[1]
    if S == 1:
        interpolated = jnp.broadcast_to(points2, (B, N, points2.shape[-1]))
    else:
        dists = _square_distance(xyz1, xyz2)
        idx = _nn3(dists, ts=min(N, 512))
        d = jnp.take_along_axis(dists, idx, axis=-1)
        dist_recip = 1.0 / (d + 1e-8)
        norm = jnp.sum(dist_recip, axis=-1, keepdims=True)
        weight = dist_recip / norm
        interpolated = jnp.sum(_index_points(points2, idx) * weight[..., None],
                               axis=2)
    if points1 is not None:
        new_points = jnp.concatenate([points1, interpolated], -1)
    else:
        new_points = interpolated
    out = _mlp(new_points, p, prefix, nlayers, (0, 1))
    if head is not None:
        w1, b1, g1, be1, w2, b2 = head
        out = _head(out, w1, b1, g1, be1, w2, b2)
    return out


def kernel(xyz, sa1_w0, sa1_b0, sa1_g0, sa1_be0, sa1_w1, sa1_b1, sa1_g1, sa1_be1, sa1_w2, sa1_b2, sa1_g2, sa1_be2, sa2_w0, sa2_b0, sa2_g0, sa2_be0, sa2_w1, sa2_b1, sa2_g1, sa2_be1, sa2_w2, sa2_b2, sa2_g2, sa2_be2, sa3_w0, sa3_b0, sa3_g0, sa3_be0, sa3_w1, sa3_b1, sa3_g1, sa3_be1, sa3_w2, sa3_b2, sa3_g2, sa3_be2, fp3_w0, fp3_b0, fp3_g0, fp3_be0, fp3_w1, fp3_b1, fp3_g1, fp3_be1, fp2_w0, fp2_b0, fp2_g0, fp2_be0, fp2_w1, fp2_b1, fp2_g1, fp2_be1, fp1_w0, fp1_b0, fp1_g0, fp1_be0, fp1_w1, fp1_b1, fp1_g1, fp1_be1, fp1_w2, fp1_b2, fp1_g2, fp1_be2, head_w1, head_b1, head_g1, head_be1, head_w2, head_b2):
    p = dict(locals())
    x0 = jnp.transpose(p['xyz'], (0, 2, 1))
    l1_xyz, l1_points = _set_abstraction(p, 'sa1', 3, x0, None, 512, 0.1, 64, False)
    l2_xyz, l2_points = _set_abstraction(p, 'sa2', 3, l1_xyz, l1_points, 128, 0.2, 64, False)
    l3_xyz, l3_points = _set_abstraction(p, 'sa3', 3, l2_xyz, l2_points, None, None, None, True)
    l2_points = _feature_propagation(p, 'fp3', 2, l2_xyz, l3_xyz, l2_points, l3_points)
    l1_points = _feature_propagation(p, 'fp2', 2, l1_xyz, l2_xyz, l1_points, l2_points)
    x = _feature_propagation(
        p, 'fp1', 3, x0, l1_xyz, None, l1_points,
        head=(head_w1, head_b1, head_g1, head_be1, head_w2, head_b2))
    return jnp.transpose(x, (0, 2, 1))

# --- scband reference (transcript-rebuilt; emitter-appended) ---
"""Pipeline reference for scband-d-point-plus-seg-33706903339265 (READ-ONLY COPY).

The authoritative reference and input builder live on the scoring server;
editing this copy changes nothing except your own understanding.
"""

import jax, jax.numpy as jnp
import numpy as np


def square_distance(src, dst):
    return (jnp.sum(src ** 2, -1)[:, :, None]
            - 2.0 * jnp.einsum('bnc,bmc->bnm', src, dst)
            + jnp.sum(dst ** 2, -1)[:, None, :])


def index_points(points, idx):
    B = points.shape[0]
    batch = jnp.arange(B).reshape((B,) + (1,) * (idx.ndim - 1))
    return points[batch, idx]


def farthest_point_sample(xyz, npoint):
    xyz = jax.lax.stop_gradient(xyz)
    B, N, _ = xyz.shape
    def body(i, state):
        centroids, distance, farthest = state
        centroids = centroids.at[:, i].set(farthest)
        centroid = jnp.take_along_axis(xyz, farthest[:, None, None], axis=1)
        dist = jnp.sum((xyz - centroid) ** 2, -1)
        distance = jnp.minimum(distance, dist)
        farthest = jnp.argmax(distance, -1).astype(jnp.int32)
        return centroids, distance, farthest
    centroids = jnp.zeros((B, npoint), dtype=jnp.int32)
    distance = jnp.full((B, N), 1e10, dtype=xyz.dtype)
    farthest = jnp.zeros((B,), dtype=jnp.int32)
    centroids, _, _ = jax.lax.fori_loop(0, npoint, body, (centroids, distance, farthest))
    return centroids


def query_ball_point(radius, nsample, xyz, new_xyz):
    xyz = jax.lax.stop_gradient(xyz)
    new_xyz = jax.lax.stop_gradient(new_xyz)
    B, N, _ = xyz.shape
    S = new_xyz.shape[1]
    sqrdists = square_distance(new_xyz, xyz)
    group_idx = jnp.broadcast_to(jnp.arange(N, dtype=jnp.int32), (B, S, N))
    group_idx = jnp.where(sqrdists > radius ** 2, N, group_idx)
    group_idx = jnp.sort(group_idx, axis=-1)[:, :, :nsample]
    group_first = group_idx[:, :, :1]
    group_idx = jnp.where(group_idx == N, group_first, group_idx)
    return group_idx


def batchnorm(x, g, b, axes):
    mean = jnp.mean(x, axis=axes, keepdims=True)
    var = jnp.var(x, axis=axes, keepdims=True)
    return (x - mean) / jnp.sqrt(var + 1e-5) * g + b


def mlp(x, p, prefix, nlayers, axes):
    for i in range(nlayers):
        w = p[prefix + '_w%d' % i]
        b = p[prefix + '_b%d' % i]
        x = jnp.einsum('...c,oc->...o', x, w) + b
        x = batchnorm(x, p[prefix + '_g%d' % i], p[prefix + '_be%d' % i], axes)
        x = jax.nn.relu(x)
    return x


def set_abstraction(p, prefix, nlayers, xyz, points, npoint, radius, nsample, group_all):
    B, N, _ = xyz.shape
    if group_all:
        new_xyz = jnp.zeros((B, 1, 3), dtype=xyz.dtype)
        grouped = xyz[:, None, :, :]
        if points is not None:
            grouped = jnp.concatenate([grouped, points[:, None, :, :]], -1)
    else:
        fps_idx = farthest_point_sample(xyz, npoint)
        new_xyz = index_points(xyz, fps_idx)
        idx = query_ball_point(radius, nsample, xyz, new_xyz)
        grouped = index_points(xyz, idx) - new_xyz[:, :, None, :]
        if points is not None:
            grouped = jnp.concatenate([grouped, index_points(points, idx)], -1)
    new_points = mlp(grouped, p, prefix, nlayers, (0, 1, 2))
    new_points = jnp.max(new_points, axis=2)
    return new_xyz, new_points


def feature_propagation(p, prefix, nlayers, xyz1, xyz2, points1, points2):
    B, N, _ = xyz1.shape
    S = xyz2.shape[1]
    if S == 1:
        interpolated = jnp.broadcast_to(points2, (B, N, points2.shape[-1]))
    else:
        dists = square_distance(xyz1, xyz2)
        idx = jnp.argsort(dists, axis=-1)[:, :, :3]
        d = jnp.take_along_axis(dists, idx, axis=-1)
        dist_recip = 1.0 / (d + 1e-8)
        norm = jnp.sum(dist_recip, axis=-1, keepdims=True)
        weight = dist_recip / norm
        interpolated = jnp.sum(index_points(points2, idx) * weight[..., None], axis=2)
    if points1 is not None:
        new_points = jnp.concatenate([points1, interpolated], -1)
    else:
        new_points = interpolated
    return mlp(new_points, p, prefix, nlayers, (0, 1))


def model_forward(p):
    xyz = jnp.transpose(p['xyz'], (0, 2, 1))
    l1_xyz, l1_points = set_abstraction(p, 'sa1', 3, xyz, None, 512, 0.1, 64, False)
    l2_xyz, l2_points = set_abstraction(p, 'sa2', 3, l1_xyz, l1_points, 128, 0.2, 64, False)
    l3_xyz, l3_points = set_abstraction(p, 'sa3', 3, l2_xyz, l2_points, None, None, None, True)
    l2_points = feature_propagation(p, 'fp3', 2, l2_xyz, l3_xyz, l2_points, l3_points)
    l1_points = feature_propagation(p, 'fp2', 2, l1_xyz, l2_xyz, l1_points, l2_points)
    l0_points = feature_propagation(p, 'fp1', 3, xyz, l1_xyz, None, l1_points)
    x = jnp.einsum('bnc,oc->bno', l0_points, p['head_w1']) + p['head_b1']
    x = jax.nn.relu(batchnorm(x, p['head_g1'], p['head_be1'], (0, 1)))
    x = jnp.einsum('bnc,oc->bno', x, p['head_w2']) + p['head_b2']
    return jnp.transpose(x, (0, 2, 1))


def _add_mlp(d, key, prefix, in_ch, outs):
    for i, o in enumerate(outs):
        key, k = jax.random.split(key)
        d[prefix + '_w%d' % i] = jax.random.normal(k, (o, in_ch), dtype=jnp.float32) * (1.0 / np.sqrt(in_ch))
        d[prefix + '_b%d' % i] = jnp.zeros((o,), dtype=jnp.float32)
        d[prefix + '_g%d' % i] = jnp.ones((o,), dtype=jnp.float32)
        d[prefix + '_be%d' % i] = jnp.zeros((o,), dtype=jnp.float32)
        in_ch = o
    return key


def setup_inputs(seed: int = 0):
    key = jax.random.key(seed)
    d = {}
    key, kx = jax.random.split(key)
    d['xyz'] = jax.random.uniform(kx, (8, 3, 4096), dtype=jnp.float32)
    key = _add_mlp(d, key, 'sa1', 3, [64, 64, 128])
    key = _add_mlp(d, key, 'sa2', 131, [128, 128, 256])
    key = _add_mlp(d, key, 'sa3', 259, [256, 256, 1024])
    key = _add_mlp(d, key, 'fp3', 1280, [256, 256])
    key = _add_mlp(d, key, 'fp2', 384, [256, 128])
    key = _add_mlp(d, key, 'fp1', 128, [128, 128, 128])
    key, k1 = jax.random.split(key)
    d['head_w1'] = jax.random.normal(k1, (128, 128), dtype=jnp.float32) * (1.0 / np.sqrt(128))
    d['head_b1'] = jnp.zeros((128,), dtype=jnp.float32)
    d['head_g1'] = jnp.ones((128,), dtype=jnp.float32)
    d['head_be1'] = jnp.zeros((128,), dtype=jnp.float32)
    key, k2 = jax.random.split(key)
    d['head_w2'] = jax.random.normal(k2, (50, 128), dtype=jnp.float32) * (1.0 / np.sqrt(128))
    d['head_b2'] = jnp.zeros((50,), dtype=jnp.float32)
    return d


def reference(xyz,
              sa1_w0, sa1_b0, sa1_g0, sa1_be0,
              sa1_w1, sa1_b1, sa1_g1, sa1_be1,
              sa1_w2, sa1_b2, sa1_g2, sa1_be2,
              sa2_w0, sa2_b0, sa2_g0, sa2_be0,
              sa2_w1, sa2_b1, sa2_g1, sa2_be1,
              sa2_w2, sa2_b2, sa2_g2, sa2_be2,
              sa3_w0, sa3_b0, sa3_g0, sa3_be0,
              sa3_w1, sa3_b1, sa3_g1, sa3_be1,
              sa3_w2, sa3_b2, sa3_g2, sa3_be2,
              fp3_w0, fp3_b0, fp3_g0, fp3_be0,
              fp3_w1, fp3_b1, fp3_g1, fp3_be1,
              fp2_w0, fp2_b0, fp2_g0, fp2_be0,
              fp2_w1, fp2_b1, fp2_g1, fp2_be1,
              fp1_w0, fp1_b0, fp1_g0, fp1_be0,
              fp1_w1, fp1_b1, fp1_g1, fp1_be1,
              fp1_w2, fp1_b2, fp1_g2, fp1_be2,
              head_w1, head_b1, head_g1, head_be1,
              head_w2, head_b2):
    p = dict(locals())
    return model_forward(p)

if __name__ == "__main__":
    import jax
    _d = setup_inputs()
    print(jax.jit(kernel)(*tuple(_d.values())))

</pallas_src>

<mosaic_0001>
module attributes {stable_mosaic.version = 14 : i64} {
  func.func @_bq_body(%arg0: i32, %arg1: i32, %arg2: memref<1x128x512xf32, #tpu.memory_space<vmem>>, %arg3: memref<512x32xf32, #tpu.memory_space<vmem>>, %arg4: memref<1x128x64xi32, #tpu.memory_space<vmem>>) attributes {dimension_semantics = [#tpu.dimension_semantics<arbitrary>, #tpu.dimension_semantics<arbitrary>], iteration_bounds = array<i64: 8, 1>, scalar_prefetch = 0 : i64, scratch_operands = 0 : i64, tpu.core_type = #tpu.core_type<tc>, window_params = [{transform_indices = @transform_0, window_bounds = array<i64: 1, 128, 512>}, {pipeline_mode = #tpu.pipeline_mode<synchronous>, transform_indices = @transform_1, window_bounds = array<i64: 512, 32>}, {transform_indices = @transform_2, window_bounds = array<i64: 1, 128, 64>}]} {
    %get3A = arith.constant 0 : index
    %get3A_0 = arith.constant 0 : index
    %get3A_1 = arith.constant 0 : index
    %get3A_2 = vector.load %arg2[%get3A, %get3A_0, %get3A_1] : memref<1x128x512xf32, #tpu.memory_space<vmem>>, vector<1x128x512xf32>
    %get3A_3 = vector.shape_cast %get3A_2 : vector<1x128x512xf32> to vector<128x512xf32>
    %le3A = arith.constant 4.000000e-02 : f32
    %le3A_4 = vector.broadcast %le3A : f32 to vector<128x512xf32>
    %le3A_5 = arith.cmpf ole, %get3A_3, %le3A_4 : vector<128x512xf32>
    %convert_element_type3A = arith.extui %le3A_5 : vector<128x512xi1> to vector<128x512xi32>
    %convert_element_type3A_6 = arith.sitofp %convert_element_type3A : vector<128x512xi32> to vector<128x512xf32>
    %get3A_7 = arith.constant 0 : index
    %get3A_8 = arith.constant 0 : index
    %get3A_9 = vector.load %arg3[%get3A_7, %get3A_8] : memref<512x32xf32, #tpu.memory_space<vmem>>, vector<512x32xf32>
    %dot_general3A = arith.constant dense<0.000000e+00> : vector<128x32xf32>
    %dot_general3A_10 = tpu.matmul %convert_element_type3A_6, %get3A_9, %dot_general3A {dimension_numbers = #tpu.dot_dimension_numbers<[1], [0], [0], [1], [0, 0, 1, 1], [], []>, transpose_lhs_hint = false} : vector<128x512xf32>, vector<512x32xf32>, vector<128x32xf32> -> vector<128x32xf32>
    %convert_element_type3A_11 = arith.fptosi %dot_general3A_10 : vector<128x32xf32> to vector<128x32xi32>
    %shift_right_arithmetic3A = arith.constant 1 : i32
    %shift_right_arithmetic3A_12 = vector.broadcast %shift_right_arithmetic3A : i32 to vector<128x32xi32>
    %shift_right_arithmetic3A_13 = arith.shrsi %convert_element_type3A_11, %shift_right_arithmetic3A_12 : vector<128x32xi32>
    %and3A = arith.constant 21845 : i32
    %and3A_14 = vector.broadcast %and3A : i32 to vector<128x32xi32>
    %and3A_15 = arith.andi %shift_right_arithmetic3A_13, %and3A_14 : vector<128x32xi32>
    %sub3A = arith.subi %convert_element_type3A_11, %and3A_15 : vector<128x32xi32>
    %and3A_16 = arith.constant 13107 : i32
    %and3A_17 = vector.broadcast %and3A_16 : i32 to vector<128x32xi32>
    %and3A_18 = arith.andi %sub3A, %and3A_17 : vector<128x32xi32>
    %shift_right_arithmetic3A_19 = arith.constant 2 : i32
    %shift_right_arithmetic3A_20 = vector.broadcast %shift_right_arithmetic3A_19 : i32 to vector<128x32xi32>
    %shift_right_arithmetic3A_21 = arith.shrsi %sub3A, %shift_right_arithmetic3A_20 : vector<128x32xi32>
    %and3A_22 = arith.constant 13107 : i32
    %and3A_23 = vector.broadcast %and3A_22 : i32 to vector<128x32xi32>
    %and3A_24 = arith.andi %shift_right_arithmetic3A_21, %and3A_23 : vector<128x32xi32>
    %add3A = arith.addi %and3A_18, %and3A_24 : vector<128x32xi32>
    %shift_right_arithmetic3A_25 = arith.constant 4 : i32
    %shift_right_arithmetic3A_26 = vector.broadcast %shift_right_arithmetic3A_25 : i32 to vector<128x32xi32>
    %shift_right_arithmetic3A_27 = arith.shrsi %add3A, %shift_right_arithmetic3A_26 : vector<128x32xi32>
    %add3A_28 = arith.addi %add3A, %shift_right_arithmetic3A_27 : vector<128x32xi32>
    %and3A_29 = arith.constant 3855 : i32
    %and3A_30 = vector.broadcast %and3A_29 : i32 to vector<128x32xi32>
    %and3A_31 = arith.andi %add3A_28, %and3A_30 : vector<128x32xi32>
    %shift_right_arithmetic3A_32 = arith.constant 8 : i32
    %shift_right_arithmetic3A_33 = vector.broadcast %shift_right_arithmetic3A_32 : i32 to vector<128x32xi32>
    %shift_right_arithmetic3A_34 = arith.shrsi %and3A_31, %shift_right_arithmetic3A_33 : vector<128x32xi32>
    %add3A_35 = arith.addi %and3A_31, %shift_right_arithmetic3A_34 : vector<128x32xi32>
    %and3A_36 = arith.constant 31 : i32
    %and3A_37 = vector.broadcast %and3A_36 : i32 to vector<128x32xi32>
    %and3A_38 = arith.andi %add3A_35, %and3A_37 : vector<128x32xi32>
    %iota3A = tpu.iota {dimensions = array<i32: 1>} : vector<128x32xi32>
    %ge3A = arith.constant 1 : i32
    %ge3A_39 = vector.broadcast %ge3A : i32 to vector<128x32xi32>
    %ge3A_40 = arith.cmpi sge, %iota3A, %ge3A_39 : vector<128x32xi32>
    %roll3A = arith.constant 1 : i32
    %roll3A_41 = tpu.dynamic_rotate %and3A_38 by %roll3A dim 1 : vector<128x32xi32>, i32 -> vector<128x32xi32>
    %jit3A = arith.constant 0 : i32
    %broadcast_in_dim3A = vector.broadcast %jit3A : i32 to vector<128x32xi32>
    %select_n3A = arith.select %ge3A_40, %roll3A_41, %broadcast_in_dim3A : vector<128x32xi1>, vector<128x32xi32>
    %add3A_42 = arith.addi %and3A_38, %select_n3A : vector<128x32xi32>
    %ge3A_43 = arith.constant 2 : i32
    %ge3A_44 = vector.broadcast %ge3A_43 : i32 to vector<128x32xi32>
    %ge3A_45 = arith.cmpi sge, %iota3A, %ge3A_44 : vector<128x32xi32>
    %roll3A_46 = arith.constant 2 : i32
    %roll3A_47 = tpu.dynamic_rotate %add3A_42 by %roll3A_46 dim 1 : vector<128x32xi32>, i32 -> vector<128x32xi32>
    %jit3A_48 = arith.constant 0 : i32
    %broadcast_in_dim3A_49 = vector.broadcast %jit3A_48 : i32 to vector<128x32xi32>
    %select_n3A_50 = arith.select %ge3A_45, %roll3A_47, %broadcast_in_dim3A_49 : vector<128x32xi1>, vector<128x32xi32>
    %add3A_51 = arith.addi %add3A_42, %select_n3A_50 : vector<128x32xi32>
    %ge3A_52 = arith.constant 4 : i32
    %ge3A_53 = vector.broadcast %ge3A_52 : i32 to vector<128x32xi32>
    %ge3A_54 = arith.cmpi sge, %iota3A, %ge3A_53 : vector<128x32xi32>
    %roll3A_55 = arith.constant 4 : i32
    %roll3A_56 = tpu.dynamic_rotate %add3A_51 by %roll3A_55 dim 1 : vector<128x32xi32>, i32 -> vector<128x32xi32>
    %jit3A_57 = arith.constant 0 : i32
    %broadcast_in_dim3A_58 = vector.broadcast %jit3A_57 : i32 to vector<128x32xi32>
    %select_n3A_59 = arith.select %ge3A_54, %roll3A_56, %broadcast_in_dim3A_58 : vector<128x32xi1>, vector<128x32xi32>
    %add3A_60 = arith.addi %add3A_51, %select_n3A_59 : vector<128x32xi32>
    %ge3A_61 = arith.constant 8 : i32
    %ge3A_62 = vector.broadcast %ge3A_61 : i32 to vector<128x32xi32>
    %ge3A_63 = arith.cmpi sge, %iota3A, %ge3A_62 : vector<128x32xi32>
    %roll3A_64 = arith.constant 8 : i32
    %roll3A_65 = tpu.dynamic_rotate %add3A_60 by %roll3A_64 dim 1 : vector<128x32xi32>, i32 -> vector<128x32xi32>
    %jit3A_66 = arith.constant 0 : i32
    %broadcast_in_dim3A_67 = vector.broadcast %jit3A_66 : i32 to vector<128x32xi32>
    %select_n3A_68 = arith.select %ge3A_63, %roll3A_65, %broadcast_in_dim3A_67 : vector<128x32xi1>, vector<128x32xi32>
    %add3A_69 = arith.addi %add3A_60, %select_n3A_68 : vector<128x32xi32>
    %ge3A_70 = arith.constant 16 : i32
    %ge3A_71 = vector.broadcast %ge3A_70 : i32 to vector<128x32xi32>
    %ge3A_72 = arith.cmpi sge, %iota3A, %ge3A_71 : vector<128x32xi32>
    %roll3A_73 = arith.constant 16 : i32
    %roll3A_74 = tpu.dynamic_rotate %add3A_69 by %roll3A_73 dim 1 : vector<128x32xi32>, i32 -> vector<128x32xi32>
    %jit3A_75 = arith.constant 0 : i32
    %broadcast_in_dim3A_76 = vector.broadcast %jit3A_75 : i32 to vector<128x32xi32>
    %select_n3A_77 = arith.select %ge3A_72, %roll3A_74, %broadcast_in_dim3A_76 : vector<128x32xi1>, vector<128x32xi32>
    %add3A_78 = arith.addi %add3A_69, %select_n3A_77 : vector<128x32xi32>
    %iota3A_79 = tpu.iota {dimensions = array<i32: 1>} : vector<128x64xi32>
    %add3A_80 = arith.constant 1 : i32
    %add3A_81 = vector.broadcast %add3A_80 : i32 to vector<128x64xi32>
    %add3A_82 = arith.addi %iota3A_79, %add3A_81 : vector<128x64xi32>
    %broadcast_in_dim3A_83 = arith.constant 0 : i32
    %broadcast_in_dim3A_84 = vector.broadcast %broadcast_in_dim3A_83 : i32 to vector<128x64xi32>
    %broadcast_in_dim3A_85 = arith.constant 32 : i32
    %broadcast_in_dim3A_86 = vector.broadcast %broadcast_in_dim3A_85 : i32 to vector<128x64xi32>
    %add3A_87 = arith.addi %broadcast_in_dim3A_84, %broadcast_in_dim3A_86 : vector<128x64xi32>
    %jit3A_88 = arith.constant 2 : i32
    %div3A = vector.broadcast %jit3A_88 : i32 to vector<128x64xi32>
    %div3A_89 = arith.divsi %add3A_87, %div3A : vector<128x64xi32>
    %sign3A = arith.constant 0 : i32
    %sign3A_90 = vector.broadcast %sign3A : i32 to vector<128x64xi32>
    %sign3A_91 = arith.cmpi sgt, %add3A_87, %sign3A_90 : vector<128x64xi32>
    %sign3A_92 = arith.extui %sign3A_91 : vector<128x64xi1> to vector<128x64xi32>
    %sign3A_93 = arith.constant 0 : i32
    %sign3A_94 = vector.broadcast %sign3A_93 : i32 to vector<128x64xi32>
    %sign3A_95 = arith.cmpi slt, %add3A_87, %sign3A_94 : vector<128x64xi32>
    %sign3A_96 = arith.extui %sign3A_95 : vector<128x64xi1> to vector<128x64xi32>
    %sign3A_97 = arith.subi %sign3A_92, %sign3A_96 : vector<128x64xi32>
    %sign3A_98 = arith.constant 0 : i32
    %sign3A_99 = arith.cmpi sgt, %jit3A_88, %sign3A_98 : i32
    %sign3A_100 = arith.extui %sign3A_99 : i1 to i32
    %sign3A_101 = arith.constant 0 : i32
    %sign3A_102 = arith.cmpi slt, %jit3A_88, %sign3A_101 : i32
    %sign3A_103 = arith.extui %sign3A_102 : i1 to i32
    %sign3A_104 = arith.subi %sign3A_100, %sign3A_103 : i32
    %ne3A = vector.broadcast %sign3A_104 : i32 to vector<128x64xi32>
    %ne3A_105 = arith.cmpi ne, %sign3A_97, %ne3A : vector<128x64xi32>
    %rem3A = vector.broadcast %jit3A_88 : i32 to vector<128x64xi32>
    %rem3A_106 = arith.remsi %add3A_87, %rem3A : vector<128x64xi32>
    %ne3A_107 = arith.constant 0 : i32
    %ne3A_108 = vector.broadcast %ne3A_107 : i32 to vector<128x64xi32>
    %ne3A_109 = arith.cmpi ne, %rem3A_106, %ne3A_108 : vector<128x64xi32>
    %and3A_110 = arith.andi %ne3A_105, %ne3A_109 : vector<128x64xi1>
    %sub3A_111 = arith.constant 1 : i32
    %sub3A_112 = vector.broadcast %sub3A_111 : i32 to vector<128x64xi32>
    %sub3A_113 = arith.subi %div3A_89, %sub3A_112 : vector<128x64xi32>
    %select_n3A_114 = arith.select %and3A_110, %sub3A_113, %div3A_89 : vector<128x64xi1>, vector<128x64xi32>
    %min3A = arith.constant 31 : i32
    %min3A_115 = vector.broadcast %min3A : i32 to vector<128x64xi32>
    %min3A_116 = arith.minsi %select_n3A_114, %min3A_115 : vector<128x64xi32>
    %jit3A_117 = arith.constant 0 : i32
    %jit3A_118 = arith.constant 31 : i32
    %max3A = vector.broadcast %jit3A_117 : i32 to vector<128x64xi32>
    %max3A_119 = arith.maxsi %max3A, %min3A_116 : vector<128x64xi32>
    %min3A_120 = vector.broadcast %jit3A_118 : i32 to vector<128x64xi32>
    %min3A_121 = arith.minsi %min3A_120, %max3A_119 : vector<128x64xi32>
    %lt3A = arith.constant 0 : i32
    %lt3A_122 = vector.broadcast %lt3A : i32 to vector<128x64xi32>
    %lt3A_123 = arith.cmpi slt, %min3A_121, %lt3A_122 : vector<128x64xi32>
    %add3A_124 = arith.constant 32 : i32
    %add3A_125 = vector.broadcast %add3A_124 : i32 to vector<128x64xi32>
    %add3A_126 = arith.addi %min3A_121, %add3A_125 : vector<128x64xi32>
    %select_n3A_127 = arith.select %lt3A_123, %add3A_126, %min3A_121 : vector<128x64xi1>, vector<128x64xi32>
    %reshape3A = vector.shape_cast %select_n3A_127 : vector<128x64xi32> to vector<128x64x1xi32>
    %gather3A = vector.shape_cast %reshape3A : vector<128x64x1xi32> to vector<128x64xi32>
    %gather3A_128 = tpu.dynamic_gather %add3A_78[%gather3A] in [1] : vector<128x32xi32>, vector<128x64xi32> -> vector<128x64xi32>
    %lt3A_129 = arith.cmpi slt, %gather3A_128, %add3A_82 : vector<128x64xi32>
    %add3A_130 = arith.constant 1 : i32
    %add3A_131 = vector.broadcast %add3A_130 : i32 to vector<128x64xi32>
    %add3A_132 = arith.addi %select_n3A_114, %add3A_131 : vector<128x64xi32>
    %select_n3A_133 = arith.select %lt3A_129, %add3A_132, %broadcast_in_dim3A_84 : vector<128x64xi1>, vector<128x64xi32>
    %select_n3A_134 = arith.select %lt3A_129, %broadcast_in_dim3A_86, %select_n3A_114 : vector<128x64xi1>, vector<128x64xi32>
    %add3A_135 = arith.addi %select_n3A_133, %select_n3A_134 : vector<128x64xi32>
    %jit3A_136 = arith.constant 2 : i32
    %div3A_137 = vector.broadcast %jit3A_136 : i32 to vector<128x64xi32>
    %div3A_138 = arith.divsi %add3A_135, %div3A_137 : vector<128x64xi32>
    %sign3A_139 = arith.constant 0 : i32
    %sign3A_140 = vector.broadcast %sign3A_139 : i32 to vector<128x64xi32>
    %sign3A_141 = arith.cmpi sgt, %add3A_135, %sign3A_140 : vector<128x64xi32>
    %sign3A_142 = arith.extui %sign3A_141 : vector<128x64xi1> to vector<128x64xi32>
    %sign3A_143 = arith.constant 0 : i32
    %sign3A_144 = vector.broadcast %sign3A_143 : i32 to vector<128x64xi32>
    %sign3A_145 = arith.cmpi slt, %add3A_135, %sign3A_144 : vector<128x64xi32>
    %sign3A_146 = arith.extui %sign3A_145 : vector<128x64xi1> to vector<128x64xi32>
    %sign3A_147 = arith.subi %sign3A_142, %sign3A_146 : vector<128x64xi32>
    %sign3A_148 = arith.constant 0 : i32
    %sign3A_149 = arith.cmpi sgt, %jit3A_136, %sign3A_148 : i32
    %sign3A_150 = arith.extui %sign3A_149 : i1 to i32
    %sign3A_151 = arith.constant 0 : i32
    %sign3A_152 = arith.cmpi slt, %jit3A_136, %sign3A_151 : i32
    %sign3A_153 = arith.extui %sign3A_152 : i1 to i32
    %sign3A_154 = arith.subi %sign3A_150, %sign3A_153 : i32
    %ne3A_155 = vector.broadcast %sign3A_154 : i32 to vector<128x64xi32>
    %ne3A_156 = arith.cmpi ne, %sign3A_147, %ne3A_155 : vector<128x64xi32>
    %rem3A_157 = vector.broadcast %jit3A_136 : i32 to vector<128x64xi32>
    %rem3A_158 = arith.remsi %add3A_135, %rem3A_157 : vector<128x64xi32>
    %ne3A_159 = arith.constant 0 : i32
    %ne3A_160 = vector.broadcast %ne3A_159 : i32 to vector<128x64xi32>
    %ne3A_161 = arith.cmpi ne, %rem3A_158, %ne3A_160 : vector<128x64xi32>
    %and3A_162 = arith.andi %ne3A_156, %ne3A_161 : vector<128x64xi1>
    %sub3A_163 = arith.constant 1 : i32
    %sub3A_164 = vector.broadcast %sub3A_163 : i32 to vector<128x64xi32>
    %sub3A_165 = arith.subi %div3A_138, %sub3A_164 : vector<128x64xi32>
    %select_n3A_166 = arith.select %and3A_162, %sub3A_165, %div3A_138 : vector<128x64xi1>, vector<128x64xi32>
    %min3A_167 = arith.constant 31 : i32
    %min3A_168 = vector.broadcast %min3A_167 : i32 to vector<128x64xi32>
    %min3A_169 = arith.minsi %select_n3A_166, %min3A_168 : vector<128x64xi32>
    %jit3A_170 = arith.constant 0 : i32
    %jit3A_171 = arith.constant 31 : i32
    %max3A_172 = vector.broadcast %jit3A_170 : i32 to vector<128x64xi32>
    %max3A_173 = arith.maxsi %max3A_172, %min3A_169 : vector<128x64xi32>
    %min3A_174 = vector.broadcast %jit3A_171 : i32 to vector<128x64xi32>
    %min3A_175 = arith.minsi %min3A_174, %max3A_173 : vector<128x64xi32>
    %lt3A_176 = arith.constant 0 : i32
    %lt3A_177 = vector.broadcast %lt3A_176 : i32 to vector<128x64xi32>
    %lt3A_178 = arith.cmpi slt, %min3A_175, %lt3A_177 : vector<128x64xi32>
    %add3A_179 = arith.constant 32 : i32
    %add3A_180 = vector.broadcast %add3A_179 : i32 to vector<128x64xi32>
    %add3A_181 = arith.addi %min3A_175, %add3A_180 : vector<128x64xi32>
    %select_n3A_182 = arith.select %lt3A_178, %add3A_181, %min3A_175 : vector<128x64xi1>, vector<128x64xi32>
    %reshape3A_183 = vector.shape_cast %select_n3A_182 : vector<128x64xi32> to vector<128x64x1xi32>
    %gather3A_184 = vector.shape_cast %reshape3A_183 : vector<128x64x1xi32> to vector<128x64xi32>
    %gather3A_185 = tpu.dynamic_gather %add3A_78[%gather3A_184] in [1] : vector<128x32xi32>, vector<128x64xi32> -> vector<128x64xi32>
    %lt3A_186 = arith.cmpi slt, %gather3A_185, %add3A_82 : vector<128x64xi32>
    %add3A_187 = arith.constant 1 : i32
    %add3A_188 = vector.broadcast %add3A_187 : i32 to vector<128x64xi32>
    %add3A_189 = arith.addi %select_n3A_166, %add3A_188 : vector<128x64xi32>
    %select_n3A_190 = arith.select %lt3A_186, %add3A_189, %select_n3A_133 : vector<128x64xi1>, vector<128x64xi32>
    %select_n3A_191 = arith.select %lt3A_186, %select_n3A_134, %select_n3A_166 : vector<128x64xi1>, vector<128x64xi32>
    %add3A_192 = arith.addi %select_n3A_190, %select_n3A_191 : vector<128x64xi32>
    %jit3A_193 = arith.constant 2 : i32
    %div3A_194 = vector.broadcast %jit3A_193 : i32 to vector<128x64xi32>
    %div3A_195 = arith.divsi %add3A_192, %div3A_194 : vector<128x64xi32>
    %sign3A_196 = arith.constant 0 : i32
    %sign3A_197 = vector.broadcast %sign3A_196 : i32 to vector<128x64xi32>
    %sign3A_198 = arith.cmpi sgt, %add3A_192, %sign3A_197 : vector<128x64xi32>
    %sign3A_199 = arith.extui %sign3A_198 : vector<128x64xi1> to vector<128x64xi32>
    %sign3A_200 = arith.constant 0 : i32
    %sign3A_201 = vector.broadcast %sign3A_200 : i32 to vector<128x64xi32>
    %sign3A_202 = arith.cmpi slt, %add3A_192, %sign3A_201 : vector<128x64xi32>
    %sign3A_203 = arith.extui %sign3A_202 : vector<128x64xi1> to vector<128x64xi32>
    %sign3A_204 = arith.subi %sign3A_199, %sign3A_203 : vector<128x64xi32>
    %sign3A_205 = arith.constant 0 : i32
    %sign3A_206 = arith.cmpi sgt, %jit3A_193, %sign3A_205 : i32
    %sign3A_207 = arith.extui %sign3A_206 : i1 to i32
    %sign3A_208 = arith.constant 0 : i32
    %sign3A_209 = arith.cmpi slt, %jit3A_193, %sign3A_208 : i32
    %sign3A_210 = arith.extui %sign3A_209 : i1 to i32
    %sign3A_211 = arith.subi %sign3A_207, %sign3A_210 : i32
    %ne3A_212 = vector.broadcast %sign3A_211 : i32 to vector<128x64xi32>
    %ne3A_213 = arith.cmpi ne, %sign3A_204, %ne3A_212 : vector<128x64xi32>
    %rem3A_214 = vector.broadcast %jit3A_193 : i32 to vector<128x64xi32>
    %rem3A_215 = arith.remsi %add3A_192, %rem3A_214 : vector<128x64xi32>
    %ne3A_216 = arith.constant 0 : i32
    %ne3A_217 = vector.broadcast %ne3A_216 : i32 to vector<128x64xi32>
    %ne3A_218 = arith.cmpi ne, %rem3A_215, %ne3A_217 : vector<128x64xi32>
    %and3A_219 = arith.andi %ne3A_213, %ne3A_218 : vector<128x64xi1>
    %sub3A_220 = arith.constant 1 : i32
    %sub3A_221 = vector.broadcast %sub3A_220 : i32 to vector<128x64xi32>
    %sub3A_222 = arith.subi %div3A_195, %sub3A_221 : vector<128x64xi32>
    %select_n3A_223 = arith.select %and3A_219, %sub3A_222, %div3A_195 : vector<128x64xi1>, vector<128x64xi32>
    %min3A_224 = arith.constant 31 : i32
    %min3A_225 = vector.broadcast %min3A_224 : i32 to vector<128x64xi32>
    %min3A_226 = arith.minsi %select_n3A_223, %min3A_225 : vector<128x64xi32>
    %jit3A_227 = arith.constant 0 : i32
    %jit3A_228 = arith.constant 31 : i32
    %max3A_229 = vector.broadcast %jit3A_227 : i32 to vector<128x64xi32>
    %max3A_230 = arith.maxsi %max3A_229, %min3A_226 : vector<128x64xi32>
    %min3A_231 = vector.broadcast %jit3A_228 : i32 to vector<128x64xi32>
    %min3A_232 = arith.minsi %min3A_231, %max3A_230 : vector<128x64xi32>
    %lt3A_233 = arith.constant 0 : i32
    %lt3A_234 = vector.broadcast %lt3A_233 : i32 to vector<128x64xi32>
    %lt3A_235 = arith.cmpi slt, %min3A_232, %lt3A_234 : vector<128x64xi32>
    %add3A_236 = arith.constant 32 : i32
    %add3A_237 = vector.broadcast %add3A_236 : i32 to vector<128x64xi32>
    %add3A_238 = arith.addi %min3A_232, %add3A_237 : vector<128x64xi32>
    %select_n3A_239 = arith.select %lt3A_235, %add3A_238, %min3A_232 : vector<128x64xi1>, vector<128x64xi32>
    %reshape3A_240 = vector.shape_cast %select_n3A_239 : vector<128x64xi32> to vector<128x64x1xi32>
    %gather3A_241 = vector.shape_cast %reshape3A_240 : vector<128x64x1xi32> to vector<128x64xi32>
    %gather3A_242 = tpu.dynamic_gather %add3A_78[%gather3A_241] in [1] : vector<128x32xi32>, vector<128x64xi32> -> vector<128x64xi32>
    %lt3A_243 = arith.cmpi slt, %gather3A_242, %add3A_82 : vector<128x64xi32>
    %add3A_244 = arith.constant 1 : i32
    %add3A_245 = vector.broadcast %add3A_244 : i32 to vector<128x64xi32>
    %add3A_246 = arith.addi %select_n3A_223, %add3A_245 : vector<128x64xi32>
    %select_n3A_247 = arith.select %lt3A_243, %add3A_246, %select_n3A_190 : vector<128x64xi1>, vector<128x64xi32>
    %select_n3A_248 = arith.select %lt3A_243, %select_n3A_191, %select_n3A_223 : vector<128x64xi1>, vector<128x64xi32>
    %add3A_249 = arith.addi %select_n3A_247, %select_n3A_248 : vector<128x64xi32>
    %jit3A_250 = arith.constant 2 : i32
    %div3A_251 = vector.broadcast %jit3A_250 : i32 to vector<128x64xi32>
    %div3A_252 = arith.divsi %add3A_249, %div3A_251 : vector<128x64xi32>
    %sign3A_253 = arith.constant 0 : i32
    %sign3A_254 = vector.broadcast %sign3A_253 : i32 to vector<128x64xi32>
    %sign3A_255 = arith.cmpi sgt, %add3A_249, %sign3A_254 : vector<128x64xi32>
    %sign3A_256 = arith.extui %sign3A_255 : vector<128x64xi1> to vector<128x64xi32>
    %sign3A_257 = arith.constant 0 : i32
    %sign3A_258 = vector.broadcast %sign3A_257 : i32 to vector<128x64xi32>
    %sign3A_259 = arith.cmpi slt, %add3A_249, %sign3A_258 : vector<128x64xi32>
    %sign3A_260 = arith.extui %sign3A_259 : vector<128x64xi1> to vector<128x64xi32>
    %sign3A_261 = arith.subi %sign3A_256, %sign3A_260 : vector<128x64xi32>
    %sign3A_262 = arith.constant 0 : i32
    %sign3A_263 = arith.cmpi sgt, %jit3A_250, %sign3A_262 : i32
    %sign3A_264 = arith.extui %sign3A_263 : i1 to i32
    %sign3A_265 = arith.constant 0 : i32
    %sign3A_266 = arith.cmpi slt, %jit3A_250, %sign3A_265 : i32
    %sign3A_267 = arith.extui %sign3A_266 : i1 to i32
    %sign3A_268 = arith.subi %sign3A_264, %sign3A_267 : i32
    %ne3A_269 = vector.broadcast %sign3A_268 : i32 to vector<128x64xi32>
    %ne3A_270 = arith.cmpi ne, %sign3A_261, %ne3A_269 : vector<128x64xi32>
    %rem3A_271 = vector.broadcast %jit3A_250 : i32 to vector<128x64xi32>
    %rem3A_272 = arith.remsi %add3A_249, %rem3A_271 : vector<128x64xi32>
    %ne3A_273 = arith.constant 0 : i32
    %ne3A_274 = vector.broadcast %ne3A_273 : i32 to vector<128x64xi32>
    %ne3A_275 = arith.cmpi ne, %rem3A_272, %ne3A_274 : vector<128x64xi32>
    %and3A_276 = arith.andi %ne3A_270, %ne3A_275 : vector<128x64xi1>
    %sub3A_277 = arith.constant 1 : i32
    %sub3A_278 = vector.broadcast %sub3A_277 : i32 to vector<128x64xi32>
    %sub3A_279 = arith.subi %div3A_252, %sub3A_278 : vector<128x64xi32>
    %select_n3A_280 = arith.select %and3A_276, %sub3A_279, %div3A_252 : vector<128x64xi1>, vector<128x64xi32>
    %min3A_281 = arith.constant 31 : i32
    %min3A_282 = vector.broadcast %min3A_281 : i32 to vector<128x64xi32>
    %min3A_283 = arith.minsi %select_n3A_280, %min3A_282 : vector<128x64xi32>
    %jit3A_284 = arith.constant 0 : i32
    %jit3A_285 = arith.constant 31 : i32
    %max3A_286 = vector.broadcast %jit3A_284 : i32 to vector<128x64xi32>
    %max3A_287 = arith.maxsi %max3A_286, %min3A_283 : vector<128x64xi32>
    %min3A_288 = vector.broadcast %jit3A_285 : i32 to vector<128x64xi32>
    %min3A_289 = arith.minsi %min3A_288, %max3A_287 : vector<128x64xi32>
    %lt3A_290 = arith.constant 0 : i32
    %lt3A_291 = vector.broadcast %lt3A_290 : i32 to vector<128x64xi32>
    %lt3A_292 = arith.cmpi slt, %min3A_289, %lt3A_291 : vector<128x64xi32>
    %add3A_293 = arith.constant 32 : i32
    %add3A_294 = vector.broadcast %add3A_293 : i32 to vector<128x64xi32>
    %add3A_295 = arith.addi %min3A_289, %add3A_294 : vector<128x64xi32>
    %select_n3A_296 = arith.select %lt3A_292, %add3A_295, %min3A_289 : vector<128x64xi1>, vector<128x64xi32>
    %reshape3A_297 = vector.shape_cast %select_n3A_296 : vector<128x64xi32> to vector<128x64x1xi32>
    %gather3A_298 = vector.shape_cast %reshape3A_297 : vector<128x64x1xi32> to vector<128x64xi32>
    %gather3A_299 = tpu.dynamic_gather %add3A_78[%gather3A_298] in [1] : vector<128x32xi32>, vector<128x64xi32> -> vector<128x64xi32>
    %lt3A_300 = arith.cmpi slt, %gather3A_299, %add3A_82 : vector<128x64xi32>
    %add3A_301 = arith.constant 1 : i32
    %add3A_302 = vector.broadcast %add3A_301 : i32 to vector<128x64xi32>
    %add3A_303 = arith.addi %select_n3A_280, %add3A_302 : vector<128x64xi32>
    %select_n3A_304 = arith.select %lt3A_300, %add3A_303, %select_n3A_247 : vector<128x64xi1>, vector<128x64xi32>
    %select_n3A_305 = arith.select %lt3A_300, %select_n3A_248, %select_n3A_280 : vector<128x64xi1>, vector<128x64xi32>
    %add3A_306 = arith.addi %select_n3A_304, %select_n3A_305 : vector<128x64xi32>
    %jit3A_307 = arith.constant 2 : i32
    %div3A_308 = vector.broadcast %jit3A_307 : i32 to vector<128x64xi32>
    %div3A_309 = arith.divsi %add3A_306, %div3A_308 : vector<128x64xi32>
    %sign3A_310 = arith.constant 0 : i32
    %sign3A_311 = vector.broadcast %sign3A_310 : i32 to vector<128x64xi32>
    %sign3A_312 = arith.cmpi sgt, %add3A_306, %sign3A_311 : vector<128x64xi32>
    %sign3A_313 = arith.extui %sign3A_312 : vector<128x64xi1> to vector<128x64xi32>
    %sign3A_314 = arith.constant 0 : i32
    %sign3A_315 = vector.broadcast %sign3A_314 : i32 to vector<128x64xi32>
    %sign3A_316 = arith.cmpi slt, %add3A_306, %sign3A_315 : vector<128x64xi32>
    %sign3A_317 = arith.extui %sign3A_316 : vector<128x64xi1> to vector<128x64xi32>
    %sign3A_318 = arith.subi %sign3A_313, %sign3A_317 : vector<128x64xi32>
    %sign3A_319 = arith.constant 0 : i32
    %sign3A_320 = arith.cmpi sgt, %jit3A_307, %sign3A_319 : i32
    %sign3A_321 = arith.extui %sign3A_320 : i1 to i32
    %sign3A_322 = arith.constant 0 : i32
    %sign3A_323 = arith.cmpi slt, %jit3A_307, %sign3A_322 : i32
    %sign3A_324 = arith.extui %sign3A_323 : i1 to i32
    %sign3A_325 = arith.subi %sign3A_321, %sign3A_324 : i32
    %ne3A_326 = vector.broadcast %sign3A_325 : i32 to vector<128x64xi32>
    %ne3A_327 = arith.cmpi ne, %sign3A_318, %ne3A_326 : vector<128x64xi32>
    %rem3A_328 = vector.broadcast %jit3A_307 : i32 to vector<128x64xi32>
    %rem3A_329 = arith.remsi %add3A_306, %rem3A_328 : vector<128x64xi32>
    %ne3A_330 = arith.constant 0 : i32
    %ne3A_331 = vector.broadcast %ne3A_330 : i32 to vector<128x64xi32>
    %ne3A_332 = arith.cmpi ne, %rem3A_329, %ne3A_331 : vector<128x64xi32>
    %and3A_333 = arith.andi %ne3A_327, %ne3A_332 : vector<128x64xi1>
    %sub3A_334 = arith.constant 1 : i32
    %sub3A_335 = vector.broadcast %sub3A_334 : i32 to vector<128x64xi32>
    %sub3A_336 = arith.subi %div3A_309, %sub3A_335 : vector<128x64xi32>
    %select_n3A_337 = arith.select %and3A_333, %sub3A_336, %div3A_309 : vector<128x64xi1>, vector<128x64xi32>
    %min3A_338 = arith.constant 31 : i32
    %min3A_339 = vector.broadcast %min3A_338 : i32 to vector<128x64xi32>
    %min3A_340 = arith.minsi %select_n3A_337, %min3A_339 : vector<128x64xi32>
    %jit3A_341 = arith.constant 0 : i32
    %jit3A_342 = arith.constant 31 : i32
    %max3A_343 = vector.broadcast %jit3A_341 : i32 to vector<128x64xi32>
    %max3A_344 = arith.maxsi %max3A_343, %min3A_340 : vector<128x64xi32>
    %min3A_345 = vector.broadcast %jit3A_342 : i32 to vector<128x64xi32>
    %min3A_346 = arith.minsi %min3A_345, %max3A_344 : vector<128x64xi32>
    %lt3A_347 = arith.constant 0 : i32
    %lt3A_348 = vector.broadcast %lt3A_347 : i32 to vector<128x64xi32>
    %lt3A_349 = arith.cmpi slt, %min3A_346, %lt3A_348 : vector<128x64xi32>
    %add3A_350 = arith.constant 32 : i32
    %add3A_351 = vector.broadcast %add3A_350 : i32 to vector<128x64xi32>
    %add3A_352 = arith.addi %min3A_346, %add3A_351 : vector<128x64xi32>
    %select_n3A_353 = arith.select %lt3A_349, %add3A_352, %min3A_346 : vector<128x64xi1>, vector<128x64xi32>
    %reshape3A_354 = vector.shape_cast %select_n3A_353 : vector<128x64xi32> to vector<128x64x1xi32>
    %gather3A_355 = vector.shape_cast %reshape3A_354 : vector<128x64x1xi32> to vector<128x64xi32>
    %gather3A_356 = tpu.dynamic_gather %add3A_78[%gather3A_355] in [1] : vector<128x32xi32>, vector<128x64xi32> -> vector<128x64xi32>
    %lt3A_357 = arith.cmpi slt, %gather3A_356, %add3A_82 : vector<128x64xi32>
    %add3A_358 = arith.constant 1 : i32
    %add3A_359 = vector.broadcast %add3A_358 : i32 to vector<128x64xi32>
    %add3A_360 = arith.addi %select_n3A_337, %add3A_359 : vector<128x64xi32>
    %select_n3A_361 = arith.select %lt3A_357, %add3A_360, %select_n3A_304 : vector<128x64xi1>, vector<128x64xi32>
    %select_n3A_362 = arith.select %lt3A_357, %select_n3A_305, %select_n3A_337 : vector<128x64xi1>, vector<128x64xi32>
    %add3A_363 = arith.addi %select_n3A_361, %select_n3A_362 : vector<128x64xi32>
    %jit3A_364 = arith.constant 2 : i32
    %div3A_365 = vector.broadcast %jit3A_364 : i32 to vector<128x64xi32>
    %div3A_366 = arith.divsi %add3A_363, %div3A_365 : vector<128x64xi32>
    %sign3A_367 = arith.constant 0 : i32
    %sign3A_368 = vector.broadcast %sign3A_367 : i32 to vector<128x64xi32>
    %sign3A_369 = arith.cmpi sgt, %add3A_363, %sign3A_368 : vector<128x64xi32>
    %sign3A_370 = arith.extui %sign3A_369 : vector<128x64xi1> to vector<128x64xi32>
    %sign3A_371 = arith.constant 0 : i32
    %sign3A_372 = vector.broadcast %sign3A_371 : i32 to vector<128x64xi32>
    %sign3A_373 = arith.cmpi slt, %add3A_363, %sign3A_372 : vector<128x64xi32>
    %sign3A_374 = arith.extui %sign3A_373 : vector<128x64xi1> to vector<128x64xi32>
    %sign3A_375 = arith.subi %sign3A_370, %sign3A_374 : vector<128x64xi32>
    %sign3A_376 = arith.constant 0 : i32
    %sign3A_377 = arith.cmpi sgt, %jit3A_364, %sign3A_376 : i32
    %sign3A_378 = arith.extui %sign3A_377 : i1 to i32
    %sign3A_379 = arith.constant 0 : i32
    %sign3A_380 = arith.cmpi slt, %jit3A_364, %sign3A_379 : i32
    %sign3A_381 = arith.extui %sign3A_380 : i1 to i32
    %sign3A_382 = arith.subi %sign3A_378, %sign3A_381 : i32
    %ne3A_383 = vector.broadcast %sign3A_382 : i32 to vector<128x64xi32>
    %ne3A_384 = arith.cmpi ne, %sign3A_375, %ne3A_383 : vector<128x64xi32>
    %rem3A_385 = vector.broadcast %jit3A_364 : i32 to vector<128x64xi32>
    %rem3A_386 = arith.remsi %add3A_363, %rem3A_385 : vector<128x64xi32>
    %ne3A_387 = arith.constant 0 : i32
    %ne3A_388 = vector.broadcast %ne3A_387 : i32 to vector<128x64xi32>
    %ne3A_389 = arith.cmpi ne, %rem3A_386, %ne3A_388 : vector<128x64xi32>
    %and3A_390 = arith.andi %ne3A_384, %ne3A_389 : vector<128x64xi1>
    %sub3A_391 = arith.constant 1 : i32
    %sub3A_392 = vector.broadcast %sub3A_391 : i32 to vector<128x64xi32>
    %sub3A_393 = arith.subi %div3A_366, %sub3A_392 : vector<128x64xi32>
    %select_n3A_394 = arith.select %and3A_390, %sub3A_393, %div3A_366 : vector<128x64xi1>, vector<128x64xi32>
    %min3A_395 = arith.constant 31 : i32
    %min3A_396 = vector.broadcast %min3A_395 : i32 to vector<128x64xi32>
    %min3A_397 = arith.minsi %select_n3A_394, %min3A_396 : vector<128x64xi32>
    %jit3A_398 = arith.constant 0 : i32
    %jit3A_399 = arith.constant 31 : i32
    %max3A_400 = vector.broadcast %jit3A_398 : i32 to vector<128x64xi32>
    %max3A_401 = arith.maxsi %max3A_400, %min3A_397 : vector<128x64xi32>
    %min3A_402 = vector.broadcast %jit3A_399 : i32 to vector<128x64xi32>
    %min3A_403 = arith.minsi %min3A_402, %max3A_401 : vector<128x64xi32>
    %lt3A_404 = arith.constant 0 : i32
    %lt3A_405 = vector.broadcast %lt3A_404 : i32 to vector<128x64xi32>
    %lt3A_406 = arith.cmpi slt, %min3A_403, %lt3A_405 : vector<128x64xi32>
    %add3A_407 = arith.constant 32 : i32
    %add3A_408 = vector.broadcast %add3A_407 : i32 to vector<128x64xi32>
    %add3A_409 = arith.addi %min3A_403, %add3A_408 : vector<128x64xi32>
    %select_n3A_410 = arith.select %lt3A_406, %add3A_409, %min3A_403 : vector<128x64xi1>, vector<128x64xi32>
    %reshape3A_411 = vector.shape_cast %select_n3A_410 : vector<128x64xi32> to vector<128x64x1xi32>
    %gather3A_412 = vector.shape_cast %reshape3A_411 : vector<128x64x1xi32> to vector<128x64xi32>
    %gather3A_413 = tpu.dynamic_gather %add3A_78[%gather3A_412] in [1] : vector<128x32xi32>, vector<128x64xi32> -> vector<128x64xi32>
    %lt3A_414 = arith.cmpi slt, %gather3A_413, %add3A_82 : vector<128x64xi32>
    %add3A_415 = arith.constant 1 : i32
    %add3A_416 = vector.broadcast %add3A_415 : i32 to vector<128x64xi32>
    %add3A_417 = arith.addi %select_n3A_394, %add3A_416 : vector<128x64xi32>
    %select_n3A_418 = arith.select %lt3A_414, %add3A_417, %select_n3A_361 : vector<128x64xi1>, vector<128x64xi32>
    %min3A_419 = arith.constant 31 : i32
    %min3A_420 = vector.broadcast %min3A_419 : i32 to vector<128x64xi32>
    %min3A_421 = arith.minsi %select_n3A_418, %min3A_420 : vector<128x64xi32>
    %gt3A = arith.constant 0 : i32
    %gt3A_422 = vector.broadcast %gt3A : i32 to vector<128x64xi32>
    %gt3A_423 = arith.cmpi sgt, %min3A_421, %gt3A_422 : vector<128x64xi32>
    %sub3A_424 = arith.constant 1 : i32
    %sub3A_425 = vector.broadcast %sub3A_424 : i32 to vector<128x64xi32>
    %sub3A_426 = arith.subi %min3A_421, %sub3A_425 : vector<128x64xi32>
    %jit3A_427 = arith.constant 0 : i32
    %jit3A_428 = arith.constant 31 : i32
    %max3A_429 = vector.broadcast %jit3A_427 : i32 to vector<128x64xi32>
    %max3A_430 = arith.maxsi %max3A_429, %sub3A_426 : vector<128x64xi32>
    %min3A_431 = vector.broadcast %jit3A_428 : i32 to vector<128x64xi32>
    %min3A_432 = arith.minsi %min3A_431, %max3A_430 : vector<128x64xi32>
    %lt3A_433 = arith.constant 0 : i32
    %lt3A_434 = vector.broadcast %lt3A_433 : i32 to vector<128x64xi32>
    %lt3A_435 = arith.cmpi slt, %min3A_432, %lt3A_434 : vector<128x64xi32>
    %add3A_436 = arith.constant 32 : i32
    %add3A_437 = vector.broadcast %add3A_436 : i32 to vector<128x64xi32>
    %add3A_438 = arith.addi %min3A_432, %add3A_437 : vector<128x64xi32>
    %select_n3A_439 = arith.select %lt3A_435, %add3A_438, %min3A_432 : vector<128x64xi1>, vector<128x64xi32>
    %reshape3A_440 = vector.shape_cast %select_n3A_439 : vector<128x64xi32> to vector<128x64x1xi32>
    %gather3A_441 = vector.shape_cast %reshape3A_440 : vector<128x64x1xi32> to vector<128x64xi32>
    %gather3A_442 = tpu.dynamic_gather %add3A_78[%gather3A_441] in [1] : vector<128x32xi32>, vector<128x64xi32> -> vector<128x64xi32>
    %jit3A_443 = arith.constant 0 : i32
    %broadcast_in_dim3A_444 = vector.broadcast %jit3A_443 : i32 to vector<128x64xi32>
    %select_n3A_445 = arith.select %gt3A_423, %gather3A_442, %broadcast_in_dim3A_444 : vector<128x64xi1>, vector<128x64xi32>
    %sub3A_446 = arith.subi %add3A_82, %select_n3A_445 : vector<128x64xi32>
    %jit3A_447 = arith.constant 0 : i32
    %jit3A_448 = arith.constant 31 : i32
    %max3A_449 = vector.broadcast %jit3A_447 : i32 to vector<128x64xi32>
    %max3A_450 = arith.maxsi %max3A_449, %min3A_421 : vector<128x64xi32>
    %min3A_451 = vector.broadcast %jit3A_448 : i32 to vector<128x64xi32>
    %min3A_452 = arith.minsi %min3A_451, %max3A_450 : vector<128x64xi32>
    %lt3A_453 = arith.constant 0 : i32
    %lt3A_454 = vector.broadcast %lt3A_453 : i32 to vector<128x64xi32>
    %lt3A_455 = arith.cmpi slt, %min3A_452, %lt3A_454 : vector<128x64xi32>
    %add3A_456 = arith.constant 32 : i32
    %add3A_457 = vector.broadcast %add3A_456 : i32 to vector<128x64xi32>
    %add3A_458 = arith.addi %min3A_452, %add3A_457 : vector<128x64xi32>
    %select_n3A_459 = arith.select %lt3A_455, %add3A_458, %min3A_452 : vector<128x64xi1>, vector<128x64xi32>
    %reshape3A_460 = vector.shape_cast %select_n3A_459 : vector<128x64xi32> to vector<128x64x1xi32>
    %gather3A_461 = vector.shape_cast %reshape3A_460 : vector<128x64x1xi32> to vector<128x64xi32>
    %gather3A_462 = tpu.dynamic_gather %convert_element_type3A_11[%gather3A_461] in [1] : vector<128x32xi32>, vector<128x64xi32> -> vector<128x64xi32>
    %broadcast_in_dim3A_463 = arith.constant 0 : i32
    %broadcast_in_dim3A_464 = vector.broadcast %broadcast_in_dim3A_463 : i32 to vector<128x64xi32>
    %shift_right_arithmetic3A_465 = arith.shrsi %gather3A_462, %broadcast_in_dim3A_464 : vector<128x64xi32>
    %and3A_466 = arith.constant 255 : i32
    %and3A_467 = vector.broadcast %and3A_466 : i32 to vector<128x64xi32>
    %and3A_468 = arith.andi %shift_right_arithmetic3A_465, %and3A_467 : vector<128x64xi32>
    %shift_right_arithmetic3A_469 = arith.constant 1 : i32
    %shift_right_arithmetic3A_470 = vector.broadcast %shift_right_arithmetic3A_469 : i32 to vector<128x64xi32>
    %shift_right_arithmetic3A_471 = arith.shrsi %and3A_468, %shift_right_arithmetic3A_470 : vector<128x64xi32>
    %and3A_472 = arith.constant 21845 : i32
    %and3A_473 = vector.broadcast %and3A_472 : i32 to vector<128x64xi32>
    %and3A_474 = arith.andi %shift_right_arithmetic3A_471, %and3A_473 : vector<128x64xi32>
    %sub3A_475 = arith.subi %and3A_468, %and3A_474 : vector<128x64xi32>
    %and3A_476 = arith.constant 13107 : i32
    %and3A_477 = vector.broadcast %and3A_476 : i32 to vector<128x64xi32>
    %and3A_478 = arith.andi %sub3A_475, %and3A_477 : vector<128x64xi32>
    %shift_right_arithmetic3A_479 = arith.constant 2 : i32
    %shift_right_arithmetic3A_480 = vector.broadcast %shift_right_arithmetic3A_479 : i32 to vector<128x64xi32>
    %shift_right_arithmetic3A_481 = arith.shrsi %sub3A_475, %shift_right_arithmetic3A_480 : vector<128x64xi32>
    %and3A_482 = arith.constant 13107 : i32
    %and3A_483 = vector.broadcast %and3A_482 : i32 to vector<128x64xi32>
    %and3A_484 = arith.andi %shift_right_arithmetic3A_481, %and3A_483 : vector<128x64xi32>
    %add3A_485 = arith.addi %and3A_478, %and3A_484 : vector<128x64xi32>
    %shift_right_arithmetic3A_486 = arith.constant 4 : i32
    %shift_right_arithmetic3A_487 = vector.broadcast %shift_right_arithmetic3A_486 : i32 to vector<128x64xi32>
    %shift_right_arithmetic3A_488 = arith.shrsi %add3A_485, %shift_right_arithmetic3A_487 : vector<128x64xi32>
    %add3A_489 = arith.addi %add3A_485, %shift_right_arithmetic3A_488 : vector<128x64xi32>
    %and3A_490 = arith.constant 15 : i32
    %and3A_491 = vector.broadcast %and3A_490 : i32 to vector<128x64xi32>
    %and3A_492 = arith.andi %add3A_489, %and3A_491 : vector<128x64xi32>
    %lt3A_493 = arith.cmpi slt, %and3A_492, %sub3A_446 : vector<128x64xi32>
    %convert_element_type3A_494 = arith.extui %lt3A_493 : vector<128x64xi1> to vector<128x64xi32>
    %mul3A = arith.constant 8 : i32
    %mul3A_495 = vector.broadcast %mul3A : i32 to vector<128x64xi32>
    %mul3A_496 = arith.muli %mul3A_495, %convert_element_type3A_494 : vector<128x64xi32>
    %add3A_497 = arith.addi %broadcast_in_dim3A_464, %mul3A_496 : vector<128x64xi32>
    %mul3A_498 = arith.muli %and3A_492, %convert_element_type3A_494 : vector<128x64xi32>
    %sub3A_499 = arith.subi %sub3A_446, %mul3A_498 : vector<128x64xi32>
    %shift_right_arithmetic3A_500 = arith.shrsi %gather3A_462, %add3A_497 : vector<128x64xi32>
    %and3A_501 = arith.constant 15 : i32
    %and3A_502 = vector.broadcast %and3A_501 : i32 to vector<128x64xi32>
    %and3A_503 = arith.andi %shift_right_arithmetic3A_500, %and3A_502 : vector<128x64xi32>
    %shift_right_arithmetic3A_504 = arith.constant 1 : i32
    %shift_right_arithmetic3A_505 = vector.broadcast %shift_right_arithmetic3A_504 : i32 to vector<128x64xi32>
    %shift_right_arithmetic3A_506 = arith.shrsi %and3A_503, %shift_right_arithmetic3A_505 : vector<128x64xi32>
    %and3A_507 = arith.constant 21845 : i32
    %and3A_508 = vector.broadcast %and3A_507 : i32 to vector<128x64xi32>
    %and3A_509 = arith.andi %shift_right_arithmetic3A_506, %and3A_508 : vector<128x64xi32>
    %sub3A_510 = arith.subi %and3A_503, %and3A_509 : vector<128x64xi32>
    %and3A_511 = arith.constant 13107 : i32
    %and3A_512 = vector.broadcast %and3A_511 : i32 to vector<128x64xi32>
    %and3A_513 = arith.andi %sub3A_510, %and3A_512 : vector<128x64xi32>
    %shift_right_arithmetic3A_514 = arith.constant 2 : i32
    %shift_right_arithmetic3A_515 = vector.broadcast %shift_right_arithmetic3A_514 : i32 to vector<128x64xi32>
    %shift_right_arithmetic3A_516 = arith.shrsi %sub3A_510, %shift_right_arithmetic3A_515 : vector<128x64xi32>
    %and3A_517 = arith.constant 13107 : i32
    %and3A_518 = vector.broadcast %and3A_517 : i32 to vector<128x64xi32>
    %and3A_519 = arith.andi %shift_right_arithmetic3A_516, %and3A_518 : vector<128x64xi32>
    %add3A_520 = arith.addi %and3A_513, %and3A_519 : vector<128x64xi32>
    %shift_right_arithmetic3A_521 = arith.constant 4 : i32
    %shift_right_arithmetic3A_522 = vector.broadcast %shift_right_arithmetic3A_521 : i32 to vector<128x64xi32>
    %shift_right_arithmetic3A_523 = arith.shrsi %add3A_520, %shift_right_arithmetic3A_522 : vector<128x64xi32>
    %add3A_524 = arith.addi %add3A_520, %shift_right_arithmetic3A_523 : vector<128x64xi32>
    %and3A_525 = arith.constant 15 : i32
    %and3A_526 = vector.broadcast %and3A_525 : i32 to vector<128x64xi32>
    %and3A_527 = arith.andi %add3A_524, %and3A_526 : vector<128x64xi32>
    %lt3A_528 = arith.cmpi slt, %and3A_527, %sub3A_499 : vector<128x64xi32>
    %convert_element_type3A_529 = arith.extui %lt3A_528 : vector<128x64xi1> to vector<128x64xi32>
    %mul3A_530 = arith.constant 4 : i32
    %mul3A_531 = vector.broadcast %mul3A_530 : i32 to vector<128x64xi32>
    %mul3A_532 = arith.muli %mul3A_531, %convert_element_type3A_529 : vector<128x64xi32>
    %add3A_533 = arith.addi %add3A_497, %mul3A_532 : vector<128x64xi32>
    %mul3A_534 = arith.muli %and3A_527, %convert_element_type3A_529 : vector<128x64xi32>
    %sub3A_535 = arith.subi %sub3A_499, %mul3A_534 : vector<128x64xi32>
    %shift_right_arithmetic3A_536 = arith.shrsi %gather3A_462, %add3A_533 : vector<128x64xi32>
    %and3A_537 = arith.constant 3 : i32
    %and3A_538 = vector.broadcast %and3A_537 : i32 to vector<128x64xi32>
    %and3A_539 = arith.andi %shift_right_arithmetic3A_536, %and3A_538 : vector<128x64xi32>
    %shift_right_arithmetic3A_540 = arith.constant 1 : i32
    %shift_right_arithmetic3A_541 = vector.broadcast %shift_right_arithmetic3A_540 : i32 to vector<128x64xi32>
    %shift_right_arithmetic3A_542 = arith.shrsi %and3A_539, %shift_right_arithmetic3A_541 : vector<128x64xi32>
    %and3A_543 = arith.constant 21845 : i32
    %and3A_544 = vector.broadcast %and3A_543 : i32 to vector<128x64xi32>
    %and3A_545 = arith.andi %shift_right_arithmetic3A_542, %and3A_544 : vector<128x64xi32>
    %sub3A_546 = arith.subi %and3A_539, %and3A_545 : vector<128x64xi32>
    %and3A_547 = arith.constant 13107 : i32
    %and3A_548 = vector.broadcast %and3A_547 : i32 to vector<128x64xi32>
    %and3A_549 = arith.andi %sub3A_546, %and3A_548 : vector<128x64xi32>
    %shift_right_arithmetic3A_550 = arith.constant 2 : i32
    %shift_right_arithmetic3A_551 = vector.broadcast %shift_right_arithmetic3A_550 : i32 to vector<128x64xi32>
    %shift_right_arithmetic3A_552 = arith.shrsi %sub3A_546, %shift_right_arithmetic3A_551 : vector<128x64xi32>
    %and3A_553 = arith.constant 13107 : i32
    %and3A_554 = vector.broadcast %and3A_553 : i32 to vector<128x64xi32>
    %and3A_555 = arith.andi %shift_right_arithmetic3A_552, %and3A_554 : vector<128x64xi32>
    %add3A_556 = arith.addi %and3A_549, %and3A_555 : vector<128x64xi32>
    %shift_right_arithmetic3A_557 = arith.constant 4 : i32
    %shift_right_arithmetic3A_558 = vector.broadcast %shift_right_arithmetic3A_557 : i32 to vector<128x64xi32>
    %shift_right_arithmetic3A_559 = arith.shrsi %add3A_556, %shift_right_arithmetic3A_558 : vector<128x64xi32>
    %add3A_560 = arith.addi %add3A_556, %shift_right_arithmetic3A_559 : vector<128x64xi32>
    %and3A_561 = arith.constant 15 : i32
    %and3A_562 = vector.broadcast %and3A_561 : i32 to vector<128x64xi32>
    %and3A_563 = arith.andi %add3A_560, %and3A_562 : vector<128x64xi32>
    %lt3A_564 = arith.cmpi slt, %and3A_563, %sub3A_535 : vector<128x64xi32>
    %convert_element_type3A_565 = arith.extui %lt3A_564 : vector<128x64xi1> to vector<128x64xi32>
    %mul3A_566 = arith.constant 2 : i32
    %mul3A_567 = vector.broadcast %mul3A_566 : i32 to vector<128x64xi32>
    %mul3A_568 = arith.muli %mul3A_567, %convert_element_type3A_565 : vector<128x64xi32>
    %add3A_569 = arith.addi %add3A_533, %mul3A_568 : vector<128x64xi32>
    %mul3A_570 = arith.muli %and3A_563, %convert_element_type3A_565 : vector<128x64xi32>
    %sub3A_571 = arith.subi %sub3A_535, %mul3A_570 : vector<128x64xi32>
    %shift_right_arithmetic3A_572 = arith.shrsi %gather3A_462, %add3A_569 : vector<128x64xi32>
    %and3A_573 = arith.constant 1 : i32
    %and3A_574 = vector.broadcast %and3A_573 : i32 to vector<128x64xi32>
    %and3A_575 = arith.andi %shift_right_arithmetic3A_572, %and3A_574 : vector<128x64xi32>
    %shift_right_arithmetic3A_576 = arith.constant 1 : i32
    %shift_right_arithmetic3A_577 = vector.broadcast %shift_right_arithmetic3A_576 : i32 to vector<128x64xi32>
    %shift_right_arithmetic3A_578 = arith.shrsi %and3A_575, %shift_right_arithmetic3A_577 : vector<128x64xi32>
    %and3A_579 = arith.constant 21845 : i32
    %and3A_580 = vector.broadcast %and3A_579 : i32 to vector<128x64xi32>
    %and3A_581 = arith.andi %shift_right_arithmetic3A_578, %and3A_580 : vector<128x64xi32>
    %sub3A_582 = arith.subi %and3A_575, %and3A_581 : vector<128x64xi32>
    %and3A_583 = arith.constant 13107 : i32
    %and3A_584 = vector.broadcast %and3A_583 : i32 to vector<128x64xi32>
    %and3A_585 = arith.andi %sub3A_582, %and3A_584 : vector<128x64xi32>
    %shift_right_arithmetic3A_586 = arith.constant 2 : i32
    %shift_right_arithmetic3A_587 = vector.broadcast %shift_right_arithmetic3A_586 : i32 to vector<128x64xi32>
    %shift_right_arithmetic3A_588 = arith.shrsi %sub3A_582, %shift_right_arithmetic3A_587 : vector<128x64xi32>
    %and3A_589 = arith.constant 13107 : i32
    %and3A_590 = vector.broadcast %and3A_589 : i32 to vector<128x64xi32>
    %and3A_591 = arith.andi %shift_right_arithmetic3A_588, %and3A_590 : vector<128x64xi32>
    %add3A_592 = arith.addi %and3A_585, %and3A_591 : vector<128x64xi32>
    %shift_right_arithmetic3A_593 = arith.constant 4 : i32
    %shift_right_arithmetic3A_594 = vector.broadcast %shift_right_arithmetic3A_593 : i32 to vector<128x64xi32>
    %shift_right_arithmetic3A_595 = arith.shrsi %add3A_592, %shift_right_arithmetic3A_594 : vector<128x64xi32>
    %add3A_596 = arith.addi %add3A_592, %shift_right_arithmetic3A_595 : vector<128x64xi32>
    %and3A_597 = arith.constant 15 : i32
    %and3A_598 = vector.broadcast %and3A_597 : i32 to vector<128x64xi32>
    %and3A_599 = arith.andi %add3A_596, %and3A_598 : vector<128x64xi32>
    %lt3A_600 = arith.cmpi slt, %and3A_599, %sub3A_571 : vector<128x64xi32>
    %convert_element_type3A_601 = arith.extui %lt3A_600 : vector<128x64xi1> to vector<128x64xi32>
    %mul3A_602 = arith.constant 1 : i32
    %mul3A_603 = vector.broadcast %mul3A_602 : i32 to vector<128x64xi32>
    %mul3A_604 = arith.muli %mul3A_603, %convert_element_type3A_601 : vector<128x64xi32>
    %add3A_605 = arith.addi %add3A_569, %mul3A_604 : vector<128x64xi32>
    %mul3A_606 = arith.constant 16 : i32
    %mul3A_607 = vector.broadcast %mul3A_606 : i32 to vector<128x64xi32>
    %mul3A_608 = arith.muli %min3A_421, %mul3A_607 : vector<128x64xi32>
    %add3A_609 = arith.addi %mul3A_608, %add3A_605 : vector<128x64xi32>
    %slice3A = vector.extract_strided_slice %add3A_78 {offsets = [0, 31], sizes = [128, 1], strides = [1, 1]} : vector<128x32xi32> to vector<128x1xi32>
    %slice3A_610 = vector.extract_strided_slice %add3A_609 {offsets = [0, 0], sizes = [128, 1], strides = [1, 1]} : vector<128x64xi32> to vector<128x1xi32>
    %le3A_611 = vector.broadcast %slice3A : vector<128x1xi32> to vector<128x64xi32>
    %le3A_612 = arith.cmpi sle, %add3A_82, %le3A_611 : vector<128x64xi32>
    %broadcast_in_dim3A_613 = vector.shape_cast %slice3A_610 : vector<128x1xi32> to vector<128x1xi32>
    %broadcast_in_dim3A_614 = vector.broadcast %broadcast_in_dim3A_613 : vector<128x1xi32> to vector<128x64xi32>
    %select_n3A_615 = arith.select %le3A_612, %add3A_609, %broadcast_in_dim3A_614 : vector<128x64xi1>, vector<128x64xi32>
    %gt3A_616 = arith.constant 0 : i32
    %gt3A_617 = vector.broadcast %gt3A_616 : i32 to vector<128x1xi32>
    %gt3A_618 = arith.cmpi sgt, %slice3A, %gt3A_617 : vector<128x1xi32>
    %jit3A_619 = arith.constant 512 : i32
    %broadcast_in_dim3A_620 = vector.shape_cast %gt3A_618 : vector<128x1xi1> to vector<128x1xi1>
    %broadcast_in_dim3A_621 = vector.broadcast %broadcast_in_dim3A_620 : vector<128x1xi1> to vector<128x64xi1>
    %broadcast_in_dim3A_622 = vector.broadcast %jit3A_619 : i32 to vector<128x64xi32>
    %select_n3A_623 = arith.select %broadcast_in_dim3A_621, %select_n3A_615, %broadcast_in_dim3A_622 : vector<128x64xi1>, vector<128x64xi32>
    %swap3A = arith.constant 0 : index
    %swap3A_624 = arith.constant 0 : index
    %swap3A_625 = arith.constant 0 : index
    %swap3A_626 = vector.load %arg4[%swap3A, %swap3A_624, %swap3A_625] : memref<1x128x64xi32, #tpu.memory_space<vmem>>, vector<1x128x64xi32>
    %swap3A_627 = vector.shape_cast %swap3A_626 : vector<1x128x64xi32> to vector<128x64xi32>
    %swap3A_628 = vector.shape_cast %select_n3A_623 : vector<128x64xi32> to vector<1x128x64xi32>
    tpu.vector_store %arg4[%swap3A, %swap3A_624, %swap3A_625], %swap3A_628 {strides = array<i32>} : memref<1x128x64xi32, #tpu.memory_space<vmem>>, vector<1x128x64xi32>,
    return
  }
  func.func @transform_0(%arg0: i32, %arg1: i32) -> (i32, i32, i32) {
    %c0_i32 = arith.constant 0 : i32
    %c0_i32_0 = arith.constant 0 : i32
    return %arg0, %arg1, %c0_i32 : i32, i32, i32
  }
  func.func @transform_1(%arg0: i32, %arg1: i32) -> (i32, i32) {
    %c0_i32 = arith.constant 0 : i32
    %c0_i32_0 = arith.constant 0 : i32
    %c0_i32_1 = arith.constant 0 : i32
    return %c0_i32, %c0_i32_0 : i32, i32
  }
  func.func @transform_2(%arg0: i32, %arg1: i32) -> (i32, i32, i32) {
    %c0_i32 = arith.constant 0 : i32
    %c0_i32_0 = arith.constant 0 : i32
    return %arg0, %arg1, %c0_i32 : i32, i32, i32
  }
}

module attributes {stable_mosaic.version = 14 : i64} {
  func.func @_nn3_body(%arg0: i32, %arg1: i32, %arg2: memref<1x512x128xf32, #tpu.memory_space<vmem>>, %arg3: memref<1x512x3xi32, #tpu.memory_space<vmem>>) attributes {dimension_semantics = [#tpu.dimension_semantics<arbitrary>, #tpu.dimension_semantics<arbitrary>], iteration_bounds = array<i64: 8, 1>, scalar_prefetch = 0 : i64, scratch_operands = 0 : i64, tpu.core_type = #tpu.core_type<tc>, window_params = [{transform_indices = @transform_0, window_bounds = array<i64: 1, 512, 128>}, {transform_indices = @transform_1, window_bounds = array<i64: 1, 512, 3>}]} {
    %get3A = arith.constant 0 : index
    %get3A_0 = arith.constant 0 : index
    %get3A_1 = arith.constant 0 : index
    %get3A_2 = vector.load %arg2[%get3A, %get3A_0, %get3A_1] : memref<1x512x128xf32, #tpu.memory_space<vmem>>, vector<1x512x128xf32>
    %get3A_3 = vector.shape_cast %get3A_2 : vector<1x512x128xf32> to vector<512x128xf32>
    %iota3A = tpu.iota {dimensions = array<i32: 1>} : vector<512x128xi32>
    %argmin3A = tpu.reduce_index %get3A_3 {axis = 1 : i32, kind = #tpu.reduction_kind<arg_min>} : vector<512x128xf32> -> vector<512xi32>
    %broadcast_in_dim3A = vector.shape_cast %argmin3A : vector<512xi32> to vector<512x1xi32>
    %eq3A = vector.broadcast %broadcast_in_dim3A : vector<512x1xi32> to vector<512x128xi32>
    %eq3A_4 = arith.cmpi eq, %iota3A, %eq3A : vector<512x128xi32>
    %jit3A = arith.constant 1.000000e+30 : f32
    %broadcast_in_dim3A_5 = vector.broadcast %jit3A : f32 to vector<512x128xf32>
    %select_n3A = arith.select %eq3A_4, %broadcast_in_dim3A_5, %get3A_3 : vector<512x128xi1>, vector<512x128xf32>
    %argmin3A_6 = tpu.reduce_index %select_n3A {axis = 1 : i32, kind = #tpu.reduction_kind<arg_min>} : vector<512x128xf32> -> vector<512xi32>
    %broadcast_in_dim3A_7 = vector.shape_cast %argmin3A_6 : vector<512xi32> to vector<512x1xi32>
    %eq3A_8 = vector.broadcast %broadcast_in_dim3A_7 : vector<512x1xi32> to vector<512x128xi32>
    %eq3A_9 = arith.cmpi eq, %iota3A, %eq3A_8 : vector<512x128xi32>
    %jit3A_10 = arith.constant 1.000000e+30 : f32
    %broadcast_in_dim3A_11 = vector.broadcast %jit3A_10 : f32 to vector<512x128xf32>
    %select_n3A_12 = arith.select %eq3A_9, %broadcast_in_dim3A_11, %select_n3A : vector<512x128xi1>, vector<512x128xf32>
    %argmin3A_13 = tpu.reduce_index %select_n3A_12 {axis = 1 : i32, kind = #tpu.reduction_kind<arg_min>} : vector<512x128xf32> -> vector<512xi32>
    %broadcast_in_dim3A_14 = vector.shape_cast %argmin3A_13 : vector<512xi32> to vector<512x1xi32>
    %concatenate3A = tpu.concatenate %broadcast_in_dim3A, %broadcast_in_dim3A_7, %broadcast_in_dim3A_14 in 1 : vector<512x1xi32>, vector<512x1xi32>, vector<512x1xi32> -> vector<512x3xi32>
    %swap3A = arith.constant 0 : index
    %swap3A_15 = arith.constant 0 : index
    %swap3A_16 = arith.constant 0 : index
    %swap3A_17 = vector.load %arg3[%swap3A, %swap3A_15, %swap3A_16] : memref<1x512x3xi32, #tpu.memory_space<vmem>>, vector<1x512x3xi32>
    %swap3A_18 = vector.shape_cast %swap3A_17 : vector<1x512x3xi32> to vector<512x3xi32>
    %swap3A_19 = vector.shape_cast %concatenate3A : vector<512x3xi32> to vector<1x512x3xi32>
    tpu.vector_store %arg3[%swap3A, %swap3A_15, %swap3A_16], %swap3A_19 {strides = array<i32>} : memref<1x512x3xi32, #tpu.memory_space<vmem>>, vector<1x512x3xi32>,
    return
  }
  func.func @transform_0(%arg0: i32, %arg1: i32) -> (i32, i32, i32) {
    %c0_i32 = arith.constant 0 : i32
    %c0_i32_0 = arith.constant 0 : i32
    return %arg0, %arg1, %c0_i32 : i32, i32, i32
  }
  func.func @transform_1(%arg0: i32, %arg1: i32) -> (i32, i32, i32) {
    %c0_i32 = arith.constant 0 : i32
    %c0_i32_0 = arith.constant 0 : i32
    return %arg0, %arg1, %c0_i32 : i32, i32, i32
  }
}

module attributes {stable_mosaic.version = 14 : i64} {
  func.func @_bq_body(%arg0: i32, %arg1: i32, %arg2: memref<1x256x4096xf32, #tpu.memory_space<vmem>>, %arg3: memref<4096x256xf32, #tpu.memory_space<vmem>>, %arg4: memref<1x256x64xi32, #tpu.memory_space<vmem>>) attributes {dimension_semantics = [#tpu.dimension_semantics<arbitrary>, #tpu.dimension_semantics<arbitrary>], iteration_bounds = array<i64: 8, 2>, scalar_prefetch = 0 : i64, scratch_operands = 0 : i64, tpu.core_type = #tpu.core_type<tc>, window_params = [{transform_indices = @transform_0, window_bounds = array<i64: 1, 256, 4096>}, {pipeline_mode = #tpu.pipeline_mode<synchronous>, transform_indices = @transform_1, window_bounds = array<i64: 4096, 256>}, {transform_indices = @transform_2, window_bounds = array<i64: 1, 256, 64>}]} {
    %get3A = arith.constant 0 : index
    %get3A_0 = arith.constant 0 : index
    %get3A_1 = arith.constant 0 : index
    %get3A_2 = vector.load %arg2[%get3A, %get3A_0, %get3A_1] : memref<1x256x4096xf32, #tpu.memory_space<vmem>>, vector<1x256x4096xf32>
    %get3A_3 = vector.shape_cast %get3A_2 : vector<1x256x4096xf32> to vector<256x4096xf32>
    %le3A = arith.constant 0.00999999977 : f32
    %le3A_4 = vector.broadcast %le3A : f32 to vector<256x4096xf32>
    %le3A_5 = arith.cmpf ole, %get3A_3, %le3A_4 : vector<256x4096xf32>
    %convert_element_type3A = arith.extui %le3A_5 : vector<256x4096xi1> to vector<256x4096xi32>
    %convert_element_type3A_6 = arith.sitofp %convert_element_type3A : vector<256x4096xi32> to vector<256x4096xf32>
    %get3A_7 = arith.constant 0 : index
    %get3A_8 = arith.constant 0 : index
    %get3A_9 = vector.load %arg3[%get3A_7, %get3A_8] : memref<4096x256xf32, #tpu.memory_space<vmem>>, vector<4096x256xf32>
    %dot_general3A = arith.constant dense<0.000000e+00> : vector<256x256xf32>
    %dot_general3A_10 = tpu.matmul %convert_element_type3A_6, %get3A_9, %dot_general3A {dimension_numbers = #tpu.dot_dimension_numbers<[1], [0], [0], [1], [0, 0, 1, 1], [], []>, transpose_lhs_hint = false} : vector<256x4096xf32>, vector<4096x256xf32>, vector<256x256xf32> -> vector<256x256xf32>
    %convert_element_type3A_11 = arith.fptosi %dot_general3A_10 : vector<256x256xf32> to vector<256x256xi32>
    %shift_right_arithmetic3A = arith.constant 1 : i32
    %shift_right_arithmetic3A_12 = vector.broadcast %shift_right_arithmetic3A : i32 to vector<256x256xi32>
    %shift_right_arithmetic3A_13 = arith.shrsi %convert_element_type3A_11, %shift_right_arithmetic3A_12 : vector<256x256xi32>
    %and3A = arith.constant 21845 : i32
    %and3A_14 = vector.broadcast %and3A : i32 to vector<256x256xi32>
    %and3A_15 = arith.andi %shift_right_arithmetic3A_13, %and3A_14 : vector<256x256xi32>
    %sub3A = arith.subi %convert_element_type3A_11, %and3A_15 : vector<256x256xi32>
    %and3A_16 = arith.constant 13107 : i32
    %and3A_17 = vector.broadcast %and3A_16 : i32 to vector<256x256xi32>
    %and3A_18 = arith.andi %sub3A, %and3A_17 : vector<256x256xi32>
    %shift_right_arithmetic3A_19 = arith.constant 2 : i32
    %shift_right_arithmetic3A_20 = vector.broadcast %shift_right_arithmetic3A_19 : i32 to vector<256x256xi32>
    %shift_right_arithmetic3A_21 = arith.shrsi %sub3A, %shift_right_arithmetic3A_20 : vector<256x256xi32>
    %and3A_22 = arith.constant 13107 : i32
    %and3A_23 = vector.broadcast %and3A_22 : i32 to vector<256x256xi32>
    %and3A_24 = arith.andi %shift_right_arithmetic3A_21, %and3A_23 : vector<256x256xi32>
    %add3A = arith.addi %and3A_18, %and3A_24 : vector<256x256xi32>
    %shift_right_arithmetic3A_25 = arith.constant 4 : i32
    %shift_right_arithmetic3A_26 = vector.broadcast %shift_right_arithmetic3A_25 : i32 to vector<256x256xi32>
    %shift_right_arithmetic3A_27 = arith.shrsi %add3A, %shift_right_arithmetic3A_26 : vector<256x256xi32>
    %add3A_28 = arith.addi %add3A, %shift_right_arithmetic3A_27 : vector<256x256xi32>
    %and3A_29 = arith.constant 3855 : i32
    %and3A_30 = vector.broadcast %and3A_29 : i32 to vector<256x256xi32>
    %and3A_31 = arith.andi %add3A_28, %and3A_30 : vector<256x256xi32>
    %shift_right_arithmetic3A_32 = arith.constant 8 : i32
    %shift_right_arithmetic3A_33 = vector.broadcast %shift_right_arithmetic3A_32 : i32 to vector<256x256xi32>
    %shift_right_arithmetic3A_34 = arith.shrsi %and3A_31, %shift_right_arithmetic3A_33 : vector<256x256xi32>
    %add3A_35 = arith.addi %and3A_31, %shift_right_arithmetic3A_34 : vector<256x256xi32>
    %and3A_36 = arith.constant 31 : i32
    %and3A_37 = vector.broadcast %and3A_36 : i32 to vector<256x256xi32>
    %and3A_38 = arith.andi %add3A_35, %and3A_37 : vector<256x256xi32>
    %iota3A = tpu.iota {dimensions = array<i32: 1>} : vector<256x256xi32>
    %ge3A = arith.constant 1 : i32
    %ge3A_39 = vector.broadcast %ge3A : i32 to vector<256x256xi32>
    %ge3A_40 = arith.cmpi sge, %iota3A, %ge3A_39 : vector<256x256xi32>
    %roll3A = arith.constant 1 : i32
    %roll3A_41 = tpu.dynamic_rotate %and3A_38 by %roll3A dim 1 : vector<256x256xi32>, i32 -> vector<256x256xi32>
    %jit3A = arith.constant 0 : i32
    %broadcast_in_dim3A = vector.broadcast %jit3A : i32 to vector<256x256xi32>
    %select_n3A = arith.select %ge3A_40, %roll3A_41, %broadcast_in_dim3A : vector<256x256xi1>, vector<256x256xi32>
    %add3A_42 = arith.addi %and3A_38, %select_n3A : vector<256x256xi32>
    %ge3A_43 = arith.constant 2 : i32
    %ge3A_44 = vector.broadcast %ge3A_43 : i32 to vector<256x256xi32>
    %ge3A_45 = arith.cmpi sge, %iota3A, %ge3A_44 : vector<256x256xi32>
    %roll3A_46 = arith.constant 2 : i32
    %roll3A_47 = tpu.dynamic_rotate %add3A_42 by %roll3A_46 dim 1 : vector<256x256xi32>, i32 -> vector<256x256xi32>
    %jit3A_48 = arith.constant 0 : i32
    %broadcast_in_dim3A_49 = vector.broadcast %jit3A_48 : i32 to vector<256x256xi32>
    %select_n3A_50 = arith.select %ge3A_45, %roll3A_47, %broadcast_in_dim3A_49 : vector<256x256xi1>, vector<256x256xi32>
    %add3A_51 = arith.addi %add3A_42, %select_n3A_50 : vector<256x256xi32>
    %ge3A_52 = arith.constant 4 : i32
    %ge3A_53 = vector.broadcast %ge3A_52 : i32 to vector<256x256xi32>
    %ge3A_54 = arith.cmpi sge, %iota3A, %ge3A_53 : vector<256x256xi32>
    %roll3A_55 = arith.constant 4 : i32
    %roll3A_56 = tpu.dynamic_rotate %add3A_51 by %roll3A_55 dim 1 : vector<256x256xi32>, i32 -> vector<256x256xi32>
    %jit3A_57 = arith.constant 0 : i32
    %broadcast_in_dim3A_58 = vector.broadcast %jit3A_57 : i32 to vector<256x256xi32>
    %select_n3A_59 = arith.select %ge3A_54, %roll3A_56, %broadcast_in_dim3A_58 : vector<256x256xi1>, vector<256x256xi32>
    %add3A_60 = arith.addi %add3A_51, %select_n3A_59 : vector<256x256xi32>
    %ge3A_61 = arith.constant 8 : i32
    %ge3A_62 = vector.broadcast %ge3A_61 : i32 to vector<256x256xi32>
    %ge3A_63 = arith.cmpi sge, %iota3A, %ge3A_62 : vector<256x256xi32>
    %roll3A_64 = arith.constant 8 : i32
    %roll3A_65 = tpu.dynamic_rotate %add3A_60 by %roll3A_64 dim 1 : vector<256x256xi32>, i32 -> vector<256x256xi32>
    %jit3A_66 = arith.constant 0 : i32
    %broadcast_in_dim3A_67 = vector.broadcast %jit3A_66 : i32 to vector<256x256xi32>
    %select_n3A_68 = arith.select %ge3A_63, %roll3A_65, %broadcast_in_dim3A_67 : vector<256x256xi1>, vector<256x256xi32>
    %add3A_69 = arith.addi %add3A_60, %select_n3A_68 : vector<256x256xi32>
    %ge3A_70 = arith.constant 16 : i32
    %ge3A_71 = vector.broadcast %ge3A_70 : i32 to vector<256x256xi32>
    %ge3A_72 = arith.cmpi sge, %iota3A, %ge3A_71 : vector<256x256xi32>
    %roll3A_73 = arith.constant 16 : i32
    %roll3A_74 = tpu.dynamic_rotate %add3A_69 by %roll3A_73 dim 1 : vector<256x256xi32>, i32 -> vector<256x256xi32>
    %jit3A_75 = arith.constant 0 : i32
    %broadcast_in_dim3A_76 = vector.broadcast %jit3A_75 : i32 to vector<256x256xi32>
    %select_n3A_77 = arith.select %ge3A_72, %roll3A_74, %broadcast_in_dim3A_76 : vector<256x256xi1>, vector<256x256xi32>
    %add3A_78 = arith.addi %add3A_69, %select_n3A_77 : vector<256x256xi32>
    %ge3A_79 = arith.constant 32 : i32
    %ge3A_80 = vector.broadcast %ge3A_79 : i32 to vector<256x256xi32>
    %ge3A_81 = arith.cmpi sge, %iota3A, %ge3A_80 : vector<256x256xi32>
    %roll3A_82 = arith.constant 32 : i32
    %roll3A_83 = tpu.dynamic_rotate %add3A_78 by %roll3A_82 dim 1 : vector<256x256xi32>, i32 -> vector<256x256xi32>
    %jit3A_84 = arith.constant 0 : i32
    %broadcast_in_dim3A_85 = vector.broadcast %jit3A_84 : i32 to vector<256x256xi32>
    %select_n3A_86 = arith.select %ge3A_81, %roll3A_83, %broadcast_in_dim3A_85 : vector<256x256xi1>, vector<256x256xi32>
    %add3A_87 = arith.addi %add3A_78, %select_n3A_86 : vector<256x256xi32>
    %ge3A_88 = arith.constant 64 : i32
    %ge3A_89 = vector.broadcast %ge3A_88 : i32 to vector<256x256xi32>
    %ge3A_90 = arith.cmpi sge, %iota3A, %ge3A_89 : vector<256x256xi32>
    %roll3A_91 = arith.constant 64 : i32
    %roll3A_92 = tpu.dynamic_rotate %add3A_87 by %roll3A_91 dim 1 : vector<256x256xi32>, i32 -> vector<256x256xi32>
    %jit3A_93 = arith.constant 0 : i32
    %broadcast_in_dim3A_94 = vector.broadcast %jit3A_93 : i32 to vector<256x256xi32>
    %select_n3A_95 = arith.select %ge3A_90, %roll3A_92, %broadcast_in_dim3A_94 : vector<256x256xi1>, vector<256x256xi32>
    %add3A_96 = arith.addi %add3A_87, %select_n3A_95 : vector<256x256xi32>
    %ge3A_97 = arith.constant 128 : i32
    %ge3A_98 = vector.broadcast %ge3A_97 : i32 to vector<256x256xi32>
    %ge3A_99 = arith.cmpi sge, %iota3A, %ge3A_98 : vector<256x256xi32>
    %roll3A_100 = arith.constant 128 : i32
    %roll3A_101 = tpu.dynamic_rotate %add3A_96 by %roll3A_100 dim 1 : vector<256x256xi32>, i32 -> vector<256x256xi32>
    %jit3A_102 = arith.constant 0 : i32
    %broadcast_in_dim3A_103 = vector.broadcast %jit3A_102 : i32 to vector<256x256xi32>
    %select_n3A_104 = arith.select %ge3A_99, %roll3A_101, %broadcast_in_dim3A_103 : vector<256x256xi1>, vector<256x256xi32>
    %add3A_105 = arith.addi %add3A_96, %select_n3A_104 : vector<256x256xi32>
    %iota3A_106 = tpu.iota {dimensions = array<i32: 1>} : vector<256x64xi32>
    %add3A_107 = arith.constant 1 : i32
    %add3A_108 = vector.broadcast %add3A_107 : i32 to vector<256x64xi32>
    %add3A_109 = arith.addi %iota3A_106, %add3A_108 : vector<256x64xi32>
    %broadcast_in_dim3A_110 = arith.constant 0 : i32
    %broadcast_in_dim3A_111 = vector.broadcast %broadcast_in_dim3A_110 : i32 to vector<256x64xi32>
    %broadcast_in_dim3A_112 = arith.constant 256 : i32
    %broadcast_in_dim3A_113 = vector.broadcast %broadcast_in_dim3A_112 : i32 to vector<256x64xi32>
    %add3A_114 = arith.addi %broadcast_in_dim3A_111, %broadcast_in_dim3A_113 : vector<256x64xi32>
    %jit3A_115 = arith.constant 2 : i32
    %div3A = vector.broadcast %jit3A_115 : i32 to vector<256x64xi32>
    %div3A_116 = arith.divsi %add3A_114, %div3A : vector<256x64xi32>
    %sign3A = arith.constant 0 : i32
    %sign3A_117 = vector.broadcast %sign3A : i32 to vector<256x64xi32>
    %sign3A_118 = arith.cmpi sgt, %add3A_114, %sign3A_117 : vector<256x64xi32>
    %sign3A_119 = arith.extui %sign3A_118 : vector<256x64xi1> to vector<256x64xi32>
    %sign3A_120 = arith.constant 0 : i32
    %sign3A_121 = vector.broadcast %sign3A_120 : i32 to vector<256x64xi32>
    %sign3A_122 = arith.cmpi slt, %add3A_114, %sign3A_121 : vector<256x64xi32>
    %sign3A_123 = arith.extui %sign3A_122 : vector<256x64xi1> to vector<256x64xi32>
    %sign3A_124 = arith.subi %sign3A_119, %sign3A_123 : vector<256x64xi32>
    %sign3A_125 = arith.constant 0 : i32
    %sign3A_126 = arith.cmpi sgt, %jit3A_115, %sign3A_125 : i32
    %sign3A_127 = arith.extui %sign3A_126 : i1 to i32
    %sign3A_128 = arith.constant 0 : i32
    %sign3A_129 = arith.cmpi slt, %jit3A_115, %sign3A_128 : i32
    %sign3A_130 = arith.extui %sign3A_129 : i1 to i32
    %sign3A_131 = arith.subi %sign3A_127, %sign3A_130 : i32
    %ne3A = vector.broadcast %sign3A_131 : i32 to vector<256x64xi32>
    %ne3A_132 = arith.cmpi ne, %sign3A_124, %ne3A : vector<256x64xi32>
    %rem3A = vector.broadcast %jit3A_115 : i32 to vector<256x64xi32>
    %rem3A_133 = arith.remsi %add3A_114, %rem3A : vector<256x64xi32>
    %ne3A_134 = arith.constant 0 : i32
    %ne3A_135 = vector.broadcast %ne3A_134 : i32 to vector<256x64xi32>
    %ne3A_136 = arith.cmpi ne, %rem3A_133, %ne3A_135 : vector<256x64xi32>
    %and3A_137 = arith.andi %ne3A_132, %ne3A_136 : vector<256x64xi1>
    %sub3A_138 = arith.constant 1 : i32
    %sub3A_139 = vector.broadcast %sub3A_138 : i32 to vector<256x64xi32>
    %sub3A_140 = arith.subi %div3A_116, %sub3A_139 : vector<256x64xi32>
    %select_n3A_141 = arith.select %and3A_137, %sub3A_140, %div3A_116 : vector<256x64xi1>, vector<256x64xi32>
    %min3A = arith.constant 255 : i32
    %min3A_142 = vector.broadcast %min3A : i32 to vector<256x64xi32>
    %min3A_143 = arith.minsi %select_n3A_141, %min3A_142 : vector<256x64xi32>
    %slice3A = vector.extract_strided_slice %add3A_105 {offsets = [0, 0], sizes = [256, 128], strides = [1, 1]} : vector<256x256xi32> to vector<256x128xi32>
    %sub3A_144 = arith.constant 0 : i32
    %sub3A_145 = vector.broadcast %sub3A_144 : i32 to vector<256x64xi32>
    %sub3A_146 = arith.subi %min3A_143, %sub3A_145 : vector<256x64xi32>
    %jit3A_147 = arith.constant 0 : i32
    %jit3A_148 = arith.constant 127 : i32
    %max3A = vector.broadcast %jit3A_147 : i32 to vector<256x64xi32>
    %max3A_149 = arith.maxsi %max3A, %sub3A_146 : vector<256x64xi32>
    %min3A_150 = vector.broadcast %jit3A_148 : i32 to vector<256x64xi32>
    %min3A_151 = arith.minsi %min3A_150, %max3A_149 : vector<256x64xi32>
    %lt3A = arith.constant 0 : i32
    %lt3A_152 = vector.broadcast %lt3A : i32 to vector<256x64xi32>
    %lt3A_153 = arith.cmpi slt, %min3A_151, %lt3A_152 : vector<256x64xi32>
    %add3A_154 = arith.constant 128 : i32
    %add3A_155 = vector.broadcast %add3A_154 : i32 to vector<256x64xi32>
    %add3A_156 = arith.addi %min3A_151, %add3A_155 : vector<256x64xi32>
    %select_n3A_157 = arith.select %lt3A_153, %add3A_156, %min3A_151 : vector<256x64xi1>, vector<256x64xi32>
    %reshape3A = vector.shape_cast %select_n3A_157 : vector<256x64xi32> to vector<256x64x1xi32>
    %gather3A = vector.shape_cast %reshape3A : vector<256x64x1xi32> to vector<256x64xi32>
    %gather3A_158 = tpu.dynamic_gather %slice3A[%gather3A] in [1] : vector<256x128xi32>, vector<256x64xi32> -> vector<256x64xi32>
    %slice3A_159 = vector.extract_strided_slice %add3A_105 {offsets = [0, 128], sizes = [256, 128], strides = [1, 1]} : vector<256x256xi32> to vector<256x128xi32>
    %sub3A_160 = arith.constant 128 : i32
    %sub3A_161 = vector.broadcast %sub3A_160 : i32 to vector<256x64xi32>
    %sub3A_162 = arith.subi %min3A_143, %sub3A_161 : vector<256x64xi32>
    %jit3A_163 = arith.constant 0 : i32
    %jit3A_164 = arith.constant 127 : i32
    %max3A_165 = vector.broadcast %jit3A_163 : i32 to vector<256x64xi32>
    %max3A_166 = arith.maxsi %max3A_165, %sub3A_162 : vector<256x64xi32>
    %min3A_167 = vector.broadcast %jit3A_164 : i32 to vector<256x64xi32>
    %min3A_168 = arith.minsi %min3A_167, %max3A_166 : vector<256x64xi32>
    %lt3A_169 = arith.constant 0 : i32
    %lt3A_170 = vector.broadcast %lt3A_169 : i32 to vector<256x64xi32>
    %lt3A_171 = arith.cmpi slt, %min3A_168, %lt3A_170 : vector<256x64xi32>
    %add3A_172 = arith.constant 128 : i32
    %add3A_173 = vector.broadcast %add3A_172 : i32 to vector<256x64xi32>
    %add3A_174 = arith.addi %min3A_168, %add3A_173 : vector<256x64xi32>
    %select_n3A_175 = arith.select %lt3A_171, %add3A_174, %min3A_168 : vector<256x64xi1>, vector<256x64xi32>
    %reshape3A_176 = vector.shape_cast %select_n3A_175 : vector<256x64xi32> to vector<256x64x1xi32>
    %gather3A_177 = vector.shape_cast %reshape3A_176 : vector<256x64x1xi32> to vector<256x64xi32>
    %gather3A_178 = tpu.dynamic_gather %slice3A_159[%gather3A_177] in [1] : vector<256x128xi32>, vector<256x64xi32> -> vector<256x64xi32>
    %ge3A_179 = arith.constant 128 : i32
    %ge3A_180 = vector.broadcast %ge3A_179 : i32 to vector<256x64xi32>
    %ge3A_181 = arith.cmpi sge, %min3A_143, %ge3A_180 : vector<256x64xi32>
    %select_n3A_182 = arith.select %ge3A_181, %gather3A_178, %gather3A_158 : vector<256x64xi1>, vector<256x64xi32>
    %lt3A_183 = arith.cmpi slt, %select_n3A_182, %add3A_109 : vector<256x64xi32>
    %add3A_184 = arith.constant 1 : i32
    %add3A_185 = vector.broadcast %add3A_184 : i32 to vector<256x64xi32>
    %add3A_186 = arith.addi %select_n3A_141, %add3A_185 : vector<256x64xi32>
    %select_n3A_187 = arith.select %lt3A_183, %add3A_186, %broadcast_in_dim3A_111 : vector<256x64xi1>, vector<256x64xi32>
    %select_n3A_188 = arith.select %lt3A_183, %broadcast_in_dim3A_113, %select_n3A_141 : vector<256x64xi1>, vector<256x64xi32>
    %add3A_189 = arith.addi %select_n3A_187, %select_n3A_188 : vector<256x64xi32>
    %jit3A_190 = arith.constant 2 : i32
    %div3A_191 = vector.broadcast %jit3A_190 : i32 to vector<256x64xi32>
    %div3A_192 = arith.divsi %add3A_189, %div3A_191 : vector<256x64xi32>
    %sign3A_193 = arith.constant 0 : i32
    %sign3A_194 = vector.broadcast %sign3A_193 : i32 to vector<256x64xi32>
    %sign3A_195 = arith.cmpi sgt, %add3A_189, %sign3A_194 : vector<256x64xi32>
    %sign3A_196 = arith.extui %sign3A_195 : vector<256x64xi1> to vector<256x64xi32>
    %sign3A_197 = arith.constant 0 : i32
    %sign3A_198 = vector.broadcast %sign3A_197 : i32 to vector<256x64xi32>
    %sign3A_199 = arith.cmpi slt, %add3A_189, %sign3A_198 : vector<256x64xi32>
    %sign3A_200 = arith.extui %sign3A_199 : vector<256x64xi1> to vector<256x64xi32>
    %sign3A_201 = arith.subi %sign3A_196, %sign3A_200 : vector<256x64xi32>
    %sign3A_202 = arith.constant 0 : i32
    %sign3A_203 = arith.cmpi sgt, %jit3A_190, %sign3A_202 : i32
    %sign3A_204 = arith.extui %sign3A_203 : i1 to i32
    %sign3A_205 = arith.constant 0 : i32
    %sign3A_206 = arith.cmpi slt, %jit3A_190, %sign3A_205 : i32
    %sign3A_207 = arith.extui %sign3A_206 : i1 to i32
    %sign3A_208 = arith.subi %sign3A_204, %sign3A_207 : i32
    %ne3A_209 = vector.broadcast %sign3A_208 : i32 to vector<256x64xi32>
    %ne3A_210 = arith.cmpi ne, %sign3A_201, %ne3A_209 : vector<256x64xi32>
    %rem3A_211 = vector.broadcast %jit3A_190 : i32 to vector<256x64xi32>
    %rem3A_212 = arith.remsi %add3A_189, %rem3A_211 : vector<256x64xi32>
    %ne3A_213 = arith.constant 0 : i32
    %ne3A_214 = vector.broadcast %ne3A_213 : i32 to vector<256x64xi32>
    %ne3A_215 = arith.cmpi ne, %rem3A_212, %ne3A_214 : vector<256x64xi32>
    %and3A_216 = arith.andi %ne3A_210, %ne3A_215 : vector<256x64xi1>
    %sub3A_217 = arith.constant 1 : i32
    %sub3A_218 = vector.broadcast %sub3A_217 : i32 to vector<256x64xi32>
    %sub3A_219 = arith.subi %div3A_192, %sub3A_218 : vector<256x64xi32>
    %select_n3A_220 = arith.select %and3A_216, %sub3A_219, %div3A_192 : vector<256x64xi1>, vector<256x64xi32>
    %min3A_221 = arith.constant 255 : i32
    %min3A_222 = vector.broadcast %min3A_221 : i32 to vector<256x64xi32>
    %min3A_223 = arith.minsi %select_n3A_220, %min3A_222 : vector<256x64xi32>
    %slice3A_224 = vector.extract_strided_slice %add3A_105 {offsets = [0, 0], sizes = [256, 128], strides = [1, 1]} : vector<256x256xi32> to vector<256x128xi32>
    %sub3A_225 = arith.constant 0 : i32
    %sub3A_226 = vector.broadcast %sub3A_225 : i32 to vector<256x64xi32>
    %sub3A_227 = arith.subi %min3A_223, %sub3A_226 : vector<256x64xi32>
    %jit3A_228 = arith.constant 0 : i32
    %jit3A_229 = arith.constant 127 : i32
    %max3A_230 = vector.broadcast %jit3A_228 : i32 to vector<256x64xi32>
    %max3A_231 = arith.maxsi %max3A_230, %sub3A_227 : vector<256x64xi32>
    %min3A_232 = vector.broadcast %jit3A_229 : i32 to vector<256x64xi32>
    %min3A_233 = arith.minsi %min3A_232, %max3A_231 : vector<256x64xi32>
    %lt3A_234 = arith.constant 0 : i32
    %lt3A_235 = vector.broadcast %lt3A_234 : i32 to vector<256x64xi32>
    %lt3A_236 = arith.cmpi slt, %min3A_233, %lt3A_235 : vector<256x64xi32>
    %add3A_237 = arith.constant 128 : i32
    %add3A_238 = vector.broadcast %add3A_237 : i32 to vector<256x64xi32>
    %add3A_239 = arith.addi %min3A_233, %add3A_238 : vector<256x64xi32>
    %select_n3A_240 = arith.select %lt3A_236, %add3A_239, %min3A_233 : vector<256x64xi1>, vector<256x64xi32>
    %reshape3A_241 = vector.shape_cast %select_n3A_240 : vector<256x64xi32> to vector<256x64x1xi32>
    %gather3A_242 = vector.shape_cast %reshape3A_241 : vector<256x64x1xi32> to vector<256x64xi32>
    %gather3A_243 = tpu.dynamic_gather %slice3A_224[%gather3A_242] in [1] : vector<256x128xi32>, vector<256x64xi32> -> vector<256x64xi32>
    %slice3A_244 = vector.extract_strided_slice %add3A_105 {offsets = [0, 128], sizes = [256, 128], strides = [1, 1]} : vector<256x256xi32> to vector<256x128xi32>
    %sub3A_245 = arith.constant 128 : i32
    %sub3A_246 = vector.broadcast %sub3A_245 : i32 to vector<256x64xi32>
    %sub3A_247 = arith.subi %min3A_223, %sub3A_246 : vector<256x64xi32>
    %jit3A_248 = arith.constant 0 : i32
    %jit3A_249 = arith.constant 127 : i32
    %max3A_250 = vector.broadcast %jit3A_248 : i32 to vector<256x64xi32>
    %max3A_251 = arith.maxsi %max3A_250, %sub3A_247 : vector<256x64xi32>
    %min3A_252 = vector.broadcast %jit3A_249 : i32 to vector<256x64xi32>
    %min3A_253 = arith.minsi %min3A_252, %max3A_251 : vector<256x64xi32>
    %lt3A_254 = arith.constant 0 : i32
    %lt3A_255 = vector.broadcast %lt3A_254 : i32 to vector<256x64xi32>
    %lt3A_256 = arith.cmpi slt, %min3A_253, %lt3A_255 : vector<256x64xi32>
    %add3A_257 = arith.constant 128 : i32
    %add3A_258 = vector.broadcast %add3A_257 : i32 to vector<256x64xi32>
    %add3A_259 = arith.addi %min3A_253, %add3A_258 : vector<256x64xi32>
    %select_n3A_260 = arith.select %lt3A_256, %add3A_259, %min3A_253 : vector<256x64xi1>, vector<256x64xi32>
    %reshape3A_261 = vector.shape_cast %select_n3A_260 : vector<256x64xi32> to vector<256x64x1xi32>
    %gather3A_262 = vector.shape_cast %reshape3A_261 : vector<256x64x1xi32> to vector<256x64xi32>
    %gather3A_263 = tpu.dynamic_gather %slice3A_244[%gather3A_262] in [1] : vector<256x128xi32>, vector<256x64xi32> -> vector<256x64xi32>
    %ge3A_264 = arith.constant 128 : i32
    %ge3A_265 = vector.broadcast %ge3A_264 : i32 to vector<256x64xi32>
    %ge3A_266 = arith.cmpi sge, %min3A_223, %ge3A_265 : vector<256x64xi32>
    %select_n3A_267 = arith.select %ge3A_266, %gather3A_263, %gather3A_243 : vector<256x64xi1>, vector<256x64xi32>
    %lt3A_268 = arith.cmpi slt, %select_n3A_267, %add3A_109 : vector<256x64xi32>
    %add3A_269 = arith.constant 1 : i32
    %add3A_270 = vector.broadcast %add3A_269 : i32 to vector<256x64xi32>
    %add3A_271 = arith.addi %select_n3A_220, %add3A_270 : vector<256x64xi32>
    %select_n3A_272 = arith.select %lt3A_268, %add3A_271, %select_n3A_187 : vector<256x64xi1>, vector<256x64xi32>
    %select_n3A_273 = arith.select %lt3A_268, %select_n3A_188, %select_n3A_220 : vector<256x64xi1>, vector<256x64xi32>
    %add3A_274 = arith.addi %select_n3A_272, %select_n3A_273 : vector<256x64xi32>
    %jit3A_275 = arith.constant 2 : i32
    %div3A_276 = vector.broadcast %jit3A_275 : i32 to vector<256x64xi32>
    %div3A_277 = arith.divsi %add3A_274, %div3A_276 : vector<256x64xi32>
    %sign3A_278 = arith.constant 0 : i32
    %sign3A_279 = vector.broadcast %sign3A_278 : i32 to vector<256x64xi32>
    %sign3A_280 = arith.cmpi sgt, %add3A_274, %sign3A_279 : vector<256x64xi32>
    %sign3A_281 = arith.extui %sign3A_280 : vector<256x64xi1> to vector<256x64xi32>
    %sign3A_282 = arith.constant 0 : i32
    %sign3A_283 = vector.broadcast %sign3A_282 : i32 to vector<256x64xi32>
    %sign3A_284 = arith.cmpi slt, %add3A_274, %sign3A_283 : vector<256x64xi32>
    %sign3A_285 = arith.extui %sign3A_284 : vector<256x64xi1> to vector<256x64xi32>
    %sign3A_286 = arith.subi %sign3A_281, %sign3A_285 : vector<256x64xi32>
    %sign3A_287 = arith.constant 0 : i32
    %sign3A_288 = arith.cmpi sgt, %jit3A_275, %sign3A_287 : i32
    %sign3A_289 = arith.extui %sign3A_288 : i1 to i32
    %sign3A_290 = arith.constant 0 : i32
    %sign3A_291 = arith.cmpi slt, %jit3A_275, %sign3A_290 : i32
    %sign3A_292 = arith.extui %sign3A_291 : i1 to i32
    %sign3A_293 = arith.subi %sign3A_289, %sign3A_292 : i32
    %ne3A_294 = vector.broadcast %sign3A_293 : i32 to vector<256x64xi32>
    %ne3A_295 = arith.cmpi ne, %sign3A_286, %ne3A_294 : vector<256x64xi32>
    %rem3A_296 = vector.broadcast %jit3A_275 : i32 to vector<256x64xi32>
    %rem3A_297 = arith.remsi %add3A_274, %rem3A_296 : vector<256x64xi32>
    %ne3A_298 = arith.constant 0 : i32
    %ne3A_299 = vector.broadcast %ne3A_298 : i32 to vector<256x64xi32>
    %ne3A_300 = arith.cmpi ne, %rem3A_297, %ne3A_299 : vector<256x64xi32>
    %and3A_301 = arith.andi %ne3A_295, %ne3A_300 : vector<256x64xi1>
    %sub3A_302 = arith.constant 1 : i32
    %sub3A_303 = vector.broadcast %sub3A_302 : i32 to vector<256x64xi32>
    %sub3A_304 = arith.subi %div3A_277, %sub3A_303 : vector<256x64xi32>
    %select_n3A_305 = arith.select %and3A_301, %sub3A_304, %div3A_277 : vector<256x64xi1>, vector<256x64xi32>
    %min3A_306 = arith.constant 255 : i32
    %min3A_307 = vector.broadcast %min3A_306 : i32 to vector<256x64xi32>
    %min3A_308 = arith.minsi %select_n3A_305, %min3A_307 : vector<256x64xi32>
    %slice3A_309 = vector.extract_strided_slice %add3A_105 {offsets = [0, 0], sizes = [256, 128], strides = [1, 1]} : vector<256x256xi32> to vector<256x128xi32>
    %sub3A_310 = arith.constant 0 : i32
    %sub3A_311 = vector.broadcast %sub3A_310 : i32 to vector<256x64xi32>
    %sub3A_312 = arith.subi %min3A_308, %sub3A_311 : vector<256x64xi32>
    %jit3A_313 = arith.constant 0 : i32
    %jit3A_314 = arith.constant 127 : i32
    %max3A_315 = vector.broadcast %jit3A_313 : i32 to vector<256x64xi32>
    %max3A_316 = arith.maxsi %max3A_315, %sub3A_312 : vector<256x64xi32>
    %min3A_317 = vector.broadcast %jit3A_314 : i32 to vector<256x64xi32>
    %min3A_318 = arith.minsi %min3A_317, %max3A_316 : vector<256x64xi32>
    %lt3A_319 = arith.constant 0 : i32
    %lt3A_320 = vector.broadcast %lt3A_319 : i32 to vector<256x64xi32>
    %lt3A_321 = arith.cmpi slt, %min3A_318, %lt3A_320 : vector<256x64xi32>
    %add3A_322 = arith.constant 128 : i32
    %add3A_323 = vector.broadcast %add3A_322 : i32 to vector<256x64xi32>
    %add3A_324 = arith.addi %min3A_318, %add3A_323 : vector<256x64xi32>
    %select_n3A_325 = arith.select %lt3A_321, %add3A_324, %min3A_318 : vector<256x64xi1>, vector<256x64xi32>
    %reshape3A_326 = vector.shape_cast %select_n3A_325 : vector<256x64xi32> to vector<256x64x1xi32>
    %gather3A_327 = vector.shape_cast %reshape3A_326 : vector<256x64x1xi32> to vector<256x64xi32>
    %gather3A_328 = tpu.dynamic_gather %slice3A_309[%gather3A_327] in [1] : vector<256x128xi32>, vector<256x64xi32> -> vector<256x64xi32>
    %slice3A_329 = vector.extract_strided_slice %add3A_105 {offsets = [0, 128], sizes = [256, 128], strides = [1, 1]} : vector<256x256xi32> to vector<256x128xi32>
    %sub3A_330 = arith.constant 128 : i32
    %sub3A_331 = vector.broadcast %sub3A_330 : i32 to vector<256x64xi32>
    %sub3A_332 = arith.subi %min3A_308, %sub3A_331 : vector<256x64xi32>
    %jit3A_333 = arith.constant 0 : i32
    %jit3A_334 = arith.constant 127 : i32
    %max3A_335 = vector.broadcast %jit3A_333 : i32 to vector<256x64xi32>
    %max3A_336 = arith.maxsi %max3A_335, %sub3A_332 : vector<256x64xi32>
    %min3A_337 = vector.broadcast %jit3A_334 : i32 to vector<256x64xi32>
    %min3A_338 = arith.minsi %min3A_337, %max3A_336 : vector<256x64xi32>
    %lt3A_339 = arith.constant 0 : i32
    %lt3A_340 = vector.broadcast %lt3A_339 : i32 to vector<256x64xi32>
    %lt3A_341 = arith.cmpi slt, %min3A_338, %lt3A_340 : vector<256x64xi32>
    %add3A_342 = arith.constant 128 : i32
    %add3A_343 = vector.broadcast %add3A_342 : i32 to vector<256x64xi32>
    %add3A_344 = arith.addi %min3A_338, %add3A_343 : vector<256x64xi32>
    %select_n3A_345 = arith.select %lt3A_341, %add3A_344, %min3A_338 : vector<256x64xi1>, vector<256x64xi32>
    %reshape3A_346 = vector.shape_cast %select_n3A_345 : vector<256x64xi32> to vector<256x64x1xi32>
    %gather3A_347 = vector.shape_cast %reshape3A_346 : vector<256x64x1xi32> to vector<256x64xi32>
    %gather3A_348 = tpu.dynamic_gather %slice3A_329[%gather3A_347] in [1] : vector<256x128xi32>, vector<256x64xi32> -> vector<256x64xi32>
    %ge3A_349 = arith.constant 128 : i32
    %ge3A_350 = vector.broadcast %ge3A_349 : i32 to vector<256x64xi32>
    %ge3A_351 = arith.cmpi sge, %min3A_308, %ge3A_350 : vector<256x64xi32>
    %select_n3A_352 = arith.select %ge3A_351, %gather3A_348, %gather3A_328 : vector<256x64xi1>, vector<256x64xi32>
    %lt3A_353 = arith.cmpi slt, %select_n3A_352, %add3A_109 : vector<256x64xi32>
    %add3A_354 = arith.constant 1 : i32
    %add3A_355 = vector.broadcast %add3A_354 : i32 to vector<256x64xi32>
    %add3A_356 = arith.addi %select_n3A_305, %add3A_355 : vector<256x64xi32>
    %select_n3A_357 = arith.select %lt3A_353, %add3A_356, %select_n3A_272 : vector<256x64xi1>, vector<256x64xi32>
    %select_n3A_358 = arith.select %lt3A_353, %select_n3A_273, %select_n3A_305 : vector<256x64xi1>, vector<256x64xi32>
    %add3A_359 = arith.addi %select_n3A_357, %select_n3A_358 : vector<256x64xi32>
    %jit3A_360 = arith.constant 2 : i32
    %div3A_361 = vector.broadcast %jit3A_360 : i32 to vector<256x64xi32>
    %div3A_362 = arith.divsi %add3A_359, %div3A_361 : vector<256x64xi32>
    %sign3A_363 = arith.constant 0 : i32
    %sign3A_364 = vector.broadcast %sign3A_363 : i32 to vector<256x64xi32>
    %sign3A_365 = arith.cmpi sgt, %add3A_359, %sign3A_364 : vector<256x64xi32>
    %sign3A_366 = arith.extui %sign3A_365 : vector<256x64xi1> to vector<256x64xi32>
    %sign3A_367 = arith.constant 0 : i32
    %sign3A_368 = vector.broadcast %sign3A_367 : i32 to vector<256x64xi32>
    %sign3A_369 = arith.cmpi slt, %add3A_359, %sign3A_368 : vector<256x64xi32>
    %sign3A_370 = arith.extui %sign3A_369 : vector<256x64xi1> to vector<256x64xi32>
    %sign3A_371 = arith.subi %sign3A_366, %sign3A_370 : vector<256x64xi32>
    %sign3A_372 = arith.constant 0 : i32
    %sign3A_373 = arith.cmpi sgt, %jit3A_360, %sign3A_372 : i32
    %sign3A_374 = arith.extui %sign3A_373 : i1 to i32
    %sign3A_375 = arith.constant 0 : i32
    %sign3A_376 = arith.cmpi slt, %jit3A_360, %sign3A_375 : i32
    %sign3A_377 = arith.extui %sign3A_376 : i1 to i32
    %sign3A_378 = arith.subi %sign3A_374, %sign3A_377 : i32
    %ne3A_379 = vector.broadcast %sign3A_378 : i32 to vector<256x64xi32>
    %ne3A_380 = arith.cmpi ne, %sign3A_371, %ne3A_379 : vector<256x64xi32>
    %rem3A_381 = vector.broadcast %jit3A_360 : i32 to vector<256x64xi32>
    %rem3A_382 = arith.remsi %add3A_359, %rem3A_381 : vector<256x64xi32>
    %ne3A_383 = arith.constant 0 : i32
    %ne3A_384 = vector.broadcast %ne3A_383 : i32 to vector<256x64xi32>
    %ne3A_385 = arith.cmpi ne, %rem3A_382, %ne3A_384 : vector<256x64xi32>
    %and3A_386 = arith.andi %ne3A_380, %ne3A_385 : vector<256x64xi1>
    %sub3A_387 = arith.constant 1 : i32
    %sub3A_388 = vector.broadcast %sub3A_387 : i32 to vector<256x64xi32>
    %sub3A_389 = arith.subi %div3A_362, %sub3A_388 : vector<256x64xi32>
    %select_n3A_390 = arith.select %and3A_386, %sub3A_389, %div3A_362 : vector<256x64xi1>, vector<256x64xi32>
    %min3A_391 = arith.constant 255 : i32
    %min3A_392 = vector.broadcast %min3A_391 : i32 to vector<256x64xi32>
    %min3A_393 = arith.minsi %select_n3A_390, %min3A_392 : vector<256x64xi32>
    %slice3A_394 = vector.extract_strided_slice %add3A_105 {offsets = [0, 0], sizes = [256, 128], strides = [1, 1]} : vector<256x256xi32> to vector<256x128xi32>
    %sub3A_395 = arith.constant 0 : i32
    %sub3A_396 = vector.broadcast %sub3A_395 : i32 to vector<256x64xi32>
    %sub3A_397 = arith.subi %min3A_393, %sub3A_396 : vector<256x64xi32>
    %jit3A_398 = arith.constant 0 : i32
    %jit3A_399 = arith.constant 127 : i32
    %max3A_400 = vector.broadcast %jit3A_398 : i32 to vector<256x64xi32>
    %max3A_401 = arith.maxsi %max3A_400, %sub3A_397 : vector<256x64xi32>
    %min3A_402 = vector.broadcast %jit3A_399 : i32 to vector<256x64xi32>
    %min3A_403 = arith.minsi %min3A_402, %max3A_401 : vector<256x64xi32>
    %lt3A_404 = arith.constant 0 : i32
    %lt3A_405 = vector.broadcast %lt3A_404 : i32 to vector<256x64xi32>
    %lt3A_406 = arith.cmpi slt, %min3A_403, %lt3A_405 : vector<256x64xi32>
    %add3A_407 = arith.constant 128 : i32
    %add3A_408 = vector.broadcast %add3A_407 : i32 to vector<256x64xi32>
    %add3A_409 = arith.addi %min3A_403, %add3A_408 : vector<256x64xi32>
    %select_n3A_410 = arith.select %lt3A_406, %add3A_409, %min3A_403 : vector<256x64xi1>, vector<256x64xi32>
    %reshape3A_411 = vector.shape_cast %select_n3A_410 : vector<256x64xi32> to vector<256x64x1xi32>
    %gather3A_412 = vector.shape_cast %reshape3A_411 : vector<256x64x1xi32> to vector<256x64xi32>
    %gather3A_413 = tpu.dynamic_gather %slice3A_394[%gather3A_412] in [1] : vector<256x128xi32>, vector<256x64xi32> -> vector<256x64xi32>
    %slice3A_414 = vector.extract_strided_slice %add3A_105 {offsets = [0, 128], sizes = [256, 128], strides = [1, 1]} : vector<256x256xi32> to vector<256x128xi32>
    %sub3A_415 = arith.constant 128 : i32
    %sub3A_416 = vector.broadcast %sub3A_415 : i32 to vector<256x64xi32>
    %sub3A_417 = arith.subi %min3A_393, %sub3A_416 : vector<256x64xi32>
    %jit3A_418 = arith.constant 0 : i32
    %jit3A_419 = arith.constant 127 : i32
    %max3A_420 = vector.broadcast %jit3A_418 : i32 to vector<256x64xi32>
    %max3A_421 = arith.maxsi %max3A_420, %sub3A_417 : vector<256x64xi32>
    %min3A_422 = vector.broadcast %jit3A_419 : i32 to vector<256x64xi32>
    %min3A_423 = arith.minsi %min3A_422, %max3A_421 : vector<256x64xi32>
    %lt3A_424 = arith.constant 0 : i32
    %lt3A_425 = vector.broadcast %lt3A_424 : i32 to vector<256x64xi32>
    %lt3A_426 = arith.cmpi slt, %min3A_423, %lt3A_425 : vector<256x64xi32>
    %add3A_427 = arith.constant 128 : i32
    %add3A_428 = vector.broadcast %add3A_427 : i32 to vector<256x64xi32>
    %add3A_429 = arith.addi %min3A_423, %add3A_428 : vector<256x64xi32>
    %select_n3A_430 = arith.select %lt3A_426, %add3A_429, %min3A_423 : vector<256x64xi1>, vector<256x64xi32>
    %reshape3A_431 = vector.shape_cast %select_n3A_430 : vector<256x64xi32> to vector<256x64x1xi32>
    %gather3A_432 = vector.shape_cast %reshape3A_431 : vector<256x64x1xi32> to vector<256x64xi32>
    %gather3A_433 = tpu.dynamic_gather %slice3A_414[%gather3A_432] in [1] : vector<256x128xi32>, vector<256x64xi32> -> vector<256x64xi32>
    %ge3A_434 = arith.constant 128 : i32
    %ge3A_435 = vector.broadcast %ge3A_434 : i32 to vector<256x64xi32>
    %ge3A_436 = arith.cmpi sge, %min3A_393, %ge3A_435 : vector<256x64xi32>
    %select_n3A_437 = arith.select %ge3A_436, %gather3A_433, %gather3A_413 : vector<256x64xi1>, vector<256x64xi32>
    %lt3A_438 = arith.cmpi slt, %select_n3A_437, %add3A_109 : vector<256x64xi32>
    %add3A_439 = arith.constant 1 : i32
    %add3A_440 = vector.broadcast %add3A_439 : i32 to vector<256x64xi32>
    %add3A_441 = arith.addi %select_n3A_390, %add3A_440 : vector<256x64xi32>
    %select_n3A_442 = arith.select %lt3A_438, %add3A_441, %select_n3A_357 : vector<256x64xi1>, vector<256x64xi32>
    %select_n3A_443 = arith.select %lt3A_438, %select_n3A_358, %select_n3A_390 : vector<256x64xi1>, vector<256x64xi32>
    %add3A_444 = arith.addi %select_n3A_442, %select_n3A_443 : vector<256x64xi32>
    %jit3A_445 = arith.constant 2 : i32
    %div3A_446 = vector.broadcast %jit3A_445 : i32 to vector<256x64xi32>
    %div3A_447 = arith.divsi %add3A_444, %div3A_446 : vector<256x64xi32>
    %sign3A_448 = arith.constant 0 : i32
    %sign3A_449 = vector.broadcast %sign3A_448 : i32 to vector<256x64xi32>
    %sign3A_450 = arith.cmpi sgt, %add3A_444, %sign3A_449 : vector<256x64xi32>
    %sign3A_451 = arith.extui %sign3A_450 : vector<256x64xi1> to vector<256x64xi32>
    %sign3A_452 = arith.constant 0 : i32
    %sign3A_453 = vector.broadcast %sign3A_452 : i32 to vector<256x64xi32>
    %sign3A_454 = arith.cmpi slt, %add3A_444, %sign3A_453 : vector<256x64xi32>
    %sign3A_455 = arith.extui %sign3A_454 : vector<256x64xi1> to vector<256x64xi32>
    %sign3A_456 = arith.subi %sign3A_451, %sign3A_455 : vector<256x64xi32>
    %sign3A_457 = arith.constant 0 : i32
    %sign3A_458 = arith.cmpi sgt, %jit3A_445, %sign3A_457 : i32
    %sign3A_459 = arith.extui %sign3A_458 : i1 to i32
    %sign3A_460 = arith.constant 0 : i32
    %sign3A_461 = arith.cmpi slt, %jit3A_445, %sign3A_460 : i32
    %sign3A_462 = arith.extui %sign3A_461 : i1 to i32
    %sign3A_463 = arith.subi %sign3A_459, %sign3A_462 : i32
    %ne3A_464 = vector.broadcast %sign3A_463 : i32 to vector<256x64xi32>
    %ne3A_465 = arith.cmpi ne, %sign3A_456, %ne3A_464 : vector<256x64xi32>
    %rem3A_466 = vector.broadcast %jit3A_445 : i32 to vector<256x64xi32>
    %rem3A_467 = arith.remsi %add3A_444, %rem3A_466 : vector<256x64xi32>
    %ne3A_468 = arith.constant 0 : i32
    %ne3A_469 = vector.broadcast %ne3A_468 : i32 to vector<256x64xi32>
    %ne3A_470 = arith.cmpi ne, %rem3A_467, %ne3A_469 : vector<256x64xi32>
    %and3A_471 = arith.andi %ne3A_465, %ne3A_470 : vector<256x64xi1>
    %sub3A_472 = arith.constant 1 : i32
    %sub3A_473 = vector.broadcast %sub3A_472 : i32 to vector<256x64xi32>
    %sub3A_474 = arith.subi %div3A_447, %sub3A_473 : vector<256x64xi32>
    %select_n3A_475 = arith.select %and3A_471, %sub3A_474, %div3A_447 : vector<256x64xi1>, vector<256x64xi32>
    %min3A_476 = arith.constant 255 : i32
    %min3A_477 = vector.broadcast %min3A_476 : i32 to vector<256x64xi32>
    %min3A_478 = arith.minsi %select_n3A_475, %min3A_477 : vector<256x64xi32>
    %slice3A_479 = vector.extract_strided_slice %add3A_105 {offsets = [0, 0], sizes = [256, 128], strides = [1, 1]} : vector<256x256xi32> to vector<256x128xi32>
    %sub3A_480 = arith.constant 0 : i32
    %sub3A_481 = vector.broadcast %sub3A_480 : i32 to vector<256x64xi32>
    %sub3A_482 = arith.subi %min3A_478, %sub3A_481 : vector<256x64xi32>
    %jit3A_483 = arith.constant 0 : i32
    %jit3A_484 = arith.constant 127 : i32
    %max3A_485 = vector.broadcast %jit3A_483 : i32 to vector<256x64xi32>
    %max3A_486 = arith.maxsi %max3A_485, %sub3A_482 : vector<256x64xi32>
    %min3A_487 = vector.broadcast %jit3A_484 : i32 to vector<256x64xi32>
    %min3A_488 = arith.minsi %min3A_487, %max3A_486 : vector<256x64xi32>
    %lt3A_489 = arith.constant 0 : i32
    %lt3A_490 = vector.broadcast %lt3A_489 : i32 to vector<256x64xi32>
    %lt3A_491 = arith.cmpi slt, %min3A_488, %lt3A_490 : vector<256x64xi32>
    %add3A_492 = arith.constant 128 : i32
    %add3A_493 = vector.broadcast %add3A_492 : i32 to vector<256x64xi32>
    %add3A_494 = arith.addi %min3A_488, %add3A_493 : vector<256x64xi32>
    %select_n3A_495 = arith.select %lt3A_491, %add3A_494, %min3A_488 : vector<256x64xi1>, vector<256x64xi32>
    %reshape3A_496 = vector.shape_cast %select_n3A_495 : vector<256x64xi32> to vector<256x64x1xi32>
    %gather3A_497 = vector.shape_cast %reshape3A_496 : vector<256x64x1xi32> to vector<256x64xi32>
    %gather3A_498 = tpu.dynamic_gather %slice3A_479[%gather3A_497] in [1] : vector<256x128xi32>, vector<256x64xi32> -> vector<256x64xi32>
    %slice3A_499 = vector.extract_strided_slice %add3A_105 {offsets = [0, 128], sizes = [256, 128], strides = [1, 1]} : vector<256x256xi32> to vector<256x128xi32>
    %sub3A_500 = arith.constant 128 : i32
    %sub3A_501 = vector.broadcast %sub3A_500 : i32 to vector<256x64xi32>
    %sub3A_502 = arith.subi %min3A_478, %sub3A_501 : vector<256x64xi32>
    %jit3A_503 = arith.constant 0 : i32
    %jit3A_504 = arith.constant 127 : i32
    %max3A_505 = vector.broadcast %jit3A_503 : i32 to vector<256x64xi32>
    %max3A_506 = arith.maxsi %max3A_505, %sub3A_502 : vector<256x64xi32>
    %min3A_507 = vector.broadcast %jit3A_504 : i32 to vector<256x64xi32>
    %min3A_508 = arith.minsi %min3A_507, %max3A_506 : vector<256x64xi32>
    %lt3A_509 = arith.constant 0 : i32
    %lt3A_510 = vector.broadcast %lt3A_509 : i32 to vector<256x64xi32>
    %lt3A_511 = arith.cmpi slt, %min3A_508, %lt3A_510 : vector<256x64xi32>
    %add3A_512 = arith.constant 128 : i32
    %add3A_513 = vector.broadcast %add3A_512 : i32 to vector<256x64xi32>
    %add3A_514 = arith.addi %min3A_508, %add3A_513 : vector<256x64xi32>
    %select_n3A_515 = arith.select %lt3A_511, %add3A_514, %min3A_508 : vector<256x64xi1>, vector<256x64xi32>
    %reshape3A_516 = vector.shape_cast %select_n3A_515 : vector<256x64xi32> to vector<256x64x1xi32>
    %gather3A_517 = vector.shape_cast %reshape3A_516 : vector<256x64x1xi32> to vector<256x64xi32>
    %gather3A_518 = tpu.dynamic_gather %slice3A_499[%gather3A_517] in [1] : vector<256x128xi32>, vector<256x64xi32> -> vector<256x64xi32>
    %ge3A_519 = arith.constant 128 : i32
    %ge3A_520 = vector.broadcast %ge3A_519 : i32 to vector<256x64xi32>
    %ge3A_521 = arith.cmpi sge, %min3A_478, %ge3A_520 : vector<256x64xi32>
    %select_n3A_522 = arith.select %ge3A_521, %gather3A_518, %gather3A_498 : vector<256x64xi1>, vector<256x64xi32>
    %lt3A_523 = arith.cmpi slt, %select_n3A_522, %add3A_109 : vector<256x64xi32>
    %add3A_524 = arith.constant 1 : i32
    %add3A_525 = vector.broadcast %add3A_524 : i32 to vector<256x64xi32>
    %add3A_526 = arith.addi %select_n3A_475, %add3A_525 : vector<256x64xi32>
    %select_n3A_527 = arith.select %lt3A_523, %add3A_526, %select_n3A_442 : vector<256x64xi1>, vector<256x64xi32>
    %select_n3A_528 = arith.select %lt3A_523, %select_n3A_443, %select_n3A_475 : vector<256x64xi1>, vector<256x64xi32>
    %add3A_529 = arith.addi %select_n3A_527, %select_n3A_528 : vector<256x64xi32>
    %jit3A_530 = arith.constant 2 : i32
    %div3A_531 = vector.broadcast %jit3A_530 : i32 to vector<256x64xi32>
    %div3A_532 = arith.divsi %add3A_529, %div3A_531 : vector<256x64xi32>
    %sign3A_533 = arith.constant 0 : i32
    %sign3A_534 = vector.broadcast %sign3A_533 : i32 to vector<256x64xi32>
    %sign3A_535 = arith.cmpi sgt, %add3A_529, %sign3A_534 : vector<256x64xi32>
    %sign3A_536 = arith.extui %sign3A_535 : vector<256x64xi1> to vector<256x64xi32>
    %sign3A_537 = arith.constant 0 : i32
    %sign3A_538 = vector.broadcast %sign3A_537 : i32 to vector<256x64xi32>
    %sign3A_539 = arith.cmpi slt, %add3A_529, %sign3A_538 : vector<256x64xi32>
    %sign3A_540 = arith.extui %sign3A_539 : vector<256x64xi1> to vector<256x64xi32>
    %sign3A_541 = arith.subi %sign3A_536, %sign3A_540 : vector<256x64xi32>
    %sign3A_542 = arith.constant 0 : i32
    %sign3A_543 = arith.cmpi sgt, %jit3A_530, %sign3A_542 : i32
    %sign3A_544 = arith.extui %sign3A_543 : i1 to i32
    %sign3A_545 = arith.constant 0 : i32
    %sign3A_546 = arith.cmpi slt, %jit3A_530, %sign3A_545 : i32
    %sign3A_547 = arith.extui %sign3A_546 : i1 to i32
    %sign3A_548 = arith.subi %sign3A_544, %sign3A_547 : i32
    %ne3A_549 = vector.broadcast %sign3A_548 : i32 to vector<256x64xi32>
    %ne3A_550 = arith.cmpi ne, %sign3A_541, %ne3A_549 : vector<256x64xi32>
    %rem3A_551 = vector.broadcast %jit3A_530 : i32 to vector<256x64xi32>
    %rem3A_552 = arith.remsi %add3A_529, %rem3A_551 : vector<256x64xi32>
    %ne3A_553 = arith.constant 0 : i32
    %ne3A_554 = vector.broadcast %ne3A_553 : i32 to vector<256x64xi32>
    %ne3A_555 = arith.cmpi ne, %rem3A_552, %ne3A_554 : vector<256x64xi32>
    %and3A_556 = arith.andi %ne3A_550, %ne3A_555 : vector<256x64xi1>
    %sub3A_557 = arith.constant 1 : i32
    %sub3A_558 = vector.broadcast %sub3A_557 : i32 to vector<256x64xi32>
    %sub3A_559 = arith.subi %div3A_532, %sub3A_558 : vector<256x64xi32>
    %select_n3A_560 = arith.select %and3A_556, %sub3A_559, %div3A_532 : vector<256x64xi1>, vector<256x64xi32>
    %min3A_561 = arith.constant 255 : i32
    %min3A_562 = vector.broadcast %min3A_561 : i32 to vector<256x64xi32>
    %min3A_563 = arith.minsi %select_n3A_560, %min3A_562 : vector<256x64xi32>
    %slice3A_564 = vector.extract_strided_slice %add3A_105 {offsets = [0, 0], sizes = [256, 128], strides = [1, 1]} : vector<256x256xi32> to vector<256x128xi32>
    %sub3A_565 = arith.constant 0 : i32
    %sub3A_566 = vector.broadcast %sub3A_565 : i32 to vector<256x64xi32>
    %sub3A_567 = arith.subi %min3A_563, %sub3A_566 : vector<256x64xi32>
    %jit3A_568 = arith.constant 0 : i32
    %jit3A_569 = arith.constant 127 : i32
    %max3A_570 = vector.broadcast %jit3A_568 : i32 to vector<256x64xi32>
    %max3A_571 = arith.maxsi %max3A_570, %sub3A_567 : vector<256x64xi32>
    %min3A_572 = vector.broadcast %jit3A_569 : i32 to vector<256x64xi32>
    %min3A_573 = arith.minsi %min3A_572, %max3A_571 : vector<256x64xi32>
    %lt3A_574 = arith.constant 0 : i32
    %lt3A_575 = vector.broadcast %lt3A_574 : i32 to vector<256x64xi32>
    %lt3A_576 = arith.cmpi slt, %min3A_573, %lt3A_575 : vector<256x64xi32>
    %add3A_577 = arith.constant 128 : i32
    %add3A_578 = vector.broadcast %add3A_577 : i32 to vector<256x64xi32>
    %add3A_579 = arith.addi %min3A_573, %add3A_578 : vector<256x64xi32>
    %select_n3A_580 = arith.select %lt3A_576, %add3A_579, %min3A_573 : vector<256x64xi1>, vector<256x64xi32>
    %reshape3A_581 = vector.shape_cast %select_n3A_580 : vector<256x64xi32> to vector<256x64x1xi32>
    %gather3A_582 = vector.shape_cast %reshape3A_581 : vector<256x64x1xi32> to vector<256x64xi32>
    %gather3A_583 = tpu.dynamic_gather %slice3A_564[%gather3A_582] in [1] : vector<256x128xi32>, vector<256x64xi32> -> vector<256x64xi32>
    %slice3A_584 = vector.extract_strided_slice %add3A_105 {offsets = [0, 128], sizes = [256, 128], strides = [1, 1]} : vector<256x256xi32> to vector<256x128xi32>
    %sub3A_585 = arith.constant 128 : i32
    %sub3A_586 = vector.broadcast %sub3A_585 : i32 to vector<256x64xi32>
    %sub3A_587 = arith.subi %min3A_563, %sub3A_586 : vector<256x64xi32>
    %jit3A_588 = arith.constant 0 : i32
    %jit3A_589 = arith.constant 127 : i32
    %max3A_590 = vector.broadcast %jit3A_588 : i32 to vector<256x64xi32>
    %max3A_591 = arith.maxsi %max3A_590, %sub3A_587 : vector<256x64xi32>
    %min3A_592 = vector.broadcast %jit3A_589 : i32 to vector<256x64xi32>
    %min3A_593 = arith.minsi %min3A_592, %max3A_591 : vector<256x64xi32>
    %lt3A_594 = arith.constant 0 : i32
    %lt3A_595 = vector.broadcast %lt3A_594 : i32 to vector<256x64xi32>
    %lt3A_596 = arith.cmpi slt, %min3A_593, %lt3A_595 : vector<256x64xi32>
    %add3A_597 = arith.constant 128 : i32
    %add3A_598 = vector.broadcast %add3A_597 : i32 to vector<256x64xi32>
    %add3A_599 = arith.addi %min3A_593, %add3A_598 : vector<256x64xi32>
    %select_n3A_600 = arith.select %lt3A_596, %add3A_599, %min3A_593 : vector<256x64xi1>, vector<256x64xi32>
    %reshape3A_601 = vector.shape_cast %select_n3A_600 : vector<256x64xi32> to vector<256x64x1xi32>
    %gather3A_602 = vector.shape_cast %reshape3A_601 : vector<256x64x1xi32> to vector<256x64xi32>
    %gather3A_603 = tpu.dynamic_gather %slice3A_584[%gather3A_602] in [1] : vector<256x128xi32>, vector<256x64xi32> -> vector<256x64xi32>
    %ge3A_604 = arith.constant 128 : i32
    %ge3A_605 = vector.broadcast %ge3A_604 : i32 to vector<256x64xi32>
    %ge3A_606 = arith.cmpi sge, %min3A_563, %ge3A_605 : vector<256x64xi32>
    %select_n3A_607 = arith.select %ge3A_606, %gather3A_603, %gather3A_583 : vector<256x64xi1>, vector<256x64xi32>
    %lt3A_608 = arith.cmpi slt, %select_n3A_607, %add3A_109 : vector<256x64xi32>
    %add3A_609 = arith.constant 1 : i32
    %add3A_610 = vector.broadcast %add3A_609 : i32 to vector<256x64xi32>
    %add3A_611 = arith.addi %select_n3A_560, %add3A_610 : vector<256x64xi32>
    %select_n3A_612 = arith.select %lt3A_608, %add3A_611, %select_n3A_527 : vector<256x64xi1>, vector<256x64xi32>
    %select_n3A_613 = arith.select %lt3A_608, %select_n3A_528, %select_n3A_560 : vector<256x64xi1>, vector<256x64xi32>
    %add3A_614 = arith.addi %select_n3A_612, %select_n3A_613 : vector<256x64xi32>
    %jit3A_615 = arith.constant 2 : i32
    %div3A_616 = vector.broadcast %jit3A_615 : i32 to vector<256x64xi32>
    %div3A_617 = arith.divsi %add3A_614, %div3A_616 : vector<256x64xi32>
    %sign3A_618 = arith.constant 0 : i32
    %sign3A_619 = vector.broadcast %sign3A_618 : i32 to vector<256x64xi32>
    %sign3A_620 = arith.cmpi sgt, %add3A_614, %sign3A_619 : vector<256x64xi32>
    %sign3A_621 = arith.extui %sign3A_620 : vector<256x64xi1> to vector<256x64xi32>
    %sign3A_622 = arith.constant 0 : i32
    %sign3A_623 = vector.broadcast %sign3A_622 : i32 to vector<256x64xi32>
    %sign3A_624 = arith.cmpi slt, %add3A_614, %sign3A_623 : vector<256x64xi32>
    %sign3A_625 = arith.extui %sign3A_624 : vector<256x64xi1> to vector<256x64xi32>
    %sign3A_626 = arith.subi %sign3A_621, %sign3A_625 : vector<256x64xi32>
    %sign3A_627 = arith.constant 0 : i32
    %sign3A_628 = arith.cmpi sgt, %jit3A_615, %sign3A_627 : i32
    %sign3A_629 = arith.extui %sign3A_628 : i1 to i32
    %sign3A_630 = arith.constant 0 : i32
    %sign3A_631 = arith.cmpi slt, %jit3A_615, %sign3A_630 : i32
    %sign3A_632 = arith.extui %sign3A_631 : i1 to i32
    %sign3A_633 = arith.subi %sign3A_629, %sign3A_632 : i32
    %ne3A_634 = vector.broadcast %sign3A_633 : i32 to vector<256x64xi32>
    %ne3A_635 = arith.cmpi ne, %sign3A_626, %ne3A_634 : vector<256x64xi32>
    %rem3A_636 = vector.broadcast %jit3A_615 : i32 to vector<256x64xi32>
    %rem3A_637 = arith.remsi %add3A_614, %rem3A_636 : vector<256x64xi32>
    %ne3A_638 = arith.constant 0 : i32
    %ne3A_639 = vector.broadcast %ne3A_638 : i32 to vector<256x64xi32>
    %ne3A_640 = arith.cmpi ne, %rem3A_637, %ne3A_639 : vector<256x64xi32>
    %and3A_641 = arith.andi %ne3A_635, %ne3A_640 : vector<256x64xi1>
    %sub3A_642 = arith.constant 1 : i32
    %sub3A_643 = vector.broadcast %sub3A_642 : i32 to vector<256x64xi32>
    %sub3A_644 = arith.subi %div3A_617, %sub3A_643 : vector<256x64xi32>
    %select_n3A_645 = arith.select %and3A_641, %sub3A_644, %div3A_617 : vector<256x64xi1>, vector<256x64xi32>
    %min3A_646 = arith.constant 255 : i32
    %min3A_647 = vector.broadcast %min3A_646 : i32 to vector<256x64xi32>
    %min3A_648 = arith.minsi %select_n3A_645, %min3A_647 : vector<256x64xi32>
    %slice3A_649 = vector.extract_strided_slice %add3A_105 {offsets = [0, 0], sizes = [256, 128], strides = [1, 1]} : vector<256x256xi32> to vector<256x128xi32>
    %sub3A_650 = arith.constant 0 : i32
    %sub3A_651 = vector.broadcast %sub3A_650 : i32 to vector<256x64xi32>
    %sub3A_652 = arith.subi %min3A_648, %sub3A_651 : vector<256x64xi32>
    %jit3A_653 = arith.constant 0 : i32
    %jit3A_654 = arith.constant 127 : i32
    %max3A_655 = vector.broadcast %jit3A_653 : i32 to vector<256x64xi32>
    %max3A_656 = arith.maxsi %max3A_655, %sub3A_652 : vector<256x64xi32>
    %min3A_657 = vector.broadcast %jit3A_654 : i32 to vector<256x64xi32>
    %min3A_658 = arith.minsi %min3A_657, %max3A_656 : vector<256x64xi32>
    %lt3A_659 = arith.constant 0 : i32
    %lt3A_660 = vector.broadcast %lt3A_659 : i32 to vector<256x64xi32>
    %lt3A_661 = arith.cmpi slt, %min3A_658, %lt3A_660 : vector<256x64xi32>
    %add3A_662 = arith.constant 128 : i32
    %add3A_663 = vector.broadcast %add3A_662 : i32 to vector<256x64xi32>
    %add3A_664 = arith.addi %min3A_658, %add3A_663 : vector<256x64xi32>
    %select_n3A_665 = arith.select %lt3A_661, %add3A_664, %min3A_658 : vector<256x64xi1>, vector<256x64xi32>
    %reshape3A_666 = vector.shape_cast %select_n3A_665 : vector<256x64xi32> to vector<256x64x1xi32>
    %gather3A_667 = vector.shape_cast %reshape3A_666 : vector<256x64x1xi32> to vector<256x64xi32>
    %gather3A_668 = tpu.dynamic_gather %slice3A_649[%gather3A_667] in [1] : vector<256x128xi32>, vector<256x64xi32> -> vector<256x64xi32>
    %slice3A_669 = vector.extract_strided_slice %add3A_105 {offsets = [0, 128], sizes = [256, 128], strides = [1, 1]} : vector<256x256xi32> to vector<256x128xi32>
    %sub3A_670 = arith.constant 128 : i32
    %sub3A_671 = vector.broadcast %sub3A_670 : i32 to vector<256x64xi32>
    %sub3A_672 = arith.subi %min3A_648, %sub3A_671 : vector<256x64xi32>
    %jit3A_673 = arith.constant 0 : i32
    %jit3A_674 = arith.constant 127 : i32
    %max3A_675 = vector.broadcast %jit3A_673 : i32 to vector<256x64xi32>
    %max3A_676 = arith.maxsi %max3A_675, %sub3A_672 : vector<256x64xi32>
    %min3A_677 = vector.broadcast %jit3A_674 : i32 to vector<256x64xi32>
    %min3A_678 = arith.minsi %min3A_677, %max3A_676 : vector<256x64xi32>
    %lt3A_679 = arith.constant 0 : i32
    %lt3A_680 = vector.broadcast %lt3A_679 : i32 to vector<256x64xi32>
    %lt3A_681 = arith.cmpi slt, %min3A_678, %lt3A_680 : vector<256x64xi32>
    %add3A_682 = arith.constant 128 : i32
    %add3A_683 = vector.broadcast %add3A_682 : i32 to vector<256x64xi32>
    %add3A_684 = arith.addi %min3A_678, %add3A_683 : vector<256x64xi32>
    %select_n3A_685 = arith.select %lt3A_681, %add3A_684, %min3A_678 : vector<256x64xi1>, vector<256x64xi32>
    %reshape3A_686 = vector.shape_cast %select_n3A_685 : vector<256x64xi32> to vector<256x64x1xi32>
    %gather3A_687 = vector.shape_cast %reshape3A_686 : vector<256x64x1xi32> to vector<256x64xi32>
    %gather3A_688 = tpu.dynamic_gather %slice3A_669[%gather3A_687] in [1] : vector<256x128xi32>, vector<256x64xi32> -> vector<256x64xi32>
    %ge3A_689 = arith.constant 128 : i32
    %ge3A_690 = vector.broadcast %ge3A_689 : i32 to vector<256x64xi32>
    %ge3A_691 = arith.cmpi sge, %min3A_648, %ge3A_690 : vector<256x64xi32>
    %select_n3A_692 = arith.select %ge3A_691, %gather3A_688, %gather3A_668 : vector<256x64xi1>, vector<256x64xi32>
    %lt3A_693 = arith.cmpi slt, %select_n3A_692, %add3A_109 : vector<256x64xi32>
    %add3A_694 = arith.constant 1 : i32
    %add3A_695 = vector.broadcast %add3A_694 : i32 to vector<256x64xi32>
    %add3A_696 = arith.addi %select_n3A_645, %add3A_695 : vector<256x64xi32>
    %select_n3A_697 = arith.select %lt3A_693, %add3A_696, %select_n3A_612 : vector<256x64xi1>, vector<256x64xi32>
    %select_n3A_698 = arith.select %lt3A_693, %select_n3A_613, %select_n3A_645 : vector<256x64xi1>, vector<256x64xi32>
    %add3A_699 = arith.addi %select_n3A_697, %select_n3A_698 : vector<256x64xi32>
    %jit3A_700 = arith.constant 2 : i32
    %div3A_701 = vector.broadcast %jit3A_700 : i32 to vector<256x64xi32>
    %div3A_702 = arith.divsi %add3A_699, %div3A_701 : vector<256x64xi32>
    %sign3A_703 = arith.constant 0 : i32
    %sign3A_704 = vector.broadcast %sign3A_703 : i32 to vector<256x64xi32>
    %sign3A_705 = arith.cmpi sgt, %add3A_699, %sign3A_704 : vector<256x64xi32>
    %sign3A_706 = arith.extui %sign3A_705 : vector<256x64xi1> to vector<256x64xi32>
    %sign3A_707 = arith.constant 0 : i32
    %sign3A_708 = vector.broadcast %sign3A_707 : i32 to vector<256x64xi32>
    %sign3A_709 = arith.cmpi slt, %add3A_699, %sign3A_708 : vector<256x64xi32>
    %sign3A_710 = arith.extui %sign3A_709 : vector<256x64xi1> to vector<256x64xi32>
    %sign3A_711 = arith.subi %sign3A_706, %sign3A_710 : vector<256x64xi32>
    %sign3A_712 = arith.constant 0 : i32
    %sign3A_713 = arith.cmpi sgt, %jit3A_700, %sign3A_712 : i32
    %sign3A_714 = arith.extui %sign3A_713 : i1 to i32
    %sign3A_715 = arith.constant 0 : i32
    %sign3A_716 = arith.cmpi slt, %jit3A_700, %sign3A_715 : i32
    %sign3A_717 = arith.extui %sign3A_716 : i1 to i32
    %sign3A_718 = arith.subi %sign3A_714, %sign3A_717 : i32
    %ne3A_719 = vector.broadcast %sign3A_718 : i32 to vector<256x64xi32>
    %ne3A_720 = arith.cmpi ne, %sign3A_711, %ne3A_719 : vector<256x64xi32>
    %rem3A_721 = vector.broadcast %jit3A_700 : i32 to vector<256x64xi32>
    %rem3A_722 = arith.remsi %add3A_699, %rem3A_721 : vector<256x64xi32>
    %ne3A_723 = arith.constant 0 : i32
    %ne3A_724 = vector.broadcast %ne3A_723 : i32 to vector<256x64xi32>
    %ne3A_725 = arith.cmpi ne, %rem3A_722, %ne3A_724 : vector<256x64xi32>
    %and3A_726 = arith.andi %ne3A_720, %ne3A_725 : vector<256x64xi1>
    %sub3A_727 = arith.constant 1 : i32
    %sub3A_728 = vector.broadcast %sub3A_727 : i32 to vector<256x64xi32>
    %sub3A_729 = arith.subi %div3A_702, %sub3A_728 : vector<256x64xi32>
    %select_n3A_730 = arith.select %and3A_726, %sub3A_729, %div3A_702 : vector<256x64xi1>, vector<256x64xi32>
    %min3A_731 = arith.constant 255 : i32
    %min3A_732 = vector.broadcast %min3A_731 : i32 to vector<256x64xi32>
    %min3A_733 = arith.minsi %select_n3A_730, %min3A_732 : vector<256x64xi32>
    %slice3A_734 = vector.extract_strided_slice %add3A_105 {offsets = [0, 0], sizes = [256, 128], strides = [1, 1]} : vector<256x256xi32> to vector<256x128xi32>
    %sub3A_735 = arith.constant 0 : i32
    %sub3A_736 = vector.broadcast %sub3A_735 : i32 to vector<256x64xi32>
    %sub3A_737 = arith.subi %min3A_733, %sub3A_736 : vector<256x64xi32>
    %jit3A_738 = arith.constant 0 : i32
    %jit3A_739 = arith.constant 127 : i32
    %max3A_740 = vector.broadcast %jit3A_738 : i32 to vector<256x64xi32>
    %max3A_741 = arith.maxsi %max3A_740, %sub3A_737 : vector<256x64xi32>
    %min3A_742 = vector.broadcast %jit3A_739 : i32 to vector<256x64xi32>
    %min3A_743 = arith.minsi %min3A_742, %max3A_741 : vector<256x64xi32>
    %lt3A_744 = arith.constant 0 : i32
    %lt3A_745 = vector.broadcast %lt3A_744 : i32 to vector<256x64xi32>
    %lt3A_746 = arith.cmpi slt, %min3A_743, %lt3A_745 : vector<256x64xi32>
    %add3A_747 = arith.constant 128 : i32
    %add3A_748 = vector.broadcast %add3A_747 : i32 to vector<256x64xi32>
    %add3A_749 = arith.addi %min3A_743, %add3A_748 : vector<256x64xi32>
    %select_n3A_750 = arith.select %lt3A_746, %add3A_749, %min3A_743 : vector<256x64xi1>, vector<256x64xi32>
    %reshape3A_751 = vector.shape_cast %select_n3A_750 : vector<256x64xi32> to vector<256x64x1xi32>
    %gather3A_752 = vector.shape_cast %reshape3A_751 : vector<256x64x1xi32> to vector<256x64xi32>
    %gather3A_753 = tpu.dynamic_gather %slice3A_734[%gather3A_752] in [1] : vector<256x128xi32>, vector<256x64xi32> -> vector<256x64xi32>
    %slice3A_754 = vector.extract_strided_slice %add3A_105 {offsets = [0, 128], sizes = [256, 128], strides = [1, 1]} : vector<256x256xi32> to vector<256x128xi32>
    %sub3A_755 = arith.constant 128 : i32
    %sub3A_756 = vector.broadcast %sub3A_755 : i32 to vector<256x64xi32>
    %sub3A_757 = arith.subi %min3A_733, %sub3A_756 : vector<256x64xi32>
    %jit3A_758 = arith.constant 0 : i32
    %jit3A_759 = arith.constant 127 : i32
    %max3A_760 = vector.broadcast %jit3A_758 : i32 to vector<256x64xi32>
    %max3A_761 = arith.maxsi %max3A_760, %sub3A_757 : vector<256x64xi32>
    %min3A_762 = vector.broadcast %jit3A_759 : i32 to vector<256x64xi32>
    %min3A_763 = arith.minsi %min3A_762, %max3A_761 : vector<256x64xi32>
    %lt3A_764 = arith.constant 0 : i32
    %lt3A_765 = vector.broadcast %lt3A_764 : i32 to vector<256x64xi32>
    %lt3A_766 = arith.cmpi slt, %min3A_763, %lt3A_765 : vector<256x64xi32>
    %add3A_767 = arith.constant 128 : i32
    %add3A_768 = vector.broadcast %add3A_767 : i32 to vector<256x64xi32>
    %add3A_769 = arith.addi %min3A_763, %add3A_768 : vector<256x64xi32>
    %select_n3A_770 = arith.select %lt3A_766, %add3A_769, %min3A_763 : vector<256x64xi1>, vector<256x64xi32>
    %reshape3A_771 = vector.shape_cast %select_n3A_770 : vector<256x64xi32> to vector<256x64x1xi32>
    %gather3A_772 = vector.shape_cast %reshape3A_771 : vector<256x64x1xi32> to vector<256x64xi32>
    %gather3A_773 = tpu.dynamic_gather %slice3A_754[%gather3A_772] in [1] : vector<256x128xi32>, vector<256x64xi32> -> vector<256x64xi32>
    %ge3A_774 = arith.constant 128 : i32
    %ge3A_775 = vector.broadcast %ge3A_774 : i32 to vector<256x64xi32>
    %ge3A_776 = arith.cmpi sge, %min3A_733, %ge3A_775 : vector<256x64xi32>
    %select_n3A_777 = arith.select %ge3A_776, %gather3A_773, %gather3A_753 : vector<256x64xi1>, vector<256x64xi32>
    %lt3A_778 = arith.cmpi slt, %select_n3A_777, %add3A_109 : vector<256x64xi32>
    %add3A_779 = arith.constant 1 : i32
    %add3A_780 = vector.broadcast %add3A_779 : i32 to vector<256x64xi32>
    %add3A_781 = arith.addi %select_n3A_730, %add3A_780 : vector<256x64xi32>
    %select_n3A_782 = arith.select %lt3A_778, %add3A_781, %select_n3A_697 : vector<256x64xi1>, vector<256x64xi32>
    %select_n3A_783 = arith.select %lt3A_778, %select_n3A_698, %select_n3A_730 : vector<256x64xi1>, vector<256x64xi32>
    %add3A_784 = arith.addi %select_n3A_782, %select_n3A_783 : vector<256x64xi32>
    %jit3A_785 = arith.constant 2 : i32
    %div3A_786 = vector.broadcast %jit3A_785 : i32 to vector<256x64xi32>
    %div3A_787 = arith.divsi %add3A_784, %div3A_786 : vector<256x64xi32>
    %sign3A_788 = arith.constant 0 : i32
    %sign3A_789 = vector.broadcast %sign3A_788 : i32 to vector<256x64xi32>
    %sign3A_790 = arith.cmpi sgt, %add3A_784, %sign3A_789 : vector<256x64xi32>
    %sign3A_791 = arith.extui %sign3A_790 : vector<256x64xi1> to vector<256x64xi32>
    %sign3A_792 = arith.constant 0 : i32
    %sign3A_793 = vector.broadcast %sign3A_792 : i32 to vector<256x64xi32>
    %sign3A_794 = arith.cmpi slt, %add3A_784, %sign3A_793 : vector<256x64xi32>
    %sign3A_795 = arith.extui %sign3A_794 : vector<256x64xi1> to vector<256x64xi32>
    %sign3A_796 = arith.subi %sign3A_791, %sign3A_795 : vector<256x64xi32>
    %sign3A_797 = arith.constant 0 : i32
    %sign3A_798 = arith.cmpi sgt, %jit3A_785, %sign3A_797 : i32
    %sign3A_799 = arith.extui %sign3A_798 : i1 to i32
    %sign3A_800 = arith.constant 0 : i32
    %sign3A_801 = arith.cmpi slt, %jit3A_785, %sign3A_800 : i32
    %sign3A_802 = arith.extui %sign3A_801 : i1 to i32
    %sign3A_803 = arith.subi %sign3A_799, %sign3A_802 : i32
    %ne3A_804 = vector.broadcast %sign3A_803 : i32 to vector<256x64xi32>
    %ne3A_805 = arith.cmpi ne, %sign3A_796, %ne3A_804 : vector<256x64xi32>
    %rem3A_806 = vector.broadcast %jit3A_785 : i32 to vector<256x64xi32>
    %rem3A_807 = arith.remsi %add3A_784, %rem3A_806 : vector<256x64xi32>
    %ne3A_808 = arith.constant 0 : i32
    %ne3A_809 = vector.broadcast %ne3A_808 : i32 to vector<256x64xi32>
    %ne3A_810 = arith.cmpi ne, %rem3A_807, %ne3A_809 : vector<256x64xi32>
    %and3A_811 = arith.andi %ne3A_805, %ne3A_810 : vector<256x64xi1>
    %sub3A_812 = arith.constant 1 : i32
    %sub3A_813 = vector.broadcast %sub3A_812 : i32 to vector<256x64xi32>
    %sub3A_814 = arith.subi %div3A_787, %sub3A_813 : vector<256x64xi32>
    %select_n3A_815 = arith.select %and3A_811, %sub3A_814, %div3A_787 : vector<256x64xi1>, vector<256x64xi32>
    %min3A_816 = arith.constant 255 : i32
    %min3A_817 = vector.broadcast %min3A_816 : i32 to vector<256x64xi32>
    %min3A_818 = arith.minsi %select_n3A_815, %min3A_817 : vector<256x64xi32>
    %slice3A_819 = vector.extract_strided_slice %add3A_105 {offsets = [0, 0], sizes = [256, 128], strides = [1, 1]} : vector<256x256xi32> to vector<256x128xi32>
    %sub3A_820 = arith.constant 0 : i32
    %sub3A_821 = vector.broadcast %sub3A_820 : i32 to vector<256x64xi32>
    %sub3A_822 = arith.subi %min3A_818, %sub3A_821 : vector<256x64xi32>
    %jit3A_823 = arith.constant 0 : i32
    %jit3A_824 = arith.constant 127 : i32
    %max3A_825 = vector.broadcast %jit3A_823 : i32 to vector<256x64xi32>
    %max3A_826 = arith.maxsi %max3A_825, %sub3A_822 : vector<256x64xi32>
    %min3A_827 = vector.broadcast %jit3A_824 : i32 to vector<256x64xi32>
    %min3A_828 = arith.minsi %min3A_827, %max3A_826 : vector<256x64xi32>
    %lt3A_829 = arith.constant 0 : i32
    %lt3A_830 = vector.broadcast %lt3A_829 : i32 to vector<256x64xi32>
    %lt3A_831 = arith.cmpi slt, %min3A_828, %lt3A_830 : vector<256x64xi32>
    %add3A_832 = arith.constant 128 : i32
    %add3A_833 = vector.broadcast %add3A_832 : i32 to vector<256x64xi32>
    %add3A_834 = arith.addi %min3A_828, %add3A_833 : vector<256x64xi32>
    %select_n3A_835 = arith.select %lt3A_831, %add3A_834, %min3A_828 : vector<256x64xi1>, vector<256x64xi32>
    %reshape3A_836 = vector.shape_cast %select_n3A_835 : vector<256x64xi32> to vector<256x64x1xi32>
    %gather3A_837 = vector.shape_cast %reshape3A_836 : vector<256x64x1xi32> to vector<256x64xi32>
    %gather3A_838 = tpu.dynamic_gather %slice3A_819[%gather3A_837] in [1] : vector<256x128xi32>, vector<256x64xi32> -> vector<256x64xi32>
    %slice3A_839 = vector.extract_strided_slice %add3A_105 {offsets = [0, 128], sizes = [256, 128], strides = [1, 1]} : vector<256x256xi32> to vector<256x128xi32>
    %sub3A_840 = arith.constant 128 : i32
    %sub3A_841 = vector.broadcast %sub3A_840 : i32 to vector<256x64xi32>
    %sub3A_842 = arith.subi %min3A_818, %sub3A_841 : vector<256x64xi32>
    %jit3A_843 = arith.constant 0 : i32
    %jit3A_844 = arith.constant 127 : i32
    %max3A_845 = vector.broadcast %jit3A_843 : i32 to vector<256x64xi32>
    %max3A_846 = arith.maxsi %max3A_845, %sub3A_842 : vector<256x64xi32>
    %min3A_847 = vector.broadcast %jit3A_844 : i32 to vector<256x64xi32>
    %min3A_848 = arith.minsi %min3A_847, %max3A_846 : vector<256x64xi32>
    %lt3A_849 = arith.constant 0 : i32
    %lt3A_850 = vector.broadcast %lt3A_849 : i32 to vector<256x64xi32>
    %lt3A_851 = arith.cmpi slt, %min3A_848, %lt3A_850 : vector<256x64xi32>
    %add3A_852 = arith.constant 128 : i32
    %add3A_853 = vector.broadcast %add3A_852 : i32 to vector<256x64xi32>
    %add3A_854 = arith.addi %min3A_848, %add3A_853 : vector<256x64xi32>
    %select_n3A_855 = arith.select %lt3A_851, %add3A_854, %min3A_848 : vector<256x64xi1>, vector<256x64xi32>
    %reshape3A_856 = vector.shape_cast %select_n3A_855 : vector<256x64xi32> to vector<256x64x1xi32>
    %gather3A_857 = vector.shape_cast %reshape3A_856 : vector<256x64x1xi32> to vector<256x64xi32>
    %gather3A_858 = tpu.dynamic_gather %slice3A_839[%gather3A_857] in [1] : vector<256x128xi32>, vector<256x64xi32> -> vector<256x64xi32>
    %ge3A_859 = arith.constant 128 : i32
    %ge3A_860 = vector.broadcast %ge3A_859 : i32 to vector<256x64xi32>
    %ge3A_861 = arith.cmpi sge, %min3A_818, %ge3A_860 : vector<256x64xi32>
    %select_n3A_862 = arith.select %ge3A_861, %gather3A_858, %gather3A_838 : vector<256x64xi1>, vector<256x64xi32>
    %lt3A_863 = arith.cmpi slt, %select_n3A_862, %add3A_109 : vector<256x64xi32>
    %add3A_864 = arith.constant 1 : i32
    %add3A_865 = vector.broadcast %add3A_864 : i32 to vector<256x64xi32>
    %add3A_866 = arith.addi %select_n3A_815, %add3A_865 : vector<256x64xi32>
    %select_n3A_867 = arith.select %lt3A_863, %add3A_866, %select_n3A_782 : vector<256x64xi1>, vector<256x64xi32>
    %min3A_868 = arith.constant 255 : i32
    %min3A_869 = vector.broadcast %min3A_868 : i32 to vector<256x64xi32>
    %min3A_870 = arith.minsi %select_n3A_867, %min3A_869 : vector<256x64xi32>
    %gt3A = arith.constant 0 : i32
    %gt3A_871 = vector.broadcast %gt3A : i32 to vector<256x64xi32>
    %gt3A_872 = arith.cmpi sgt, %min3A_870, %gt3A_871 : vector<256x64xi32>
    %sub3A_873 = arith.constant 1 : i32
    %sub3A_874 = vector.broadcast %sub3A_873 : i32 to vector<256x64xi32>
    %sub3A_875 = arith.subi %min3A_870, %sub3A_874 : vector<256x64xi32>
    %slice3A_876 = vector.extract_strided_slice %add3A_105 {offsets = [0, 0], sizes = [256, 128], strides = [1, 1]} : vector<256x256xi32> to vector<256x128xi32>
    %sub3A_877 = arith.constant 0 : i32
    %sub3A_878 = vector.broadcast %sub3A_877 : i32 to vector<256x64xi32>
    %sub3A_879 = arith.subi %sub3A_875, %sub3A_878 : vector<256x64xi32>
    %jit3A_880 = arith.constant 0 : i32
    %jit3A_881 = arith.constant 127 : i32
    %max3A_882 = vector.broadcast %jit3A_880 : i32 to vector<256x64xi32>
    %max3A_883 = arith.maxsi %max3A_882, %sub3A_879 : vector<256x64xi32>
    %min3A_884 = vector.broadcast %jit3A_881 : i32 to vector<256x64xi32>
    %min3A_885 = arith.minsi %min3A_884, %max3A_883 : vector<256x64xi32>
    %lt3A_886 = arith.constant 0 : i32
    %lt3A_887 = vector.broadcast %lt3A_886 : i32 to vector<256x64xi32>
    %lt3A_888 = arith.cmpi slt, %min3A_885, %lt3A_887 : vector<256x64xi32>
    %add3A_889 = arith.constant 128 : i32
    %add3A_890 = vector.broadcast %add3A_889 : i32 to vector<256x64xi32>
    %add3A_891 = arith.addi %min3A_885, %add3A_890 : vector<256x64xi32>
    %select_n3A_892 = arith.select %lt3A_888, %add3A_891, %min3A_885 : vector<256x64xi1>, vector<256x64xi32>
    %reshape3A_893 = vector.shape_cast %select_n3A_892 : vector<256x64xi32> to vector<256x64x1xi32>
    %gather3A_894 = vector.shape_cast %reshape3A_893 : vector<256x64x1xi32> to vector<256x64xi32>
    %gather3A_895 = tpu.dynamic_gather %slice3A_876[%gather3A_894] in [1] : vector<256x128xi32>, vector<256x64xi32> -> vector<256x64xi32>
    %slice3A_896 = vector.extract_strided_slice %add3A_105 {offsets = [0, 128], sizes = [256, 128], strides = [1, 1]} : vector<256x256xi32> to vector<256x128xi32>
    %sub3A_897 = arith.constant 128 : i32
    %sub3A_898 = vector.broadcast %sub3A_897 : i32 to vector<256x64xi32>
    %sub3A_899 = arith.subi %sub3A_875, %sub3A_898 : vector<256x64xi32>
    %jit3A_900 = arith.constant 0 : i32
    %jit3A_901 = arith.constant 127 : i32
    %max3A_902 = vector.broadcast %jit3A_900 : i32 to vector<256x64xi32>
    %max3A_903 = arith.maxsi %max3A_902, %sub3A_899 : vector<256x64xi32>
    %min3A_904 = vector.broadcast %jit3A_901 : i32 to vector<256x64xi32>
    %min3A_905 = arith.minsi %min3A_904, %max3A_903 : vector<256x64xi32>
    %lt3A_906 = arith.constant 0 : i32
    %lt3A_907 = vector.broadcast %lt3A_906 : i32 to vector<256x64xi32>
    %lt3A_908 = arith.cmpi slt, %min3A_905, %lt3A_907 : vector<256x64xi32>
    %add3A_909 = arith.constant 128 : i32
    %add3A_910 = vector.broadcast %add3A_909 : i32 to vector<256x64xi32>
    %add3A_911 = arith.addi %min3A_905, %add3A_910 : vector<256x64xi32>
    %select_n3A_912 = arith.select %lt3A_908, %add3A_911, %min3A_905 : vector<256x64xi1>, vector<256x64xi32>
    %reshape3A_913 = vector.shape_cast %select_n3A_912 : vector<256x64xi32> to vector<256x64x1xi32>
    %gather3A_914 = vector.shape_cast %reshape3A_913 : vector<256x64x1xi32> to vector<256x64xi32>
    %gather3A_915 = tpu.dynamic_gather %slice3A_896[%gather3A_914] in [1] : vector<256x128xi32>, vector<256x64xi32> -> vector<256x64xi32>
    %ge3A_916 = arith.constant 128 : i32
    %ge3A_917 = vector.broadcast %ge3A_916 : i32 to vector<256x64xi32>
    %ge3A_918 = arith.cmpi sge, %sub3A_875, %ge3A_917 : vector<256x64xi32>
    %select_n3A_919 = arith.select %ge3A_918, %gather3A_915, %gather3A_895 : vector<256x64xi1>, vector<256x64xi32>
    %jit3A_920 = arith.constant 0 : i32
    %broadcast_in_dim3A_921 = vector.broadcast %jit3A_920 : i32 to vector<256x64xi32>
    %select_n3A_922 = arith.select %gt3A_872, %select_n3A_919, %broadcast_in_dim3A_921 : vector<256x64xi1>, vector<256x64xi32>
    %sub3A_923 = arith.subi %add3A_109, %select_n3A_922 : vector<256x64xi32>
    %slice3A_924 = vector.extract_strided_slice %convert_element_type3A_11 {offsets = [0, 0], sizes = [256, 128], strides = [1, 1]} : vector<256x256xi32> to vector<256x128xi32>
    %sub3A_925 = arith.constant 0 : i32
    %sub3A_926 = vector.broadcast %sub3A_925 : i32 to vector<256x64xi32>
    %sub3A_927 = arith.subi %min3A_870, %sub3A_926 : vector<256x64xi32>
    %jit3A_928 = arith.constant 0 : i32
    %jit3A_929 = arith.constant 127 : i32
    %max3A_930 = vector.broadcast %jit3A_928 : i32 to vector<256x64xi32>
    %max3A_931 = arith.maxsi %max3A_930, %sub3A_927 : vector<256x64xi32>
    %min3A_932 = vector.broadcast %jit3A_929 : i32 to vector<256x64xi32>
    %min3A_933 = arith.minsi %min3A_932, %max3A_931 : vector<256x64xi32>
    %lt3A_934 = arith.constant 0 : i32
    %lt3A_935 = vector.broadcast %lt3A_934 : i32 to vector<256x64xi32>
    %lt3A_936 = arith.cmpi slt, %min3A_933, %lt3A_935 : vector<256x64xi32>
    %add3A_937 = arith.constant 128 : i32
    %add3A_938 = vector.broadcast %add3A_937 : i32 to vector<256x64xi32>
    %add3A_939 = arith.addi %min3A_933, %add3A_938 : vector<256x64xi32>
    %select_n3A_940 = arith.select %lt3A_936, %add3A_939, %min3A_933 : vector<256x64xi1>, vector<256x64xi32>
    %reshape3A_941 = vector.shape_cast %select_n3A_940 : vector<256x64xi32> to vector<256x64x1xi32>
    %gather3A_942 = vector.shape_cast %reshape3A_941 : vector<256x64x1xi32> to vector<256x64xi32>
    %gather3A_943 = tpu.dynamic_gather %slice3A_924[%gather3A_942] in [1] : vector<256x128xi32>, vector<256x64xi32> -> vector<256x64xi32>
    %slice3A_944 = vector.extract_strided_slice %convert_element_type3A_11 {offsets = [0, 128], sizes = [256, 128], strides = [1, 1]} : vector<256x256xi32> to vector<256x128xi32>
    %sub3A_945 = arith.constant 128 : i32
    %sub3A_946 = vector.broadcast %sub3A_945 : i32 to vector<256x64xi32>
    %sub3A_947 = arith.subi %min3A_870, %sub3A_946 : vector<256x64xi32>
    %jit3A_948 = arith.constant 0 : i32
    %jit3A_949 = arith.constant 127 : i32
    %max3A_950 = vector.broadcast %jit3A_948 : i32 to vector<256x64xi32>
    %max3A_951 = arith.maxsi %max3A_950, %sub3A_947 : vector<256x64xi32>
    %min3A_952 = vector.broadcast %jit3A_949 : i32 to vector<256x64xi32>
    %min3A_953 = arith.minsi %min3A_952, %max3A_951 : vector<256x64xi32>
    %lt3A_954 = arith.constant 0 : i32
    %lt3A_955 = vector.broadcast %lt3A_954 : i32 to vector<256x64xi32>
    %lt3A_956 = arith.cmpi slt, %min3A_953, %lt3A_955 : vector<256x64xi32>
    %add3A_957 = arith.constant 128 : i32
    %add3A_958 = vector.broadcast %add3A_957 : i32 to vector<256x64xi32>
    %add3A_959 = arith.addi %min3A_953, %add3A_958 : vector<256x64xi32>
    %select_n3A_960 = arith.select %lt3A_956, %add3A_959, %min3A_953 : vector<256x64xi1>, vector<256x64xi32>
    %reshape3A_961 = vector.shape_cast %select_n3A_960 : vector<256x64xi32> to vector<256x64x1xi32>
    %gather3A_962 = vector.shape_cast %reshape3A_961 : vector<256x64x1xi32> to vector<256x64xi32>
    %gather3A_963 = tpu.dynamic_gather %slice3A_944[%gather3A_962] in [1] : vector<256x128xi32>, vector<256x64xi32> -> vector<256x64xi32>
    %ge3A_964 = arith.constant 128 : i32
    %ge3A_965 = vector.broadcast %ge3A_964 : i32 to vector<256x64xi32>
    %ge3A_966 = arith.cmpi sge, %min3A_870, %ge3A_965 : vector<256x64xi32>
    %select_n3A_967 = arith.select %ge3A_966, %gather3A_963, %gather3A_943 : vector<256x64xi1>, vector<256x64xi32>
    %broadcast_in_dim3A_968 = arith.constant 0 : i32
    %broadcast_in_dim3A_969 = vector.broadcast %broadcast_in_dim3A_968 : i32 to vector<256x64xi32>
    %shift_right_arithmetic3A_970 = arith.shrsi %select_n3A_967, %broadcast_in_dim3A_969 : vector<256x64xi32>
    %and3A_971 = arith.constant 255 : i32
    %and3A_972 = vector.broadcast %and3A_971 : i32 to vector<256x64xi32>
    %and3A_973 = arith.andi %shift_right_arithmetic3A_970, %and3A_972 : vector<256x64xi32>
    %shift_right_arithmetic3A_974 = arith.constant 1 : i32
    %shift_right_arithmetic3A_975 = vector.broadcast %shift_right_arithmetic3A_974 : i32 to vector<256x64xi32>
    %shift_right_arithmetic3A_976 = arith.shrsi %and3A_973, %shift_right_arithmetic3A_975 : vector<256x64xi32>
    %and3A_977 = arith.constant 21845 : i32
    %and3A_978 = vector.broadcast %and3A_977 : i32 to vector<256x64xi32>
    %and3A_979 = arith.andi %shift_right_arithmetic3A_976, %and3A_978 : vector<256x64xi32>
    %sub3A_980 = arith.subi %and3A_973, %and3A_979 : vector<256x64xi32>
    %and3A_981 = arith.constant 13107 : i32
    %and3A_982 = vector.broadcast %and3A_981 : i32 to vector<256x64xi32>
    %and3A_983 = arith.andi %sub3A_980, %and3A_982 : vector<256x64xi32>
    %shift_right_arithmetic3A_984 = arith.constant 2 : i32
    %shift_right_arithmetic3A_985 = vector.broadcast %shift_right_arithmetic3A_984 : i32 to vector<256x64xi32>
    %shift_right_arithmetic3A_986 = arith.shrsi %sub3A_980, %shift_right_arithmetic3A_985 : vector<256x64xi32>
    %and3A_987 = arith.constant 13107 : i32
    %and3A_988 = vector.broadcast %and3A_987 : i32 to vector<256x64xi32>
    %and3A_989 = arith.andi %shift_right_arithmetic3A_986, %and3A_988 : vector<256x64xi32>
    %add3A_990 = arith.addi %and3A_983, %and3A_989 : vector<256x64xi32>
    %shift_right_arithmetic3A_991 = arith.constant 4 : i32
    %shift_right_arithmetic3A_992 = vector.broadcast %shift_right_arithmetic3A_991 : i32 to vector<256x64xi32>
    %shift_right_arithmetic3A_993 = arith.shrsi %add3A_990, %shift_right_arithmetic3A_992 : vector<256x64xi32>
    %add3A_994 = arith.addi %add3A_990, %shift_right_arithmetic3A_993 : vector<256x64xi32>
    %and3A_995 = arith.constant 15 : i32
    %and3A_996 = vector.broadcast %and3A_995 : i32 to vector<256x64xi32>
    %and3A_997 = arith.andi %add3A_994, %and3A_996 : vector<256x64xi32>
    %lt3A_998 = arith.cmpi slt, %and3A_997, %sub3A_923 : vector<256x64xi32>
    %convert_element_type3A_999 = arith.extui %lt3A_998 : vector<256x64xi1> to vector<256x64xi32>
    %mul3A = arith.constant 8 : i32
    %mul3A_1000 = vector.broadcast %mul3A : i32 to vector<256x64xi32>
    %mul3A_1001 = arith.muli %mul3A_1000, %convert_element_type3A_999 : vector<256x64xi32>
    %add3A_1002 = arith.addi %broadcast_in_dim3A_969, %mul3A_1001 : vector<256x64xi32>
    %mul3A_1003 = arith.muli %and3A_997, %convert_element_type3A_999 : vector<256x64xi32>
    %sub3A_1004 = arith.subi %sub3A_923, %mul3A_1003 : vector<256x64xi32>
    %shift_right_arithmetic3A_1005 = arith.shrsi %select_n3A_967, %add3A_1002 : vector<256x64xi32>
    %and3A_1006 = arith.constant 15 : i32
    %and3A_1007 = vector.broadcast %and3A_1006 : i32 to vector<256x64xi32>
    %and3A_1008 = arith.andi %shift_right_arithmetic3A_1005, %and3A_1007 : vector<256x64xi32>
    %shift_right_arithmetic3A_1009 = arith.constant 1 : i32
    %shift_right_arithmetic3A_1010 = vector.broadcast %shift_right_arithmetic3A_1009 : i32 to vector<256x64xi32>
    %shift_right_arithmetic3A_1011 = arith.shrsi %and3A_1008, %shift_right_arithmetic3A_1010 : vector<256x64xi32>
    %and3A_1012 = arith.constant 21845 : i32
    %and3A_1013 = vector.broadcast %and3A_1012 : i32 to vector<256x64xi32>
    %and3A_1014 = arith.andi %shift_right_arithmetic3A_1011, %and3A_1013 : vector<256x64xi32>
    %sub3A_1015 = arith.subi %and3A_1008, %and3A_1014 : vector<256x64xi32>
    %and3A_1016 = arith.constant 13107 : i32
    %and3A_1017 = vector.broadcast %and3A_1016 : i32 to vector<256x64xi32>
    %and3A_1018 = arith.andi %sub3A_1015, %and3A_1017 : vector<256x64xi32>
    %shift_right_arithmetic3A_1019 = arith.constant 2 : i32
    %shift_right_arithmetic3A_1020 = vector.broadcast %shift_right_arithmetic3A_1019 : i32 to vector<256x64xi32>
    %shift_right_arithmetic3A_1021 = arith.shrsi %sub3A_1015, %shift_right_arithmetic3A_1020 : vector<256x64xi32>
    %and3A_1022 = arith.constant 13107 : i32
    %and3A_1023 = vector.broadcast %and3A_1022 : i32 to vector<256x64xi32>
    %and3A_1024 = arith.andi %shift_right_arithmetic3A_1021, %and3A_1023 : vector<256x64xi32>
    %add3A_1025 = arith.addi %and3A_1018, %and3A_1024 : vector<256x64xi32>
    %shift_right_arithmetic3A_1026 = arith.constant 4 : i32
    %shift_right_arithmetic3A_1027 = vector.broadcast %shift_right_arithmetic3A_1026 : i32 to vector<256x64xi32>
    %shift_right_arithmetic3A_1028 = arith.shrsi %add3A_1025, %shift_right_arithmetic3A_1027 : vector<256x64xi32>
    %add3A_1029 = arith.addi %add3A_1025, %shift_right_arithmetic3A_1028 : vector<256x64xi32>
    %and3A_1030 = arith.constant 15 : i32
    %and3A_1031 = vector.broadcast %and3A_1030 : i32 to vector<256x64xi32>
    %and3A_1032 = arith.andi %add3A_1029, %and3A_1031 : vector<256x64xi32>
    %lt3A_1033 = arith.cmpi slt, %and3A_1032, %sub3A_1004 : vector<256x64xi32>
    %convert_element_type3A_1034 = arith.extui %lt3A_1033 : vector<256x64xi1> to vector<256x64xi32>
    %mul3A_1035 = arith.constant 4 : i32
    %mul3A_1036 = vector.broadcast %mul3A_1035 : i32 to vector<256x64xi32>
    %mul3A_1037 = arith.muli %mul3A_1036, %convert_element_type3A_1034 : vector<256x64xi32>
    %add3A_1038 = arith.addi %add3A_1002, %mul3A_1037 : vector<256x64xi32>
    %mul3A_1039 = arith.muli %and3A_1032, %convert_element_type3A_1034 : vector<256x64xi32>
    %sub3A_1040 = arith.subi %sub3A_1004, %mul3A_1039 : vector<256x64xi32>
    %shift_right_arithmetic3A_1041 = arith.shrsi %select_n3A_967, %add3A_1038 : vector<256x64xi32>
    %and3A_1042 = arith.constant 3 : i32
    %and3A_1043 = vector.broadcast %and3A_1042 : i32 to vector<256x64xi32>
    %and3A_1044 = arith.andi %shift_right_arithmetic3A_1041, %and3A_1043 : vector<256x64xi32>
    %shift_right_arithmetic3A_1045 = arith.constant 1 : i32
    %shift_right_arithmetic3A_1046 = vector.broadcast %shift_right_arithmetic3A_1045 : i32 to vector<256x64xi32>
    %shift_right_arithmetic3A_1047 = arith.shrsi %and3A_1044, %shift_right_arithmetic3A_1046 : vector<256x64xi32>
    %and3A_1048 = arith.constant 21845 : i32
    %and3A_1049 = vector.broadcast %and3A_1048 : i32 to vector<256x64xi32>
    %and3A_1050 = arith.andi %shift_right_arithmetic3A_1047, %and3A_1049 : vector<256x64xi32>
    %sub3A_1051 = arith.subi %and3A_1044, %and3A_1050 : vector<256x64xi32>
    %and3A_1052 = arith.constant 13107 : i32
    %and3A_1053 = vector.broadcast %and3A_1052 : i32 to vector<256x64xi32>
    %and3A_1054 = arith.andi %sub3A_1051, %and3A_1053 : vector<256x64xi32>
    %shift_right_arithmetic3A_1055 = arith.constant 2 : i32
    %shift_right_arithmetic3A_1056 = vector.broadcast %shift_right_arithmetic3A_1055 : i32 to vector<256x64xi32>
    %shift_right_arithmetic3A_1057 = arith.shrsi %sub3A_1051, %shift_right_arithmetic3A_1056 : vector<256x64xi32>
    %and3A_1058 = arith.constant 13107 : i32
    %and3A_1059 = vector.broadcast %and3A_1058 : i32 to vector<256x64xi32>
    %and3A_1060 = arith.andi %shift_right_arithmetic3A_1057, %and3A_1059 : vector<256x64xi32>
    %add3A_1061 = arith.addi %and3A_1054, %and3A_1060 : vector<256x64xi32>
    %shift_right_arithmetic3A_1062 = arith.constant 4 : i32
    %shift_right_arithmetic3A_1063 = vector.broadcast %shift_right_arithmetic3A_1062 : i32 to vector<256x64xi32>
    %shift_right_arithmetic3A_1064 = arith.shrsi %add3A_1061, %shift_right_arithmetic3A_1063 : vector<256x64xi32>
    %add3A_1065 = arith.addi %add3A_1061, %shift_right_arithmetic3A_1064 : vector<256x64xi32>
    %and3A_1066 = arith.constant 15 : i32
    %and3A_1067 = vector.broadcast %and3A_1066 : i32 to vector<256x64xi32>
    %and3A_1068 = arith.andi %add3A_1065, %and3A_1067 : vector<256x64xi32>
    %lt3A_1069 = arith.cmpi slt, %and3A_1068, %sub3A_1040 : vector<256x64xi32>
    %convert_element_type3A_1070 = arith.extui %lt3A_1069 : vector<256x64xi1> to vector<256x64xi32>
    %mul3A_1071 = arith.constant 2 : i32
    %mul3A_1072 = vector.broadcast %mul3A_1071 : i32 to vector<256x64xi32>
    %mul3A_1073 = arith.muli %mul3A_1072, %convert_element_type3A_1070 : vector<256x64xi32>
    %add3A_1074 = arith.addi %add3A_1038, %mul3A_1073 : vector<256x64xi32>
    %mul3A_1075 = arith.muli %and3A_1068, %convert_element_type3A_1070 : vector<256x64xi32>
    %sub3A_1076 = arith.subi %sub3A_1040, %mul3A_1075 : vector<256x64xi32>
    %shift_right_arithmetic3A_1077 = arith.shrsi %select_n3A_967, %add3A_1074 : vector<256x64xi32>
    %and3A_1078 = arith.constant 1 : i32
    %and3A_1079 = vector.broadcast %and3A_1078 : i32 to vector<256x64xi32>
    %and3A_1080 = arith.andi %shift_right_arithmetic3A_1077, %and3A_1079 : vector<256x64xi32>
    %shift_right_arithmetic3A_1081 = arith.constant 1 : i32
    %shift_right_arithmetic3A_1082 = vector.broadcast %shift_right_arithmetic3A_1081 : i32 to vector<256x64xi32>
    %shift_right_arithmetic3A_1083 = arith.shrsi %and3A_1080, %shift_right_arithmetic3A_1082 : vector<256x64xi32>
    %and3A_1084 = arith.constant 21845 : i32
    %and3A_1085 = vector.broadcast %and3A_1084 : i32 to vector<256x64xi32>
    %and3A_1086 = arith.andi %shift_right_arithmetic3A_1083, %and3A_1085 : vector<256x64xi32>
    %sub3A_1087 = arith.subi %and3A_1080, %and3A_1086 : vector<256x64xi32>
    %and3A_1088 = arith.constant 13107 : i32
    %and3A_1089 = vector.broadcast %and3A_1088 : i32 to vector<256x64xi32>
    %and3A_1090 = arith.andi %sub3A_1087, %and3A_1089 : vector<256x64xi32>
    %shift_right_arithmetic3A_1091 = arith.constant 2 : i32
    %shift_right_arithmetic3A_1092 = vector.broadcast %shift_right_arithmetic3A_1091 : i32 to vector<256x64xi32>
    %shift_right_arithmetic3A_1093 = arith.shrsi %sub3A_1087, %shift_right_arithmetic3A_1092 : vector<256x64xi32>
    %and3A_1094 = arith.constant 13107 : i32
    %and3A_1095 = vector.broadcast %and3A_1094 : i32 to vector<256x64xi32>
    %and3A_1096 = arith.andi %shift_right_arithmetic3A_1093, %and3A_1095 : vector<256x64xi32>
    %add3A_1097 = arith.addi %and3A_1090, %and3A_1096 : vector<256x64xi32>
    %shift_right_arithmetic3A_1098 = arith.constant 4 : i32
    %shift_right_arithmetic3A_1099 = vector.broadcast %shift_right_arithmetic3A_1098 : i32 to vector<256x64xi32>
    %shift_right_arithmetic3A_1100 = arith.shrsi %add3A_1097, %shift_right_arithmetic3A_1099 : vector<256x64xi32>
    %add3A_1101 = arith.addi %add3A_1097, %shift_right_arithmetic3A_1100 : vector<256x64xi32>
    %and3A_1102 = arith.constant 15 : i32
    %and3A_1103 = vector.broadcast %and3A_1102 : i32 to vector<256x64xi32>
    %and3A_1104 = arith.andi %add3A_1101, %and3A_1103 : vector<256x64xi32>
    %lt3A_1105 = arith.cmpi slt, %and3A_1104, %sub3A_1076 : vector<256x64xi32>
    %convert_element_type3A_1106 = arith.extui %lt3A_1105 : vector<256x64xi1> to vector<256x64xi32>
    %mul3A_1107 = arith.constant 1 : i32
    %mul3A_1108 = vector.broadcast %mul3A_1107 : i32 to vector<256x64xi32>
    %mul3A_1109 = arith.muli %mul3A_1108, %convert_element_type3A_1106 : vector<256x64xi32>
    %add3A_1110 = arith.addi %add3A_1074, %mul3A_1109 : vector<256x64xi32>
    %mul3A_1111 = arith.constant 16 : i32
    %mul3A_1112 = vector.broadcast %mul3A_1111 : i32 to vector<256x64xi32>
    %mul3A_1113 = arith.muli %min3A_870, %mul3A_1112 : vector<256x64xi32>
    %add3A_1114 = arith.addi %mul3A_1113, %add3A_1110 : vector<256x64xi32>
    %slice3A_1115 = vector.extract_strided_slice %add3A_105 {offsets = [0, 255], sizes = [256, 1], strides = [1, 1]} : vector<256x256xi32> to vector<256x1xi32>
    %slice3A_1116 = vector.extract_strided_slice %add3A_1114 {offsets = [0, 0], sizes = [256, 1], strides = [1, 1]} : vector<256x64xi32> to vector<256x1xi32>
    %le3A_1117 = vector.broadcast %slice3A_1115 : vector<256x1xi32> to vector<256x64xi32>
    %le3A_1118 = arith.cmpi sle, %add3A_109, %le3A_1117 : vector<256x64xi32>
    %broadcast_in_dim3A_1119 = vector.shape_cast %slice3A_1116 : vector<256x1xi32> to vector<256x1xi32>
    %broadcast_in_dim3A_1120 = vector.broadcast %broadcast_in_dim3A_1119 : vector<256x1xi32> to vector<256x64xi32>
    %select_n3A_1121 = arith.select %le3A_1118, %add3A_1114, %broadcast_in_dim3A_1120 : vector<256x64xi1>, vector<256x64xi32>
    %gt3A_1122 = arith.constant 0 : i32
    %gt3A_1123 = vector.broadcast %gt3A_1122 : i32 to vector<256x1xi32>
    %gt3A_1124 = arith.cmpi sgt, %slice3A_1115, %gt3A_1123 : vector<256x1xi32>
    %jit3A_1125 = arith.constant 4096 : i32
    %broadcast_in_dim3A_1126 = vector.shape_cast %gt3A_1124 : vector<256x1xi1> to vector<256x1xi1>
    %broadcast_in_dim3A_1127 = vector.broadcast %broadcast_in_dim3A_1126 : vector<256x1xi1> to vector<256x64xi1>
    %broadcast_in_dim3A_1128 = vector.broadcast %jit3A_1125 : i32 to vector<256x64xi32>
    %select_n3A_1129 = arith.select %broadcast_in_dim3A_1127, %select_n3A_1121, %broadcast_in_dim3A_1128 : vector<256x64xi1>, vector<256x64xi32>
    %swap3A = arith.constant 0 : index
    %swap3A_1130 = arith.constant 0 : index
    %swap3A_1131 = arith.constant 0 : index
    %swap3A_1132 = vector.load %arg4[%swap3A, %swap3A_1130, %swap3A_1131] : memref<1x256x64xi32, #tpu.memory_space<vmem>>, vector<1x256x64xi32>
    %swap3A_1133 = vector.shape_cast %swap3A_1132 : vector<1x256x64xi32> to vector<256x64xi32>
    %swap3A_1134 = vector.shape_cast %select_n3A_1129 : vector<256x64xi32> to vector<1x256x64xi32>
    tpu.vector_store %arg4[%swap3A, %swap3A_1130, %swap3A_1131], %swap3A_1134 {strides = array<i32>} : memref<1x256x64xi32, #tpu.memory_space<vmem>>, vector<1x256x64xi32>,
    return
  }
  func.func @transform_0(%arg0: i32, %arg1: i32) -> (i32, i32, i32) {
    %c0_i32 = arith.constant 0 : i32
    %c0_i32_0 = arith.constant 0 : i32
    return %arg0, %arg1, %c0_i32 : i32, i32, i32
  }
  func.func @transform_1(%arg0: i32, %arg1: i32) -> (i32, i32) {
    %c0_i32 = arith.constant 0 : i32
    %c0_i32_0 = arith.constant 0 : i32
    %c0_i32_1 = arith.constant 0 : i32
    return %c0_i32, %c0_i32_0 : i32, i32
  }
  func.func @transform_2(%arg0: i32, %arg1: i32) -> (i32, i32, i32) {
    %c0_i32 = arith.constant 0 : i32
    %c0_i32_0 = arith.constant 0 : i32
    return %arg0, %arg1, %c0_i32 : i32, i32, i32
  }
}

module attributes {stable_mosaic.version = 14 : i64} {
  func.func @_nn3_body(%arg0: i32, %arg1: i32, %arg2: memref<1x512x512xf32, #tpu.memory_space<vmem>>, %arg3: memref<1x512x3xi32, #tpu.memory_space<vmem>>) attributes {dimension_semantics = [#tpu.dimension_semantics<arbitrary>, #tpu.dimension_semantics<arbitrary>], iteration_bounds = array<i64: 8, 8>, scalar_prefetch = 0 : i64, scratch_operands = 0 : i64, tpu.core_type = #tpu.core_type<tc>, window_params = [{transform_indices = @transform_0, window_bounds = array<i64: 1, 512, 512>}, {transform_indices = @transform_1, window_bounds = array<i64: 1, 512, 3>}]} {
    %get3A = arith.constant 0 : index
    %get3A_0 = arith.constant 0 : index
    %get3A_1 = arith.constant 0 : index
    %get3A_2 = vector.load %arg2[%get3A, %get3A_0, %get3A_1] : memref<1x512x512xf32, #tpu.memory_space<vmem>>, vector<1x512x512xf32>
    %get3A_3 = vector.shape_cast %get3A_2 : vector<1x512x512xf32> to vector<512x512xf32>
    %iota3A = tpu.iota {dimensions = array<i32: 1>} : vector<512x512xi32>
    %argmin3A = tpu.reduce_index %get3A_3 {axis = 1 : i32, kind = #tpu.reduction_kind<arg_min>} : vector<512x512xf32> -> vector<512xi32>
    %broadcast_in_dim3A = vector.shape_cast %argmin3A : vector<512xi32> to vector<512x1xi32>
    %eq3A = vector.broadcast %broadcast_in_dim3A : vector<512x1xi32> to vector<512x512xi32>
    %eq3A_4 = arith.cmpi eq, %iota3A, %eq3A : vector<512x512xi32>
    %jit3A = arith.constant 1.000000e+30 : f32
    %broadcast_in_dim3A_5 = vector.broadcast %jit3A : f32 to vector<512x512xf32>
    %select_n3A = arith.select %eq3A_4, %broadcast_in_dim3A_5, %get3A_3 : vector<512x512xi1>, vector<512x512xf32>
    %argmin3A_6 = tpu.reduce_index %select_n3A {axis = 1 : i32, kind = #tpu.reduction_kind<arg_min>} : vector<512x512xf32> -> vector<512xi32>
    %broadcast_in_dim3A_7 = vector.shape_cast %argmin3A_6 : vector<512xi32> to vector<512x1xi32>
    %eq3A_8 = vector.broadcast %broadcast_in_dim3A_7 : vector<512x1xi32> to vector<512x512xi32>
    %eq3A_9 = arith.cmpi eq, %iota3A, %eq3A_8 : vector<512x512xi32>
    %jit3A_10 = arith.constant 1.000000e+30 : f32
    %broadcast_in_dim3A_11 = vector.broadcast %jit3A_10 : f32 to vector<512x512xf32>
    %select_n3A_12 = arith.select %eq3A_9, %broadcast_in_dim3A_11, %select_n3A : vector<512x512xi1>, vector<512x512xf32>
    %argmin3A_13 = tpu.reduce_index %select_n3A_12 {axis = 1 : i32, kind = #tpu.reduction_kind<arg_min>} : vector<512x512xf32> -> vector<512xi32>
    %broadcast_in_dim3A_14 = vector.shape_cast %argmin3A_13 : vector<512xi32> to vector<512x1xi32>
    %concatenate3A = tpu.concatenate %broadcast_in_dim3A, %broadcast_in_dim3A_7, %broadcast_in_dim3A_14 in 1 : vector<512x1xi32>, vector<512x1xi32>, vector<512x1xi32> -> vector<512x3xi32>
    %swap3A = arith.constant 0 : index
    %swap3A_15 = arith.constant 0 : index
    %swap3A_16 = arith.constant 0 : index
    %swap3A_17 = vector.load %arg3[%swap3A, %swap3A_15, %swap3A_16] : memref<1x512x3xi32, #tpu.memory_space<vmem>>, vector<1x512x3xi32>
    %swap3A_18 = vector.shape_cast %swap3A_17 : vector<1x512x3xi32> to vector<512x3xi32>
    %swap3A_19 = vector.shape_cast %concatenate3A : vector<512x3xi32> to vector<1x512x3xi32>
    tpu.vector_store %arg3[%swap3A, %swap3A_15, %swap3A_16], %swap3A_19 {strides = array<i32>} : memref<1x512x3xi32, #tpu.memory_space<vmem>>, vector<1x512x3xi32>,
    return
  }
  func.func @transform_0(%arg0: i32, %arg1: i32) -> (i32, i32, i32) {
    %c0_i32 = arith.constant 0 : i32
    %c0_i32_0 = arith.constant 0 : i32
    return %arg0, %arg1, %c0_i32 : i32, i32, i32
  }
  func.func @transform_1(%arg0: i32, %arg1: i32) -> (i32, i32, i32) {
    %c0_i32 = arith.constant 0 : i32
    %c0_i32_0 = arith.constant 0 : i32
    return %arg0, %arg1, %c0_i32 : i32, i32, i32
  }
}

module attributes {stable_mosaic.version = 14 : i64} {
  func.func @_head_body(%arg0: memref<32768x128xf32, #tpu.memory_space<vmem>>, %arg1: memref<128x128xf32, #tpu.memory_space<vmem>>, %arg2: memref<1x128xf32, #tpu.memory_space<vmem>>, %arg3: memref<1x128xf32, #tpu.memory_space<vmem>>, %arg4: memref<1x128xf32, #tpu.memory_space<vmem>>, %arg5: memref<50x128xf32, #tpu.memory_space<vmem>>, %arg6: memref<1x50xf32, #tpu.memory_space<vmem>>, %arg7: memref<32768x50xf32, #tpu.memory_space<vmem>>) attributes {dimension_semantics = [], scalar_prefetch = 0 : i64, scratch_operands = 0 : i64, tpu.core_type = #tpu.core_type<tc>} {
    %get3A = arith.constant 0 : index
    %get3A_0 = arith.constant 0 : index
    %get3A_1 = vector.load %arg0[%get3A, %get3A_0] : memref<32768x128xf32, #tpu.memory_space<vmem>>, vector<32768x128xf32>
    %get3A_2 = arith.constant 0 : index
    %get3A_3 = arith.constant 0 : index
    %get3A_4 = vector.load %arg1[%get3A_2, %get3A_3] : memref<128x128xf32, #tpu.memory_space<vmem>>, vector<128x128xf32>
    %dot_general3A = arith.constant dense<0.000000e+00> : vector<32768x128xf32>
    %dot_general3A_5 = tpu.matmul %get3A_1, %get3A_4, %dot_general3A {dimension_numbers = #tpu.dot_dimension_numbers<[1], [1], [0], [0], [0, 0, 1, 0], [], []>, transpose_lhs_hint = false} : vector<32768x128xf32>, vector<128x128xf32>, vector<32768x128xf32> -> vector<32768x128xf32>
    %get3A_6 = arith.constant 0 : index
    %get3A_7 = arith.constant 0 : index
    %get3A_8 = vector.load %arg2[%get3A_6, %get3A_7] : memref<1x128xf32, #tpu.memory_space<vmem>>, vector<1x128xf32>
    %add3A = vector.broadcast %get3A_8 : vector<1x128xf32> to vector<32768x128xf32>
    %add3A_9 = arith.addf %dot_general3A_5, %add3A : vector<32768x128xf32>
    %reduce_sum3A = arith.constant dense<0.000000e+00> : vector<128xf32>
    %reduce_sum3A_10 = vector.multi_reduction <add>, %add3A_9, %reduce_sum3A [0] : vector<32768x128xf32> to vector<128xf32>
    %broadcast_in_dim3A = vector.shape_cast %reduce_sum3A_10 : vector<128xf32> to vector<1x128xf32>
    %div3A = arith.constant 3.276800e+04 : f32
    %div3A_11 = vector.broadcast %div3A : f32 to vector<1x128xf32>
    %div3A_12 = arith.divf %broadcast_in_dim3A, %div3A_11 : vector<1x128xf32>
    %sub3A = vector.broadcast %div3A_12 : vector<1x128xf32> to vector<32768x128xf32>
    %sub3A_13 = arith.subf %add3A_9, %sub3A : vector<32768x128xf32>
    %integer_pow3A = arith.mulf %sub3A_13, %sub3A_13 : vector<32768x128xf32>
    %reduce_sum3A_14 = arith.constant dense<0.000000e+00> : vector<128xf32>
    %reduce_sum3A_15 = vector.multi_reduction <add>, %integer_pow3A, %reduce_sum3A_14 [0] : vector<32768x128xf32> to vector<128xf32>
    %broadcast_in_dim3A_16 = vector.shape_cast %reduce_sum3A_15 : vector<128xf32> to vector<1x128xf32>
    %div3A_17 = arith.constant 3.276800e+04 : f32
    %div3A_18 = vector.broadcast %div3A_17 : f32 to vector<1x128xf32>
    %div3A_19 = arith.divf %broadcast_in_dim3A_16, %div3A_18 : vector<1x128xf32>
    %sub3A_20 = vector.broadcast %div3A_12 : vector<1x128xf32> to vector<32768x128xf32>
    %sub3A_21 = arith.subf %add3A_9, %sub3A_20 : vector<32768x128xf32>
    %add3A_22 = arith.constant 9.99999974E-6 : f32
    %add3A_23 = vector.broadcast %add3A_22 : f32 to vector<1x128xf32>
    %add3A_24 = arith.addf %div3A_19, %add3A_23 : vector<1x128xf32>
    %sqrt3A = math.sqrt %add3A_24 : vector<1x128xf32>
    %div3A_25 = vector.broadcast %sqrt3A : vector<1x128xf32> to vector<32768x128xf32>
    %div3A_26 = arith.divf %sub3A_21, %div3A_25 : vector<32768x128xf32>
    %get3A_27 = arith.constant 0 : index
    %get3A_28 = arith.constant 0 : index
    %get3A_29 = vector.load %arg3[%get3A_27, %get3A_28] : memref<1x128xf32, #tpu.memory_space<vmem>>, vector<1x128xf32>
    %mul3A = vector.broadcast %get3A_29 : vector<1x128xf32> to vector<32768x128xf32>
    %mul3A_30 = arith.mulf %div3A_26, %mul3A : vector<32768x128xf32>
    %get3A_31 = arith.constant 0 : index
    %get3A_32 = arith.constant 0 : index
    %get3A_33 = vector.load %arg4[%get3A_31, %get3A_32] : memref<1x128xf32, #tpu.memory_space<vmem>>, vector<1x128xf32>
    %add3A_34 = vector.broadcast %get3A_33 : vector<1x128xf32> to vector<32768x128xf32>
    %add3A_35 = arith.addf %mul3A_30, %add3A_34 : vector<32768x128xf32>
    %max3A = arith.constant 0.000000e+00 : f32
    %max3A_36 = vector.broadcast %max3A : f32 to vector<32768x128xf32>
    %max3A_37 = arith.maximumf %add3A_35, %max3A_36 : vector<32768x128xf32>
    %get3A_38 = arith.constant 0 : index
    %get3A_39 = arith.constant 0 : index
    %get3A_40 = vector.load %arg5[%get3A_38, %get3A_39] : memref<50x128xf32, #tpu.memory_space<vmem>>, vector<50x128xf32>
    %dot_general3A_41 = arith.constant dense<0.000000e+00> : vector<32768x50xf32>
    %dot_general3A_42 = tpu.matmul %max3A_37, %get3A_40, %dot_general3A_41 {dimension_numbers = #tpu.dot_dimension_numbers<[1], [1], [0], [0], [0, 0, 1, 0], [], []>, transpose_lhs_hint = false} : vector<32768x128xf32>, vector<50x128xf32>, vector<32768x50xf32> -> vector<32768x50xf32>
    %get3A_43 = arith.constant 0 : index
    %get3A_44 = arith.constant 0 : index
    %get3A_45 = vector.load %arg6[%get3A_43, %get3A_44] : memref<1x50xf32, #tpu.memory_space<vmem>>, vector<1x50xf32>
    %add3A_46 = vector.broadcast %get3A_45 : vector<1x50xf32> to vector<32768x50xf32>
    %add3A_47 = arith.addf %dot_general3A_42, %add3A_46 : vector<32768x50xf32>
    %swap3A = arith.constant 0 : index
    %swap3A_48 = arith.constant 0 : index
    %swap3A_49 = vector.load %arg7[%swap3A, %swap3A_48] : memref<32768x50xf32, #tpu.memory_space<vmem>>, vector<32768x50xf32>
    tpu.vector_store %arg7[%swap3A, %swap3A_48], %add3A_47 {strides = array<i32>} : memref<32768x50xf32, #tpu.memory_space<vmem>>, vector<32768x50xf32>,
    return
  }
}

</mosaic_0001>

<sc_bundles>
// kernel: gather_offload_async_start.1
scs
__scs_entry_jumppad:
0x0: {  	(pc) =	sbr.rel $0x88, $3  }
0x1: {  	(tag) =	ssettag $0x0;
	lr =	simm.s32 $0x1  }
0x2: {  	[smem:$0x3F5A] =	sst lr;
	_ =	strace $0xD0000000  }
0x3: {  	_ = 	snop  }
0x4: {  	_ = 	snop  }
0x5: {  	_ = 	snop  }
0x6: {  	_ = 	snop  }
0x7: {  	_ = 	snop  }
__scs_overlays_trampoline_lowered:
0x8: {  	[smem:$0x3F69] =	sst s0  }
0x9: {  	[smem:$0x3F6A] =	sst s1  }
0xa: {  	[smem:$0x3F6B] =	sst s2  }
0xb: {  	[smem:$0x3F6C] =	sst s3  }
0xc: {  	[smem:$0x3F6D] =	sst s4  }
0xd: {  	[smem:$0x3F6E] =	sst s5  }
0xe: {  	[smem:$0x3F6F] =	sst s6  }
0xf: {  	[smem:$0x3F70] =	sst s7  }
0x10: {  	[smem:$0x3F71] =	sst s8  }
0x11: {  	[smem:$0x3F72] =	sst s9;
	s0 =	simm.s32 @!p0 $0x0  }
0x12: {  	s1 =	sld [smem:$0x3F58];
	s0 =	simm.s32 @p0 $0x1  }
0x13: {  	[smem:$0x3F73] =	sst s0;
	s0 =	simm.s32 @!p1 $0x0  }
0x14: {  	s2 =	sld [smem:$0x3F57];
	s0 =	simm.s32 @p1 $0x1  }
0x15: {  	[smem:$0x3F74] =	sst s0;
	s0 =	simm.s32 @!p2 $0x0  }
0x16: {  	s3 =	sld [smem:$0x3FDB];
	s0 =	simm.s32 @p2 $0x1  }
0x17: {  	s4 =	simm.s32 $0x1BF5;
	[smem:$0x3F76] =	sst s0  }
0x18: {  	s0 =	sld [smem:$0x3F59];
	_ =	swait.ge [sflag:s4], $0x0  }
0x19: {  	s7 =	sld [smem:$0x3F5A]  }
0x1a: {  	s8 =	sadd.s32 $0xFFFFE003, lr  }
0x1b: {  	s9 =	sadd.s32 $0xFFFFFEF7, lr;
	s5 =	simm.s32 $0xFFFFFFFF;
	p2 =	slt.u32 s8, $0xFFFFF086  }
0x1c: {  	p1 =	slt.u32 s9, $0xF7A;
	s5 =	simm.s32 @!p2 $0x0  }
0x1d: {  	s5 =	simm.s32 @p1 $0x1;
	p0 =	seq.s32 s7, s2  }
0x1e: {  	s7 =	smul.u32 @!p0 $0xF7A, s2;
	p2 =	seq.s32 @!p0 s5, $0x0  }
0x1f: {  	s9 =	smul.u32 $0xF7A, s1;
	s8 =	simm.s32 @!p0 $0x1BF5;
	p2 =	por !p2, p0  }
0x20: {  	[sflag:s8] =	ssyncset.s32 @!p0 $0xFFFFF086;
	s6 =	sadd.s32 @!p0 s3, s7;
	s7 =	simm.s32 @!p0 $0x108  }
0x21: {  	s3 =	sadd.s32 s3, s9;
	s6 =	sadd.s32 @!p0 $0x88, s6;
	s7 =	simm.s32 @p2 $0x1082  }
0x22: {  	[simem:s7], [sflag:s8] =	dma.local @!p0 [hbm:s6], $0xF7A  }
0x23: {  	s9 =	sor.u32 $0xD0000000, s2;
	s6 =	simm.s32 $0x108;
	_ =	swait.ge @!p0 [sflag:s8], $0x0  }
0x24: {  	s3 =	sadd.s32 $0x88, s3;
	s6 =	simm.s32 @!p1 $0x1082;
	[sflag:s4] =	ssyncset.s32 $0xFFFFF086  }
0x25: {  	[simem:s6], [sflag:s4] =	dma.local [hbm:s3], $0xF7A  }
0x26: {  	[smem:$0x3F5A] =	sst s1;
	(tag) =	ssettag s2;
	_ =	strace s9  }
0x27: {  	s1 =	sld [smem:$0x3F6A]  }
0x28: {  	s2 =	sld [smem:$0x3F6B]  }
0x29: {  	s4 =	sld [smem:$0x3F6D]  }
0x2a: {  	p0 =	seq.s32 s5, $0x0;
	s5 =	sld [smem:$0x3F6E]  }
0x2b: {  	s6 =	sld [smem:$0x3F6F]  }
0x2c: {  	s7 =	sld [smem:$0x3F70]  }
0x2d: {  	s3 =	simm.s32 $0x108;
	s8 =	sld [smem:$0x3F71]  }
0x2e: {  	s3 =	simm.s32 @!p0 $0x1082;
	s9 =	sld [smem:$0x3F72]  }
0x2f: {  	lr =	sadd.s32 s0, s3;
	s0 =	sld [smem:$0x3F69]  }
0x30: {  	s3 =	sld [smem:$0x3F6C]  }
0x31: {  	[smem:$0x3F75] =	sst s10  }
0x32: {  	s10 =	sld [smem:$0x3F73];
	_ =	sdelay $0x3  }
0x33: {  	p0 =	seq.s32 s10, $0x1;
	s10 =	sld [smem:$0x3F75];
	_ =	sdelay $0x3  }
0x34: {  	[smem:$0x3F75] =	sst s10  }
0x35: {  	s10 =	sld [smem:$0x3F74];
	_ =	sdelay $0x3  }
0x36: {  	p1 =	seq.s32 s10, $0x1;
	s10 =	sld [smem:$0x3F75];
	_ =	sdelay $0x3  }
0x37: {  	[smem:$0x3F75] =	sst s10  }
0x38: {  	s10 =	sld [smem:$0x3F76]  }
0x39: {  	_ = 	snop;
	(pc) =	sbr.ind lr, $3  }
0x3a: {  	_ = 	snop  }
0x3b: {  	_ = 	snop  }
0x3c: {  	p2 =	seq.s32 s10, $0x1;
	s10 =	sld [smem:$0x3F75]  }
0x3d: {  	_ =	shalt  }
0x3e: {  	_ =	shalt  }
0x3f: {  	_ =	shalt  }
0x40: {  	_ =	shalt  }
0x41: {  	_ =	shalt  }
0x42: {  	_ =	shalt  }
0x43: {  	_ =	shalt  }
0x44: {  	_ =	shalt  }
0x45: {  	_ =	shalt  }
0x46: {  	_ =	shalt  }
0x47: {  	_ =	shalt  }
0x48: {  	_ =	shalt  }
0x49: {  	_ =	shalt  }
0x4a: {  	_ =	shalt  }
0x4b: {  	_ =	shalt  }
0x4c: {  	_ =	shalt  }
0x4d: {  	_ =	shalt  }
0x4e: {  	_ =	shalt  }
0x4f: {  	_ =	shalt  }
0x50: {  	_ =	shalt  }
0x51: {  	_ =	shalt  }
0x52: {  	_ =	shalt  }
0x53: {  	_ =	shalt  }
0x54: {  	_ =	shalt  }
0x55: {  	_ =	shalt  }
0x56: {  	_ =	shalt  }
0x57: {  	_ =	shalt  }
0x58: {  	_ =	shalt  }
0x59: {  	_ =	shalt  }
0x5a: {  	_ =	shalt  }
0x5b: {  	_ =	shalt  }
0x5c: {  	_ =	shalt  }
0x5d: {  	_ =	shalt  }
0x5e: {  	_ =	shalt  }
0x5f: {  	_ =	shalt  }
0x60: {  	_ =	shalt  }
0x61: {  	_ =	shalt  }
0x62: {  	_ =	shalt  }
0x63: {  	_ =	shalt  }
0x64: {  	_ =	shalt  }
0x65: {  	_ =	shalt  }
0x66: {  	_ =	shalt  }
0x67: {  	_ =	shalt  }
0x68: {  	_ =	shalt  }
0x69: {  	_ =	shalt  }
0x6a: {  	_ =	shalt  }
0x6b: {  	_ =	shalt  }
0x6c: {  	_ =	shalt  }
0x6d: {  	_ =	shalt  }
0x6e: {  	_ =	shalt  }
0x6f: {  	_ =	shalt  }
0x70: {  	_ =	shalt  }
0x71: {  	_ =	shalt  }
0x72: {  	_ =	shalt  }
0x73: {  	_ =	shalt  }
0x74: {  	_ =	shalt  }
0x75: {  	_ =	shalt  }
0x76: {  	_ =	shalt  }
0x77: {  	_ =	shalt  }
0x78: {  	_ =	shalt  }
0x79: {  	_ =	shalt  }
0x7a: {  	_ =	shalt  }
0x7b: {  	_ =	shalt  }
0x7c: {  	_ =	shalt  }
0x7d: {  	_ =	shalt  }
0x7e: {  	_ =	shalt  }
0x7f: {  	_ =	shalt  }
0x80: {  	_ =	shalt  }
0x81: {  	_ =	shalt  }
0x82: {  	_ =	shalt  }
0x83: {  	_ =	shalt  }
0x84: {  	_ =	shalt  }
0x85: {  	_ =	shalt  }
0x86: {  	_ =	shalt  }
0x87: {  	_ =	shalt  }
.Lfunc_end0:
.L_simem_size_0:
called_computation.1_lowered:
.L_overlay_start_0:
0x88: {  	s2 =	sld [smem:$0x3FD9]  }
0x89: {  	s3 =	sld [smem:$0x3FFE];
	_ =	sdelay $0x1  }
0x8a: {  	s1 =	srdreg.scid  }
0x8b: {  	s0 =	sand.u32 $0x1, s1  }
0x8c: {  	s17 =	sshll.u32 s0, $0xA;
	s2 =	sadd.s32 s3, s2  }
0x8d: {  	s2 =	sadd.s32 s2, s17  }
0x8e: {  	[smem:$0x3F81] =	sst s2  }
0x8f: {  	_ = 	snop  }
0x90: {  	s2 =	sld [smem:$0x3FD0];
	(tm) =	ssettm $0x1  }
0x91: {  	s18 =	sld [smem:$0x3FFB];
	_ =	sdelay $0x3  }
0x92: {  	_ =	strace s18  }
0x93: {  	s3 =	sld [smem:$0x3FFC];
	_ =	sdelay $0x3  }
0x94: {  	_ =	strace s3  }
0x95: {  	s3 =	sld [smem:$0x3FFD];
	_ =	sdelay $0x3  }
0x96: {  	_ =	strace s3  }
0x97: {  	_ =	strace $0x8FFFFFFF  }
0x98: {  	s19 =	sld [smem:$0x3FDB];
	_ =	sdelay $0x1  }
0x99: {  	s4 =	simm.s32 $_scs_section_size  }
0x9a: {  	s5 =	simm.s32 $_size__tile_overlayer_lowered;
	s6 =	simm.s32 $_tile_overlayer_lowered  }
0x9b: {  	s22 =	simm.s32 $0x1BFF;
	s21 =	sshll.u32 s6, $0x1;
	s3 =	sadd.s32 s4, s19  }
0x9c: {  	s7 =	simm.s32 $0x0;
	s20 =	sshll.u32 s5, $0x1;
	s5 =	sadd.s32 s21, s3  }
0x9d: {  	[timem:s7], [sflag:s22] =	dma.local [hbm:s5], s20  }
0x9e: {  	_ =	swait.ge [sflag:s22], s20  }
0x9f: {  	s4 =	ssub.s32 $0x0, s20;
	[sflag:s22] =	ssyncset.done $0x0  }
0xa0: {  	[sflag:s22] =	ssyncadd.s32 s4;
	_ =	sdelay $0x1  }
0xa1: {  	s23 =	simm.s32 $0x1B8B  }
0xa2: {  	_ =	swait.ge [sflag:s23], $0x1  }
0xa3: {  	[sflag:s23] =	ssyncset.done $0x0  }
0xa4: {  	s25 =	simm.s32 $0x1B8E;
	s24 =	sld [smem:$0x3FFE];
	[sflag:s23] =	ssyncadd.s32 $0xFFFFFFFF  }
0xa5: {  	s26 =	simm.s32 $execute0_lowered;
	[smem:$0x3FD2] =	sst s25  }
0xa6: {  	s5 =	sshll.u32 s26, $0x1;
	_ =	strace $0x80000049;
	[dreg:$0x1] =	wrdreg $0xFFFFFFFF  }
0xa7: {  	s28 =	simm.s32 $_size_execute0_lowered;
	s3 =	sadd.s32 s3, s5;
	[dreg:$0x0] =	wrdreg $0x0  }
0xa8: {  	s5 =	sshll.u32 s28, $0x1;
	[dreg:$0x2] =	wrdreg s3  }
0xa9: {  	[dreg:$0x3] =	wrdreg s5  }
0xaa: {  	[dreg:$0x4] =	wrdreg $0xC0  }
0xab: {  	_ =	task [dreg:s7], $0x5FFFF  }
0xac: {  	[dreg:$0x1] =	wrdreg $0xFFFFFFFF  }
0xad: {  	[dreg:$0x0] =	wrdreg $0x60  }
0xae: {  	[dreg:$0x2] =	wrdreg s24  }
0xaf: {  	[dreg:$0x3] =	wrdreg s2  }
0xb0: {  	[dreg:$0x4] =	wrdreg $0x9  }
0xb1: {  	_ =	task.clear_ibuf [dreg:s7], $0x5FFFF;
	_ =	strace $0x90000049  }
0xb2: {  	s29 =	simm.s32 $0x9;
	_ =	strace $0x8000004B  }
0xb3: {  	_ =	swait.ge [sflag:s29], $0x1  }
0xb4: {  	[sflag:s29] =	ssyncadd.s32 $0xFFFFFFFF  }
0xb5: {  	_ =	strace $0x9000004B  }
0xb6: {  	_ =	sfence  }
0xb7: {  	s30 =	sld [smem:$0x0];
	_ =	sdelay $0x2  }
0xb8: {  	s31 =	sshll.u32 s1, $0xD;
	s1 =	sshrl.u32 s1, $0x2  }
0xb9: {  	s3 =	sand.u32 $0x4000, s31;
	s1 =	sadd.s32 s1, s30  }
0xba: {  	s0 =	sor.u32 s3, s0;
	s1 =	sshll.u32 s1, $0x11  }
0xbb: {  	s0 =	sor.u32 s1, s0  }
0xbc: {  	s0 =	sadd.s32 $0x8F2B, s0  }
0xbd: {  	[sflag:s0] =	ssyncadd.remote.s32 $0x1  }
0xbe: {  	_ =	sfence.sel $0xFFFF  }
0xbf: {  	[dreg:$0x0] =	wrdreg $0xFFFFFFFF;
	(pc) =	sbr.abs _section_cstart, $3  }
0xc0: {  	[dreg:$0x1] =	wrdreg $0xFFFFFFFF  }
0xc1: {  	_ =	task.clear_ibuf [dreg:s7], $0x2FFFF;
	_ =	strace $0x9FFFFFFF  }
0xc2: {  	(tm) =	ssettm $0x7FFFFFFF  }
0xc3: {  	_ =	shalt  }
tec
execute0_lowered:
.L_overlay_start_1:
0x0: {  	(tag) =	ssettag $0x1  }
0x1: {  	s1 =	srdreg.scid;
	s5 =	rddreg [dreg:$0x0]  }
0x2: {  	s0 =	stileid.u32;
	s2 =	rddreg [dreg:$0x1];
	s6 =	simm.s32 $0x1  }
0x3: {  	s9 =	simm.s32 $0x1;
	s10 =	simm.s32 $0x3;
	s1 =	sshll.u32 s1, $0x8  }
0x4: {  	s13 =	simm.s32 $0x0;
	s3 =	sshll.u32 s0, $0x9;
	s4 =	sand.u32 $0x100, s1  }
0x5: {  	s12 =	simm.s32 $0x0;
	s1 =	rddreg [dreg:$0x2];
	s3 =	sor.u32 s3, s4  }
0x6: {  	_ =	strace $0x8000004A;
	s4 =	sadd.s32 $0x91E00, s5;
	s8 =	ssub.s32 $0x3000, s3  }
.Ltmp0:
0x7: {  	s5 =	sadd.s32 $0xB4000, s5;
	s7 =	sand.u32 $0x1F00, s8;
	(pc) =	sbr.rel .LBB2_1-.Ltmp0, $4  }
0x8: {  	[sflag:s6] =	ssyncpa.u1 $0x0;
	s11 =	smov.u32 s3;
	p0 =	sne.s32 s7, $0x0  }
0x9: {  	s8 =	sshrl.u32 s8, $0xD;
	s7 =	simm.s32 $0x2;
	s9 =	simm.s32 @!p0 $0x0  }
0xa: {  	[sflag:s7] =	ssyncpa.u1 $0x0;
	p0 =	por $0x0, $0x0;
	s8 =	sadd.s32 s9, s8  }
0xb: {  	vm0 =	vmmov $0xffff;
	[sflag:s10] =	ssyncpa.u1 $0x0;
	s10 =	simm.s32 $0x0;
	s9 =	sadd.s32 $0x1, s8  }
.LBB2_4:
0xc: {  	v3 =	vshrl.u32 v0, $0xC;
	v62 =	vshll.u32 v0, $0x10;
	v2 =	vand.u32 $0xFF80, v2  }
0xd: {  	v3 =	vand.u32 $0x7F, v3;
	v0 =	vand.u32 $0x70000, v62;
	v2 =	vsel vm1, $0xFFFFFF80, v2  }
0xe: {  	v3 =	vsel vm1, $0xFFFFFFFF, v3;
	v0 =	vsel vm1, $0xFFFF0000, v0;
	v4 =	vand.u32 $0xFFFFFC00, v2  }
0xf: {  	v0 =	vadd.s32 v0, v4;
	v63 =	vand.u32 $0xFFFFFC00, v3  }
0x10: {  	v2 =	vand.u32 $0x380, v2;
	v0 =	vadd.s32 v63, v0  }
0x11: {  	v3 =	vand.u32 $0x7F, v3;
	v0 =	vor.u32 v2, v0  }
0x12: {  	v0 =	vor.u32 v3, v0;
	_ =	sdelay $0x1  }
0x13: {  	(ifvalue) =	ssetifvalue $0x7FFFFFFF;
	s15 =	sadd.s32 $0x10, s15  }
0x14: {  	[tilespmem:s15], [sflag:$0x1] =	stream.indirect_vreg.gather [hbm4b:s4+s10], $0x1, v1, vm0, $0x4038;
	[tilespmem:$0x400] =	vst v63  }
0x15: {  	(ifvalue) =	ssetifvalue $0x7FFFFFFF;
	s15 =	sadd.s32 $0x10, s15  }
0x16: {  	[tilespmem:s15], [sflag:$0x1] =	stream.indirect_vreg.gather [hbm4b:s4+s10], $0x1, v0, vm0, $0x4038;
	[tilespmem:$0x400] =	vst v63  }
0x17: {  	_ =	swait.ge [sflag:s6], $0x100  }
0x18: {  	s30 =	sshrl.u32 s13, $0x3;
	[sflag:s6] =	ssyncset.done $0x0  }
0x19: {  	s31 =	sand.u32 $0x7, s13;
	s15 =	sadd.s32 s2, s30;
	[sflag:s6] =	ssyncadd.s32 $0xFFFFFF00  }
0x1a: {  	[hbm4b:s15+s31] =	stream.linear.scatter [tilespmem:s14], [sflag:$0x3], $0x100, $0x38;
	[tilespmem:$0x400] =	vst v63  }
.LBB2_5:
0x1b: {  	s15 =	sadd.s32 $0x2000, s11  }
0x1c: {  	p2 =	sgt.s32 s15, $0x2FFF  }
0x1d: {  	s15 =	smov.u32 @p2 s3;
	p2 =	sne.s32 s12, s9  }
.Ltmp1:
0x1e: {  	p1 =	slt.u32 s12, $0x2;
	(pc) =	sbr.rel @!p2 .LBB2_6-.Ltmp1, $4  }
0x1f: {  	s14 =	simm.s32 @!p1 $0x3  }
0x20: {  	s16 =	sadd.s32 $0x1, s12;
	_ =	swait.ge @!p1 [sflag:s14], $0x100  }
0x21: {  	s13 =	smov.u32 s11;
	p0 =	por !p0, !p0;
	[sflag:s14] =	ssyncset.done @!p1 $0x0  }
0x22: {  	s12 =	smov.u32 s16;
	s11 =	smov.u32 s15;
	[sflag:s14] =	ssyncadd.s32 @!p1 $0xFFFFFF00  }
.LBB2_1:
0x23: {  	p1 =	sge.u32 s12, s8  }
0x24: {  	s14 =	sxor.u32 @!p1 $0xFFFFFFFF, s12  }
0x25: {  	s31 =	sadd.s32 $0xFFFFFFFF, s12;
	s15 =	sshrl.u32 @!p1 s11, $0x3;
	s14 =	sshll.u32 @!p1 s14, $0x8  }
0x26: {  	s16 =	sand.u32 @!p1 $0x7, s11;
	s15 =	sadd.s32 @!p1 s5, s15;
	s14 =	sand.u32 @!p1 $0x100, s14  }
0x27: {  	[tilespmem:s14], [sflag:$0x2] =	stream.linear.gather @!p1 [hbm4b:s15+s16], $0x100, $0x38;
	[tilespmem:$0x400] =	vst v63  }
0x28: {  	p1 =	sge.u32 s31, s8  }
.Ltmp2:
0x29: {  	_ = 	snop;
	(pc) =	sbr.rel @p1 .LBB2_5-.Ltmp2, $1  }
0x2a: {  	_ =	sdelay $0x3  }
0x2b: {  	s14 =	simm.s32 $0x1  }
0x2c: {  	_ =	swait.ge [sflag:s7], $0x100;
	s14 =	simm.s32 @!p0 $0x0  }
0x2d: {  	[sflag:s7] =	ssyncset.done $0x0;
	s14 =	sshll.u32 s14, $0x8  }
0x2e: {  	[sflag:s7] =	ssyncadd.s32 $0xFFFFFF00;
	(ifvalue) =	ssetifvalue $0x7FFFFFFF;
	v0 =	vld.msk [tilespmem:s14+$0x0 ss:$0x1], $0xffff;
	_ =	sdelay $0x2  }
0x2f: {  	s15 =	sadd.s32 $0x10, s14  }
0x30: {  	v3 =	vld.msk [tilespmem:s15+$0x0 ss:$0x1], $0xffff  }
0x31: {  	vm1 =	veq.s32 v0, $0x80000000;
	v1 =	vshll.u32 v0, $0x4  }
0x32: {  	v2 =	vshrl.u32 v0, $0xC;
	v0 =	vshll.u32 v0, $0x10;
	v1 =	vand.u32 $0xFF80, v1  }
0x33: {  	v2 =	vand.u32 $0x7F, v2;
	v0 =	vand.u32 $0x70000, v0;
	v1 =	vsel vm1, $0xFFFFFF80, v1  }
0x34: {  	v2 =	vsel vm1, $0xFFFFFFFF, v2;
	v0 =	vsel vm1, $0xFFFF0000, v0;
	v4 =	vand.u32 $0xFFFFFC00, v1  }
0x35: {  	v62 =	vshrl.u32 v3, $0xC;
	v61 =	vand.u32 $0xFFFFFC00, v2;
	v0 =	vadd.s32 v0, v4  }
0x36: {  	vm1 =	veq.s32 v3, $0x80000000;
	v1 =	vand.u32 $0x380, v1;
	v0 =	vadd.s32 v61, v0  }
0x37: {  	v2 =	vand.u32 $0x7F, v2;
	v0 =	vor.u32 v1, v0;
	v1 =	vshll.u32 v3, $0x4  }
0x38: {  	s17 =	sadd.s32 $0x10, s15;
	v4 =	vand.u32 $0x7F, v62;
	v3 =	vshll.u32 v3, $0x10;
	v1 =	vand.u32 $0xFF80, v1  }
0x39: {  	v2 =	vor.u32 v2, v0;
	v0 =	vld.msk [tilespmem:s17+$0x0 ss:$0x1], $0xffff;
	v3 =	vand.u32 $0x70000, v3;
	v1 =	vsel vm1, $0xFFFFFF80, v1  }
0x3a: {  	v4 =	vsel vm1, $0xFFFFFFFF, v4;
	v3 =	vsel vm1, $0xFFFF0000, v3;
	v5 =	vand.u32 $0xFFFFFC00, v1  }
0x3b: {  	s31 =	sshll.u32 s12, $0x8;
	v63 =	vand.u32 $0xFFFFFC00, v4;
	v3 =	vadd.s32 v3, v5  }
0x3c: {  	s16 =	simm.s32 $0x20;
	s15 =	sor.u32 $0x200, s14;
	s14 =	sand.u32 $0x100, s31;
	v1 =	vand.u32 $0x380, v1;
	v3 =	vadd.s32 v63, v3  }
0x3d: {  	s14 =	sor.u32 $0x200, s14;
	v4 =	vand.u32 $0x7F, v4;
	(ifvalue) =	ssetifvalue $0x7FFFFFFF;
	s17 =	sadd.s32 $0x10, s17;
	v1 =	vor.u32 v1, v3  }
0x3e: {  	[tilespmem:s15], [sflag:$0x1] =	stream.indirect_vreg.gather [hbm4b:s4+s10], $0x1, v2, vm0, $0x4038;
	vm1 =	veq.s32 v0, $0x80000000;
	v2 =	vshll.u32 v0, $0x4;
	v1 =	vor.u32 v4, v1;
	[tilespmem:$0x400] =	vst v63  }
.LBB2_3:
0x3f: {  	s16 =	sadd.s32 $0x10, s16;
	v3 =	vshrl.u32 v0, $0xC;
	v4 =	vshll.u32 v0, $0x10;
	v0 =	vld.msk [tilespmem:s17+$0x0 ss:$0x1], $0xffff;
	v2 =	vand.u32 $0xFF80, v2  }
0x40: {  	p1 =	slt.u32 s16, $0xF0;
	v3 =	vand.u32 $0x7F, v3;
	v4 =	vand.u32 $0x70000, v4;
	v2 =	vsel vm1, $0xFFFFFF80, v2  }
.Ltmp3:
0x41: {  	v3 =	vsel vm1, $0xFFFFFFFF, v3;
	v4 =	vsel vm1, $0xFFFF0000, v4;
	v5 =	vand.u32 $0xFFFFFC00, v2;
	(pc) =	sbr.rel @p1 .LBB2_3-.Ltmp3, $4  }
0x42: {  	s15 =	sadd.s32 $0x10, s15;
	v4 =	vadd.s32 v4, v5;
	v5 =	vand.u32 $0xFFFFFC00, v3;
	(ifvalue) =	ssetifvalue $0x7FFFFFFF  }
0x43: {  	v2 =	vand.u32 $0x380, v2;
	v4 =	vadd.s32 v5, v4;
	[tilespmem:s15], [sflag:$0x1] =	stream.indirect_vreg.gather [hbm4b:s4+s10], $0x1, v1, vm0, $0x4038;
	[tilespmem:$0x400] =	vst v63  }
0x44: {  	v1 =	vand.u32 $0x7F, v3;
	v3 =	vor.u32 v2, v4  }
0x45: {  	s17 =	sadd.s32 $0x10, s17;
	vm1 =	veq.s32 v0, $0x80000000;
	v2 =	vshll.u32 v0, $0x4;
	v1 =	vor.u32 v1, v3  }
.Ltmp4:
0x46: {  	_ = 	snop;
	(pc) =	sbr.rel .LBB2_4-.Ltmp4, $1  }
0x47: {  	_ =	sdelay $0x3  }
.LBB2_6:
0x48: {  	_ =	sfence.sel $0x180000  }
0x49: {  	s2 =	simm.s32 $0x2;
	[bflag:$0x0] =	sbarrier.arrive $0xFFFF  }
0x4a: {  	s30 =	simm.s32 $0x3;
	[sflag:s2] =	ssyncpa.u1 $0x1  }
0x4b: {  	s31 =	simm.s32 $0x1;
	[sflag:s30] =	ssyncpa.u1 $0x1  }
0x4c: {  	[sflag:s31] =	ssyncpa.u1 $0x1  }
0x4d: {  	p0 =	sne.s32 s0, $0x0;
	_ =	strace $0x9000004A  }
0x4e: {  	s0 =	sadd.s32 @!p0 $0x100000, s1;
	[bflag:$0x2] =	sbarrier.arrive $0xFFFF  }
0x4f: {  	[sflag:s0] =	ssyncadd.tile.s32 @!p0 $0x1;
	_ =	shalt  }
.Lfunc_end2:
_tile_overlayer_lowered:
.L_overlay_start_2:
0x50: {  	(tag) =	ssettag $0x2  }
0x51: {  	s0 =	rddreg [dreg:$0x0];
	s2 =	stileid.u32  }
0x52: {  	s1 =	rddreg [dreg:$0x1];
	p0 =	sne.s32 s2, $0x0  }
0x53: {  	s3 =	rddreg [dreg:$0x2];
	[bflag:$0x3] =	sbarrier.arrive $0xFFFF;
	s2 =	simm.s32 @!p0 $0x1C01  }
0x54: {  	[timem:s3], [sflag:s2] =	dma.local @!p0 [hbm:s0], s1  }
0x55: {  	s0 =	simm.s32 @!p0 $0x1  }
0x56: {  	_ =	swait.ge @!p0 [sflag:s0], s1  }
0x57: {  	s1 =	ssub.s32 @!p0 $0x0, s1;
	[sflag:s0] =	ssyncset.done @!p0 $0x0  }
0x58: {  	[sflag:s0] =	ssyncadd.s32 @!p0 s1  }
0x59: {  	[bflag:$0x3] =	sbarrier.arrive $0xFFFF  }
0x5a: {  	_ =	shalt  }

// kernel: gather_offload_async_start.2
scs
__scs_entry_jumppad:
0x0: {  	(pc) =	sbr.rel $0x88, $3  }
0x1: {  	(tag) =	ssettag $0x0;
	lr =	simm.s32 $0x1  }
0x2: {  	[smem:$0x3F5A] =	sst lr;
	_ =	strace $0xD0000000  }
0x3: {  	_ = 	snop  }
0x4: {  	_ = 	snop  }
0x5: {  	_ = 	snop  }
0x6: {  	_ = 	snop  }
0x7: {  	_ = 	snop  }
__scs_overlays_trampoline_lowered:
0x8: {  	[smem:$0x3F69] =	sst s0  }
0x9: {  	[smem:$0x3F6A] =	sst s1  }
0xa: {  	[smem:$0x3F6B] =	sst s2  }
0xb: {  	[smem:$0x3F6C] =	sst s3  }
0xc: {  	[smem:$0x3F6D] =	sst s4  }
0xd: {  	[smem:$0x3F6E] =	sst s5  }
0xe: {  	[smem:$0x3F6F] =	sst s6  }
0xf: {  	[smem:$0x3F70] =	sst s7  }
0x10: {  	[smem:$0x3F71] =	sst s8  }
0x11: {  	[smem:$0x3F72] =	sst s9;
	s0 =	simm.s32 @!p0 $0x0  }
0x12: {  	s1 =	sld [smem:$0x3F58];
	s0 =	simm.s32 @p0 $0x1  }
0x13: {  	[smem:$0x3F73] =	sst s0;
	s0 =	simm.s32 @!p1 $0x0  }
0x14: {  	s2 =	sld [smem:$0x3F57];
	s0 =	simm.s32 @p1 $0x1  }
0x15: {  	[smem:$0x3F74] =	sst s0;
	s0 =	simm.s32 @!p2 $0x0  }
0x16: {  	s3 =	sld [smem:$0x3FDB];
	s0 =	simm.s32 @p2 $0x1  }
0x17: {  	s4 =	simm.s32 $0x1BF5;
	[smem:$0x3F76] =	sst s0  }
0x18: {  	s0 =	sld [smem:$0x3F59];
	_ =	swait.ge [sflag:s4], $0x0  }
0x19: {  	s7 =	sld [smem:$0x3F5A]  }
0x1a: {  	s8 =	sadd.s32 $0xFFFFE003, lr  }
0x1b: {  	s9 =	sadd.s32 $0xFFFFFEF7, lr;
	s5 =	simm.s32 $0xFFFFFFFF;
	p2 =	slt.u32 s8, $0xFFFFF086  }
0x1c: {  	p1 =	slt.u32 s9, $0xF7A;
	s5 =	simm.s32 @!p2 $0x0  }
0x1d: {  	s5 =	simm.s32 @p1 $0x1;
	p0 =	seq.s32 s7, s2  }
0x1e: {  	s7 =	smul.u32 @!p0 $0xF7A, s2;
	p2 =	seq.s32 @!p0 s5, $0x0  }
0x1f: {  	s9 =	smul.u32 $0xF7A, s1;
	s8 =	simm.s32 @!p0 $0x1BF5;
	p2 =	por !p2, p0  }
0x20: {  	[sflag:s8] =	ssyncset.s32 @!p0 $0xFFFFF086;
	s6 =	sadd.s32 @!p0 s3, s7;
	s7 =	simm.s32 @!p0 $0x108  }
0x21: {  	s3 =	sadd.s32 s3, s9;
	s6 =	sadd.s32 @!p0 $0x88, s6;
	s7 =	simm.s32 @p2 $0x1082  }
0x22: {  	[simem:s7], [sflag:s8] =	dma.local @!p0 [hbm:s6], $0xF7A  }
0x23: {  	s9 =	sor.u32 $0xD0000000, s2;
	s6 =	simm.s32 $0x108;
	_ =	swait.ge @!p0 [sflag:s8], $0x0  }
0x24: {  	s3 =	sadd.s32 $0x88, s3;
	s6 =	simm.s32 @!p1 $0x1082;
	[sflag:s4] =	ssyncset.s32 $0xFFFFF086  }
0x25: {  	[simem:s6], [sflag:s4] =	dma.local [hbm:s3], $0xF7A  }
0x26: {  	[smem:$0x3F5A] =	sst s1;
	(tag) =	ssettag s2;
	_ =	strace s9  }
0x27: {  	s1 =	sld [smem:$0x3F6A]  }
0x28: {  	s2 =	sld [smem:$0x3F6B]  }
0x29: {  	s4 =	sld [smem:$0x3F6D]  }
0x2a: {  	p0 =	seq.s32 s5, $0x0;
	s5 =	sld [smem:$0x3F6E]  }
0x2b: {  	s6 =	sld [smem:$0x3F6F]  }
0x2c: {  	s7 =	sld [smem:$0x3F70]  }
0x2d: {  	s3 =	simm.s32 $0x108;
	s8 =	sld [smem:$0x3F71]  }
0x2e: {  	s3 =	simm.s32 @!p0 $0x1082;
	s9 =	sld [smem:$0x3F72]  }
0x2f: {  	lr =	sadd.s32 s0, s3;
	s0 =	sld [smem:$0x3F69]  }
0x30: {  	s3 =	sld [smem:$0x3F6C]  }
0x31: {  	[smem:$0x3F75] =	sst s10  }
0x32: {  	s10 =	sld [smem:$0x3F73];
	_ =	sdelay $0x3  }
0x33: {  	p0 =	seq.s32 s10, $0x1;
	s10 =	sld [smem:$0x3F75];
	_ =	sdelay $0x3  }
0x34: {  	[smem:$0x3F75] =	sst s10  }
0x35: {  	s10 =	sld [smem:$0x3F74];
	_ =	sdelay $0x3  }
0x36: {  	p1 =	seq.s32 s10, $0x1;
	s10 =	sld [smem:$0x3F75];
	_ =	sdelay $0x3  }
0x37: {  	[smem:$0x3F75] =	sst s10  }
0x38: {  	s10 =	sld [smem:$0x3F76]  }
0x39: {  	_ = 	snop;
	(pc) =	sbr.ind lr, $3  }
0x3a: {  	_ = 	snop  }
0x3b: {  	_ = 	snop  }
0x3c: {  	p2 =	seq.s32 s10, $0x1;
	s10 =	sld [smem:$0x3F75]  }
0x3d: {  	_ =	shalt  }
0x3e: {  	_ =	shalt  }
0x3f: {  	_ =	shalt  }
0x40: {  	_ =	shalt  }
0x41: {  	_ =	shalt  }
0x42: {  	_ =	shalt  }
0x43: {  	_ =	shalt  }
0x44: {  	_ =	shalt  }
0x45: {  	_ =	shalt  }
0x46: {  	_ =	shalt  }
0x47: {  	_ =	shalt  }
0x48: {  	_ =	shalt  }
0x49: {  	_ =	shalt  }
0x4a: {  	_ =	shalt  }
0x4b: {  	_ =	shalt  }
0x4c: {  	_ =	shalt  }
0x4d: {  	_ =	shalt  }
0x4e: {  	_ =	shalt  }
0x4f: {  	_ =	shalt  }
0x50: {  	_ =	shalt  }
0x51: {  	_ =	shalt  }
0x52: {  	_ =	shalt  }
0x53: {  	_ =	shalt  }
0x54: {  	_ =	shalt  }
0x55: {  	_ =	shalt  }
0x56: {  	_ =	shalt  }
0x57: {  	_ =	shalt  }
0x58: {  	_ =	shalt  }
0x59: {  	_ =	shalt  }
0x5a: {  	_ =	shalt  }
0x5b: {  	_ =	shalt  }
0x5c: {  	_ =	shalt  }
0x5d: {  	_ =	shalt  }
0x5e: {  	_ =	shalt  }
0x5f: {  	_ =	shalt  }
0x60: {  	_ =	shalt  }
0x61: {  	_ =	shalt  }
0x62: {  	_ =	shalt  }
0x63: {  	_ =	shalt  }
0x64: {  	_ =	shalt  }
0x65: {  	_ =	shalt  }
0x66: {  	_ =	shalt  }
0x67: {  	_ =	shalt  }
0x68: {  	_ =	shalt  }
0x69: {  	_ =	shalt  }
0x6a: {  	_ =	shalt  }
0x6b: {  	_ =	shalt  }
0x6c: {  	_ =	shalt  }
0x6d: {  	_ =	shalt  }
0x6e: {  	_ =	shalt  }
0x6f: {  	_ =	shalt  }
0x70: {  	_ =	shalt  }
0x71: {  	_ =	shalt  }
0x72: {  	_ =	shalt  }
0x73: {  	_ =	shalt  }
0x74: {  	_ =	shalt  }
0x75: {  	_ =	shalt  }
0x76: {  	_ =	shalt  }
0x77: {  	_ =	shalt  }
0x78: {  	_ =	shalt  }
0x79: {  	_ =	shalt  }
0x7a: {  	_ =	shalt  }
0x7b: {  	_ =	shalt  }
0x7c: {  	_ =	shalt  }
0x7d: {  	_ =	shalt  }
0x7e: {  	_ =	shalt  }
0x7f: {  	_ =	shalt  }
0x80: {  	_ =	shalt  }
0x81: {  	_ =	shalt  }
0x82: {  	_ =	shalt  }
0x83: {  	_ =	shalt  }
0x84: {  	_ =	shalt  }
0x85: {  	_ =	shalt  }
0x86: {  	_ =	shalt  }
0x87: {  	_ =	shalt  }
.Lfunc_end0:
.L_simem_size_0:
called_computation.2_lowered:
.L_overlay_start_0:
0x88: {  	s2 =	sld [smem:$0x3FD9]  }
0x89: {  	s3 =	sld [smem:$0x3FFE];
	_ =	sdelay $0x1  }
0x8a: {  	s1 =	srdreg.scid  }
0x8b: {  	s0 =	sand.u32 $0x1, s1  }
0x8c: {  	s16 =	sshll.u32 s0, $0xA;
	s2 =	sadd.s32 s3, s2  }
0x8d: {  	s2 =	sadd.s32 s2, s16  }
0x8e: {  	[smem:$0x3F81] =	sst s2  }
0x8f: {  	_ = 	snop  }
0x90: {  	(tm) =	ssettm $0x1  }
0x91: {  	s17 =	sld [smem:$0x3FFB];
	_ =	sdelay $0x3  }
0x92: {  	_ =	strace s17  }
0x93: {  	s2 =	sld [smem:$0x3FFC];
	_ =	sdelay $0x3  }
0x94: {  	_ =	strace s2  }
0x95: {  	s2 =	sld [smem:$0x3FFD];
	_ =	sdelay $0x3  }
0x96: {  	_ =	strace s2  }
0x97: {  	_ =	strace $0x8FFFFFFF  }
0x98: {  	s18 =	sld [smem:$0x3FDB];
	_ =	sdelay $0x1  }
0x99: {  	s19 =	simm.s32 $_scs_section_size  }
0x9a: {  	s4 =	simm.s32 $_size__tile_overlayer_lowered;
	s5 =	simm.s32 $_tile_overlayer_lowered  }
0x9b: {  	s22 =	simm.s32 $0x1BFF;
	s21 =	sshll.u32 s5, $0x1;
	s2 =	sadd.s32 s19, s18  }
0x9c: {  	s6 =	simm.s32 $0x0;
	s20 =	sshll.u32 s4, $0x1;
	s4 =	sadd.s32 s21, s2  }
0x9d: {  	[timem:s6], [sflag:s22] =	dma.local [hbm:s4], s20  }
0x9e: {  	_ =	swait.ge [sflag:s22], s20  }
0x9f: {  	s3 =	ssub.s32 $0x0, s20;
	[sflag:s22] =	ssyncset.done $0x0  }
0xa0: {  	[sflag:s22] =	ssyncadd.s32 s3;
	_ =	sdelay $0x1  }
0xa1: {  	s23 =	simm.s32 $0x1B8B  }
0xa2: {  	_ =	swait.ge [sflag:s23], $0x1  }
0xa3: {  	[sflag:s23] =	ssyncset.done $0x0  }
0xa4: {  	s25 =	simm.s32 $0x1B8E;
	s24 =	sld [smem:$0x3FFE];
	[sflag:s23] =	ssyncadd.s32 $0xFFFFFFFF  }
0xa5: {  	s26 =	simm.s32 $execute0_lowered;
	[smem:$0x3FD2] =	sst s25  }
0xa6: {  	s4 =	sshll.u32 s26, $0x1;
	_ =	strace $0x8000004C;
	[dreg:$0x1] =	wrdreg $0xFFFFFFFF  }
0xa7: {  	s28 =	simm.s32 $_size_execute0_lowered;
	s2 =	sadd.s32 s2, s4;
	[dreg:$0x0] =	wrdreg $0x0  }
0xa8: {  	s4 =	sshll.u32 s28, $0x1;
	[dreg:$0x2] =	wrdreg s2  }
0xa9: {  	[dreg:$0x3] =	wrdreg s4  }
0xaa: {  	[dreg:$0x4] =	wrdreg $0xC0  }
0xab: {  	_ =	task [dreg:s6], $0x5FFFF  }
0xac: {  	[dreg:$0x1] =	wrdreg $0xFFFFFFFF  }
0xad: {  	[dreg:$0x0] =	wrdreg $0x60  }
0xae: {  	[dreg:$0x2] =	wrdreg s24  }
0xaf: {  	[dreg:$0x3] =	wrdreg $0x9  }
0xb0: {  	_ =	task.clear_ibuf [dreg:s6], $0x4FFFF;
	_ =	strace $0x9000004C  }
0xb1: {  	s29 =	simm.s32 $0x9;
	_ =	strace $0x8000004E  }
0xb2: {  	_ =	swait.ge [sflag:s29], $0x1  }
0xb3: {  	[sflag:s29] =	ssyncadd.s32 $0xFFFFFFFF  }
0xb4: {  	_ =	strace $0x9000004E  }
0xb5: {  	_ =	sfence  }
0xb6: {  	s30 =	sld [smem:$0x0];
	_ =	sdelay $0x2  }
0xb7: {  	s31 =	sshll.u32 s1, $0xD;
	s1 =	sshrl.u32 s1, $0x2  }
0xb8: {  	s3 =	sand.u32 $0x4000, s31;
	s1 =	sadd.s32 s1, s30  }
0xb9: {  	s0 =	sor.u32 s3, s0;
	s1 =	sshll.u32 s1, $0x11  }
0xba: {  	s0 =	sor.u32 s1, s0  }
0xbb: {  	s0 =	sadd.s32 $0x8F2B, s0  }
0xbc: {  	[sflag:s0] =	ssyncadd.remote.s32 $0x1  }
0xbd: {  	_ =	sfence.sel $0xFFFF  }
0xbe: {  	[dreg:$0x0] =	wrdreg $0xFFFFFFFF;
	(pc) =	sbr.abs _section_cstart, $3  }
0xbf: {  	[dreg:$0x1] =	wrdreg $0xFFFFFFFF  }
0xc0: {  	_ =	task.clear_ibuf [dreg:s6], $0x2FFFF;
	_ =	strace $0x9FFFFFFF  }
0xc1: {  	(tm) =	ssettm $0x7FFFFFFF  }
tec
execute0_lowered:
.L_overlay_start_1:
0x0: {  	(tag) =	ssettag $0x1  }
0x1: {  	s0 =	srdreg.scid;
	s5 =	rddreg [dreg:$0x0]  }
0x2: {  	s1 =	stileid.u32;
	s6 =	simm.s32 $0x1;
	s9 =	simm.s32 $0x1  }
0x3: {  	s10 =	simm.s32 $0x3;
	s13 =	simm.s32 $0x0;
	s2 =	sshll.u32 s0, $0xB  }
0x4: {  	s12 =	simm.s32 $0x0;
	s3 =	sshll.u32 s1, $0xC;
	s2 =	sand.u32 $0x800, s2  }
0x5: {  	s0 =	rddreg [dreg:$0x1];
	_ =	strace $0x8000004D;
	s2 =	sor.u32 s3, s2  }
0x6: {  	s4 =	sadd.s32 $0x89400, s5;
	[sflag:s6] =	ssyncpa.u1 $0x0;
	s8 =	ssub.s32 $0x18000, s2  }
.Ltmp0:
0x7: {  	s3 =	sadd.s32 $0x2B4C00, s5;
	s7 =	sand.u32 $0xF800, s8;
	(pc) =	sbr.rel .LBB2_1-.Ltmp0, $4  }
0x8: {  	s5 =	sadd.s32 $0x8F400, s5;
	s11 =	smov.u32 s2;
	p0 =	sne.s32 s7, $0x0  }
0x9: {  	s8 =	sshrl.u32 s8, $0x10;
	s7 =	simm.s32 $0x2;
	s9 =	simm.s32 @!p0 $0x0  }
0xa: {  	[sflag:s7] =	ssyncpa.u1 $0x0;
	p0 =	por $0x0, $0x0;
	s8 =	sadd.s32 s9, s8  }
0xb: {  	vm0 =	vmmov $0xffff;
	[sflag:s10] =	ssyncpa.u1 $0x0;
	s10 =	simm.s32 $0x0;
	s9 =	sadd.s32 $0x1, s8  }
.LBB2_4:
0xc: {  	v3 =	vshrl.u32 v0, $0x3;
	v4 =	vshrl.u32 v0, $0xF;
	v1 =	vor.u32 v1, v2  }
0xd: {  	v62 =	vshll.u32 v0, $0x15;
	v60 =	vand.u32 $0xFFF, v3;
	v61 =	vand.u32 $0x1FF, v4  }
0xe: {  	v0 =	vand.u32 $0xE00000, v62;
	v2 =	vsel vm1, $0xFFFFFFFF, v60;
	v3 =	vsel vm1, $0xFFFFFFFF, v61  }
0xf: {  	v0 =	vsel vm1, $0xFFE00000, v0;
	v63 =	vand.u32 $0x7F, v3;
	v5 =	vshll.u32 v2, $0x9  }
0x10: {  	v3 =	vshll.u32 v3, $0x3;
	v5 =	vand.u32 $0xFFFFF000, v5;
	v0 =	vor.u32 v0, v63  }
0x11: {  	v2 =	vshll.u32 v2, $0x7;
	v3 =	vand.u32 $0xFFFFFC00, v3;
	v0 =	vadd.s32 v5, v0  }
0x12: {  	v2 =	vand.u32 $0x380, v2;
	v0 =	vadd.s32 v3, v0  }
0x13: {  	v0 =	vor.u32 v2, v0;
	_ =	sdelay $0x1  }
0x14: {  	(ifvalue) =	ssetifvalue $0x7FFFFFFF;
	s14 =	sadd.s32 $0x10, s14  }
0x15: {  	[tilespmem:s14], [sflag:$0x1] =	stream.indirect_vreg.gather [hbm4b:s3+s10], $0x1, v1, vm0, $0x4038;
	[tilespmem:$0x2000] =	vst v63  }
0x16: {  	(ifvalue) =	ssetifvalue $0x7FFFFFFF;
	s14 =	sadd.s32 $0x10, s14  }
0x17: {  	[tilespmem:s14], [sflag:$0x1] =	stream.indirect_vreg.gather [hbm4b:s3+s10], $0x1, v0, vm0, $0x4038;
	[tilespmem:$0x2000] =	vst v63  }
0x18: {  	_ =	swait.ge [sflag:s6], $0x800  }
0x19: {  	s30 =	sshrl.u32 s13, $0x3;
	[sflag:s6] =	ssyncset.done $0x0  }
0x1a: {  	s31 =	sand.u32 $0x7, s13;
	s14 =	sadd.s32 s5, s30;
	[sflag:s6] =	ssyncadd.s32 $0xFFFFF800  }
0x1b: {  	[hbm4b:s14+s31] =	stream.linear.scatter [tilespmem:s15], [sflag:$0x3], $0x800, $0x38;
	[tilespmem:$0x2000] =	vst v63  }
.LBB2_5:
0x1c: {  	s15 =	sadd.s32 $0x10000, s11  }
0x1d: {  	p2 =	sgt.s32 s15, $0x17FFF  }
0x1e: {  	s15 =	smov.u32 @p2 s2;
	p2 =	sne.s32 s12, s9  }
.Ltmp1:
0x1f: {  	p1 =	slt.u32 s12, $0x2;
	(pc) =	sbr.rel @!p2 .LBB2_6-.Ltmp1, $4  }
0x20: {  	s14 =	simm.s32 @!p1 $0x3  }
0x21: {  	s16 =	sadd.s32 $0x1, s12;
	_ =	swait.ge @!p1 [sflag:s14], $0x800  }
0x22: {  	s13 =	smov.u32 s11;
	p0 =	por !p0, !p0;
	[sflag:s14] =	ssyncset.done @!p1 $0x0  }
0x23: {  	s12 =	smov.u32 s16;
	s11 =	smov.u32 s15;
	[sflag:s14] =	ssyncadd.s32 @!p1 $0xFFFFF800  }
.LBB2_1:
0x24: {  	p1 =	sge.u32 s12, s8  }
0x25: {  	s14 =	sxor.u32 @!p1 $0xFFFFFFFF, s12  }
0x26: {  	s31 =	sadd.s32 $0xFFFFFFFF, s12;
	s15 =	sshrl.u32 @!p1 s11, $0x3;
	s14 =	sshll.u32 @!p1 s14, $0xB  }
0x27: {  	s16 =	sand.u32 @!p1 $0x7, s11;
	s15 =	sadd.s32 @!p1 s4, s15;
	s14 =	sand.u32 @!p1 $0x800, s14  }
0x28: {  	[tilespmem:s14], [sflag:$0x2] =	stream.linear.gather @!p1 [hbm4b:s15+s16], $0x800, $0x38;
	[tilespmem:$0x2000] =	vst v63  }
0x29: {  	p1 =	sge.u32 s31, s8  }
.Ltmp2:
0x2a: {  	_ = 	snop;
	(pc) =	sbr.rel @p1 .LBB2_5-.Ltmp2, $1  }
0x2b: {  	_ =	sdelay $0x3  }
0x2c: {  	s14 =	simm.s32 $0x1  }
0x2d: {  	_ =	swait.ge [sflag:s7], $0x800;
	s14 =	simm.s32 @!p0 $0x0  }
0x2e: {  	[sflag:s7] =	ssyncset.done $0x0;
	s14 =	sshll.u32 s14, $0xB  }
0x2f: {  	[sflag:s7] =	ssyncadd.s32 $0xFFFFF800;
	(ifvalue) =	ssetifvalue $0x7FFFFFFF;
	v0 =	vld.msk [tilespmem:s14+$0x0 ss:$0x1], $0xffff;
	_ =	sdelay $0x4  }
0x30: {  	s15 =	sadd.s32 $0x10, s14;
	vm1 =	veq.s32 v0, $0x80000000;
	v1 =	vshrl.u32 v0, $0x3;
	v2 =	vshrl.u32 v0, $0xF  }
0x31: {  	v3 =	vld.msk [tilespmem:s15+$0x0 ss:$0x1], $0xffff;
	v0 =	vshll.u32 v0, $0x15;
	v1 =	vand.u32 $0xFFF, v1;
	v2 =	vand.u32 $0x1FF, v2  }
0x32: {  	v0 =	vand.u32 $0xE00000, v0;
	v1 =	vsel vm1, $0xFFFFFFFF, v1;
	v2 =	vsel vm1, $0xFFFFFFFF, v2  }
0x33: {  	v0 =	vsel vm1, $0xFFE00000, v0;
	v4 =	vand.u32 $0x7F, v2;
	v5 =	vshll.u32 v1, $0x9  }
0x34: {  	v2 =	vshll.u32 v2, $0x3;
	v5 =	vand.u32 $0xFFFFF000, v5;
	v0 =	vor.u32 v0, v4  }
0x35: {  	v1 =	vshll.u32 v1, $0x7;
	v2 =	vand.u32 $0xFFFFFC00, v2;
	v0 =	vadd.s32 v5, v0  }
0x36: {  	v62 =	vshrl.u32 v3, $0xF;
	v1 =	vand.u32 $0x380, v1;
	v0 =	vadd.s32 v2, v0  }
0x37: {  	s17 =	sadd.s32 $0x10, s15;
	vm1 =	veq.s32 v3, $0x80000000;
	v2 =	vshrl.u32 v3, $0x3;
	v1 =	vor.u32 v1, v0  }
0x38: {  	v4 =	vand.u32 $0x1FF, v62;
	v3 =	vshll.u32 v3, $0x15;
	v0 =	vld.msk [tilespmem:s17+$0x0 ss:$0x1], $0xffff;
	v2 =	vand.u32 $0xFFF, v2  }
0x39: {  	v4 =	vsel vm1, $0xFFFFFFFF, v4;
	v3 =	vand.u32 $0xE00000, v3;
	v2 =	vsel vm1, $0xFFFFFFFF, v2  }
0x3a: {  	s31 =	sshll.u32 s12, $0xB;
	v63 =	vand.u32 $0x7F, v4;
	v3 =	vsel vm1, $0xFFE00000, v3;
	v6 =	vshll.u32 v2, $0x9  }
0x3b: {  	s14 =	sor.u32 $0x1000, s14;
	s15 =	sand.u32 $0x800, s31;
	v4 =	vshll.u32 v4, $0x3;
	(ifvalue) =	ssetifvalue $0x7FFFFFFF;
	v3 =	vor.u32 v3, v63;
	v6 =	vand.u32 $0xFFFFF000, v6  }
0x3c: {  	v4 =	vand.u32 $0xFFFFFC00, v4;
	[tilespmem:s14], [sflag:$0x1] =	stream.indirect_vreg.gather [hbm4b:s3+s10], $0x1, v1, vm0, $0x4038;
	v1 =	vshll.u32 v2, $0x7;
	v2 =	vadd.s32 v6, v3;
	[tilespmem:$0x2000] =	vst v63  }
0x3d: {  	s16 =	simm.s32 $0x20;
	s15 =	sor.u32 $0x1000, s15;
	s17 =	sadd.s32 $0x10, s17;
	vm1 =	veq.s32 v0, $0x80000000;
	v1 =	vand.u32 $0x380, v1;
	v2 =	vadd.s32 v4, v2  }
.LBB2_3:
0x3e: {  	v3 =	vld.msk [tilespmem:s17+$0x0 ss:$0x1], $0xffff;
	v4 =	vshrl.u32 v0, $0x3;
	v5 =	vshrl.u32 v0, $0xF;
	v1 =	vor.u32 v1, v2;
	s16 =	sadd.s32 $0x10, s16  }
0x3f: {  	v0 =	vshll.u32 v0, $0x15;
	v2 =	vand.u32 $0xFFF, v4;
	v4 =	vand.u32 $0x1FF, v5;
	p1 =	slt.u32 s16, $0x7F0  }
.Ltmp3:
0x40: {  	v0 =	vand.u32 $0xE00000, v0;
	v2 =	vsel vm1, $0xFFFFFFFF, v2;
	v4 =	vsel vm1, $0xFFFFFFFF, v4;
	(pc) =	sbr.rel @p1 .LBB2_3-.Ltmp3, $4  }
0x41: {  	v0 =	vsel vm1, $0xFFE00000, v0;
	v5 =	vand.u32 $0x7F, v4;
	v6 =	vshll.u32 v2, $0x9  }
0x42: {  	s14 =	sadd.s32 $0x10, s14;
	v4 =	vshll.u32 v4, $0x3;
	v6 =	vand.u32 $0xFFFFF000, v6;
	v7 =	vor.u32 v0, v5;
	(ifvalue) =	ssetifvalue $0x7FFFFFFF  }
0x43: {  	v2 =	vshll.u32 v2, $0x7;
	v4 =	vand.u32 $0xFFFFFC00, v4;
	v5 =	vadd.s32 v6, v7;
	[tilespmem:s14], [sflag:$0x1] =	stream.indirect_vreg.gather [hbm4b:s3+s10], $0x1, v1, vm0, $0x4038;
	[tilespmem:$0x2000] =	vst v63  }
0x44: {  	s17 =	sadd.s32 $0x10, s17;
	vm1 =	veq.s32 v3, $0x80000000;
	v1 =	vand.u32 $0x380, v2;
	v0 =	vmovc v3;
	v2 =	vadd.s32 v4, v5  }
.Ltmp4:
0x45: {  	_ = 	snop;
	(pc) =	sbr.rel .LBB2_4-.Ltmp4, $1  }
0x46: {  	_ =	sdelay $0x3  }
.LBB2_6:
0x47: {  	_ =	sfence.sel $0x180000  }
0x48: {  	s2 =	simm.s32 $0x2;
	[bflag:$0x0] =	sbarrier.arrive $0xFFFF  }
0x49: {  	s30 =	simm.s32 $0x3;
	[sflag:s2] =	ssyncpa.u1 $0x1  }
0x4a: {  	s31 =	simm.s32 $0x1;
	[sflag:s30] =	ssyncpa.u1 $0x1  }
0x4b: {  	[sflag:s31] =	ssyncpa.u1 $0x1  }
0x4c: {  	p0 =	sne.s32 s1, $0x0;
	_ =	strace $0x9000004D  }
0x4d: {  	s0 =	sadd.s32 @!p0 $0x100000, s0;
	[bflag:$0x2] =	sbarrier.arrive $0xFFFF  }
0x4e: {  	[sflag:s0] =	ssyncadd.tile.s32 @!p0 $0x1;
	_ =	shalt  }
.Lfunc_end2:
_tile_overlayer_lowered:
.L_overlay_start_2:
0x4f: {  	(tag) =	ssettag $0x2  }
0x50: {  	s0 =	rddreg [dreg:$0x0];
	s2 =	stileid.u32  }
0x51: {  	s1 =	rddreg [dreg:$0x1];
	p0 =	sne.s32 s2, $0x0  }
0x52: {  	s3 =	rddreg [dreg:$0x2];
	[bflag:$0x3] =	sbarrier.arrive $0xFFFF;
	s2 =	simm.s32 @!p0 $0x1C01  }
0x53: {  	[timem:s3], [sflag:s2] =	dma.local @!p0 [hbm:s0], s1  }
0x54: {  	s0 =	simm.s32 @!p0 $0x1  }
0x55: {  	_ =	swait.ge @!p0 [sflag:s0], s1  }
0x56: {  	s1 =	ssub.s32 @!p0 $0x0, s1;
	[sflag:s0] =	ssyncset.done @!p0 $0x0  }
0x57: {  	[sflag:s0] =	ssyncadd.s32 @!p0 s1  }
0x58: {  	[bflag:$0x3] =	sbarrier.arrive $0xFFFF  }
0x59: {  	_ =	shalt  }

// kernel: gather_offload_async_start
scs
__scs_entry_jumppad:
0x0: {  	(pc) =	sbr.rel $0x88, $3  }
0x1: {  	(tag) =	ssettag $0x0;
	lr =	simm.s32 $0x1  }
0x2: {  	[smem:$0x3F5A] =	sst lr;
	_ =	strace $0xD0000000  }
0x3: {  	_ = 	snop  }
0x4: {  	_ = 	snop  }
0x5: {  	_ = 	snop  }
0x6: {  	_ = 	snop  }
0x7: {  	_ = 	snop  }
__scs_overlays_trampoline_lowered:
0x8: {  	[smem:$0x3F69] =	sst s0  }
0x9: {  	[smem:$0x3F6A] =	sst s1  }
0xa: {  	[smem:$0x3F6B] =	sst s2  }
0xb: {  	[smem:$0x3F6C] =	sst s3  }
0xc: {  	[smem:$0x3F6D] =	sst s4  }
0xd: {  	[smem:$0x3F6E] =	sst s5  }
0xe: {  	[smem:$0x3F6F] =	sst s6  }
0xf: {  	[smem:$0x3F70] =	sst s7  }
0x10: {  	[smem:$0x3F71] =	sst s8  }
0x11: {  	[smem:$0x3F72] =	sst s9;
	s0 =	simm.s32 @!p0 $0x0  }
0x12: {  	s1 =	sld [smem:$0x3F58];
	s0 =	simm.s32 @p0 $0x1  }
0x13: {  	[smem:$0x3F73] =	sst s0;
	s0 =	simm.s32 @!p1 $0x0  }
0x14: {  	s2 =	sld [smem:$0x3F57];
	s0 =	simm.s32 @p1 $0x1  }
0x15: {  	[smem:$0x3F74] =	sst s0;
	s0 =	simm.s32 @!p2 $0x0  }
0x16: {  	s3 =	sld [smem:$0x3FDB];
	s0 =	simm.s32 @p2 $0x1  }
0x17: {  	s4 =	simm.s32 $0x1BF5;
	[smem:$0x3F76] =	sst s0  }
0x18: {  	s0 =	sld [smem:$0x3F59];
	_ =	swait.ge [sflag:s4], $0x0  }
0x19: {  	s7 =	sld [smem:$0x3F5A]  }
0x1a: {  	s8 =	sadd.s32 $0xFFFFE003, lr  }
0x1b: {  	s9 =	sadd.s32 $0xFFFFFEF7, lr;
	s5 =	simm.s32 $0xFFFFFFFF;
	p2 =	slt.u32 s8, $0xFFFFF086  }
0x1c: {  	p1 =	slt.u32 s9, $0xF7A;
	s5 =	simm.s32 @!p2 $0x0  }
0x1d: {  	s5 =	simm.s32 @p1 $0x1;
	p0 =	seq.s32 s7, s2  }
0x1e: {  	s7 =	smul.u32 @!p0 $0xF7A, s2;
	p2 =	seq.s32 @!p0 s5, $0x0  }
0x1f: {  	s9 =	smul.u32 $0xF7A, s1;
	s8 =	simm.s32 @!p0 $0x1BF5;
	p2 =	por !p2, p0  }
0x20: {  	[sflag:s8] =	ssyncset.s32 @!p0 $0xFFFFF086;
	s6 =	sadd.s32 @!p0 s3, s7;
	s7 =	simm.s32 @!p0 $0x108  }
0x21: {  	s3 =	sadd.s32 s3, s9;
	s6 =	sadd.s32 @!p0 $0x88, s6;
	s7 =	simm.s32 @p2 $0x1082  }
0x22: {  	[simem:s7], [sflag:s8] =	dma.local @!p0 [hbm:s6], $0xF7A  }
0x23: {  	s9 =	sor.u32 $0xD0000000, s2;
	s6 =	simm.s32 $0x108;
	_ =	swait.ge @!p0 [sflag:s8], $0x0  }
0x24: {  	s3 =	sadd.s32 $0x88, s3;
	s6 =	simm.s32 @!p1 $0x1082;
	[sflag:s4] =	ssyncset.s32 $0xFFFFF086  }
0x25: {  	[simem:s6], [sflag:s4] =	dma.local [hbm:s3], $0xF7A  }
0x26: {  	[smem:$0x3F5A] =	sst s1;
	(tag) =	ssettag s2;
	_ =	strace s9  }
0x27: {  	s1 =	sld [smem:$0x3F6A]  }
0x28: {  	s2 =	sld [smem:$0x3F6B]  }
0x29: {  	s4 =	sld [smem:$0x3F6D]  }
0x2a: {  	p0 =	seq.s32 s5, $0x0;
	s5 =	sld [smem:$0x3F6E]  }
0x2b: {  	s6 =	sld [smem:$0x3F6F]  }
0x2c: {  	s7 =	sld [smem:$0x3F70]  }
0x2d: {  	s3 =	simm.s32 $0x108;
	s8 =	sld [smem:$0x3F71]  }
0x2e: {  	s3 =	simm.s32 @!p0 $0x1082;
	s9 =	sld [smem:$0x3F72]  }
0x2f: {  	lr =	sadd.s32 s0, s3;
	s0 =	sld [smem:$0x3F69]  }
0x30: {  	s3 =	sld [smem:$0x3F6C]  }
0x31: {  	[smem:$0x3F75] =	sst s10  }
0x32: {  	s10 =	sld [smem:$0x3F73];
	_ =	sdelay $0x3  }
0x33: {  	p0 =	seq.s32 s10, $0x1;
	s10 =	sld [smem:$0x3F75];
	_ =	sdelay $0x3  }
0x34: {  	[smem:$0x3F75] =	sst s10  }
0x35: {  	s10 =	sld [smem:$0x3F74];
	_ =	sdelay $0x3  }
0x36: {  	p1 =	seq.s32 s10, $0x1;
	s10 =	sld [smem:$0x3F75];
	_ =	sdelay $0x3  }
0x37: {  	[smem:$0x3F75] =	sst s10  }
0x38: {  	s10 =	sld [smem:$0x3F76]  }
0x39: {  	_ = 	snop;
	(pc) =	sbr.ind lr, $3  }
0x3a: {  	_ = 	snop  }
0x3b: {  	_ = 	snop  }
0x3c: {  	p2 =	seq.s32 s10, $0x1;
	s10 =	sld [smem:$0x3F75]  }
0x3d: {  	_ =	shalt  }
0x3e: {  	_ =	shalt  }
0x3f: {  	_ =	shalt  }
0x40: {  	_ =	shalt  }
0x41: {  	_ =	shalt  }
0x42: {  	_ =	shalt  }
0x43: {  	_ =	shalt  }
0x44: {  	_ =	shalt  }
0x45: {  	_ =	shalt  }
0x46: {  	_ =	shalt  }
0x47: {  	_ =	shalt  }
0x48: {  	_ =	shalt  }
0x49: {  	_ =	shalt  }
0x4a: {  	_ =	shalt  }
0x4b: {  	_ =	shalt  }
0x4c: {  	_ =	shalt  }
0x4d: {  	_ =	shalt  }
0x4e: {  	_ =	shalt  }
0x4f: {  	_ =	shalt  }
0x50: {  	_ =	shalt  }
0x51: {  	_ =	shalt  }
0x52: {  	_ =	shalt  }
0x53: {  	_ =	shalt  }
0x54: {  	_ =	shalt  }
0x55: {  	_ =	shalt  }
0x56: {  	_ =	shalt  }
0x57: {  	_ =	shalt  }
0x58: {  	_ =	shalt  }
0x59: {  	_ =	shalt  }
0x5a: {  	_ =	shalt  }
0x5b: {  	_ =	shalt  }
0x5c: {  	_ =	shalt  }
0x5d: {  	_ =	shalt  }
0x5e: {  	_ =	shalt  }
0x5f: {  	_ =	shalt  }
0x60: {  	_ =	shalt  }
0x61: {  	_ =	shalt  }
0x62: {  	_ =	shalt  }
0x63: {  	_ =	shalt  }
0x64: {  	_ =	shalt  }
0x65: {  	_ =	shalt  }
0x66: {  	_ =	shalt  }
0x67: {  	_ =	shalt  }
0x68: {  	_ =	shalt  }
0x69: {  	_ =	shalt  }
0x6a: {  	_ =	shalt  }
0x6b: {  	_ =	shalt  }
0x6c: {  	_ =	shalt  }
0x6d: {  	_ =	shalt  }
0x6e: {  	_ =	shalt  }
0x6f: {  	_ =	shalt  }
0x70: {  	_ =	shalt  }
0x71: {  	_ =	shalt  }
0x72: {  	_ =	shalt  }
0x73: {  	_ =	shalt  }
0x74: {  	_ =	shalt  }
0x75: {  	_ =	shalt  }
0x76: {  	_ =	shalt  }
0x77: {  	_ =	shalt  }
0x78: {  	_ =	shalt  }
0x79: {  	_ =	shalt  }
0x7a: {  	_ =	shalt  }
0x7b: {  	_ =	shalt  }
0x7c: {  	_ =	shalt  }
0x7d: {  	_ =	shalt  }
0x7e: {  	_ =	shalt  }
0x7f: {  	_ =	shalt  }
0x80: {  	_ =	shalt  }
0x81: {  	_ =	shalt  }
0x82: {  	_ =	shalt  }
0x83: {  	_ =	shalt  }
0x84: {  	_ =	shalt  }
0x85: {  	_ =	shalt  }
0x86: {  	_ =	shalt  }
0x87: {  	_ =	shalt  }
.Lfunc_end0:
.L_simem_size_0:
called_computation_lowered:
.L_overlay_start_0:
0x88: {  	s2 =	sld [smem:$0x3FD9]  }
0x89: {  	s3 =	sld [smem:$0x3FFE];
	_ =	sdelay $0x1  }
0x8a: {  	s1 =	srdreg.scid  }
0x8b: {  	s0 =	sand.u32 $0x1, s1  }
0x8c: {  	s16 =	sshll.u32 s0, $0xA;
	s2 =	sadd.s32 s3, s2  }
0x8d: {  	s2 =	sadd.s32 s2, s16  }
0x8e: {  	[smem:$0x3F81] =	sst s2  }
0x8f: {  	_ = 	snop  }
0x90: {  	(tm) =	ssettm $0x1  }
0x91: {  	s17 =	sld [smem:$0x3FFB];
	_ =	sdelay $0x3  }
0x92: {  	_ =	strace s17  }
0x93: {  	s2 =	sld [smem:$0x3FFC];
	_ =	sdelay $0x3  }
0x94: {  	_ =	strace s2  }
0x95: {  	s2 =	sld [smem:$0x3FFD];
	_ =	sdelay $0x3  }
0x96: {  	_ =	strace s2  }
0x97: {  	_ =	strace $0x8FFFFFFF  }
0x98: {  	s18 =	sld [smem:$0x3FDB];
	_ =	sdelay $0x1  }
0x99: {  	s19 =	simm.s32 $_scs_section_size  }
0x9a: {  	s4 =	simm.s32 $_size__tile_overlayer_lowered;
	s5 =	simm.s32 $_tile_overlayer_lowered  }
0x9b: {  	s22 =	simm.s32 $0x1BFF;
	s21 =	sshll.u32 s5, $0x1;
	s2 =	sadd.s32 s19, s18  }
0x9c: {  	s6 =	simm.s32 $0x0;
	s20 =	sshll.u32 s4, $0x1;
	s4 =	sadd.s32 s21, s2  }
0x9d: {  	[timem:s6], [sflag:s22] =	dma.local [hbm:s4], s20  }
0x9e: {  	_ =	swait.ge [sflag:s22], s20  }
0x9f: {  	s3 =	ssub.s32 $0x0, s20;
	[sflag:s22] =	ssyncset.done $0x0  }
0xa0: {  	[sflag:s22] =	ssyncadd.s32 s3;
	_ =	sdelay $0x1  }
0xa1: {  	s23 =	simm.s32 $0x1B8B  }
0xa2: {  	_ =	swait.ge [sflag:s23], $0x1  }
0xa3: {  	[sflag:s23] =	ssyncset.done $0x0  }
0xa4: {  	s25 =	simm.s32 $0x1B8E;
	s24 =	sld [smem:$0x3FFE];
	[sflag:s23] =	ssyncadd.s32 $0xFFFFFFFF  }
0xa5: {  	s26 =	simm.s32 $execute0_lowered;
	[smem:$0x3FD2] =	sst s25  }
0xa6: {  	s4 =	sshll.u32 s26, $0x1;
	_ =	strace $0x80000046;
	[dreg:$0x1] =	wrdreg $0xFFFFFFFF  }
0xa7: {  	s28 =	simm.s32 $_size_execute0_lowered;
	s2 =	sadd.s32 s2, s4;
	[dreg:$0x0] =	wrdreg $0x0  }
0xa8: {  	s4 =	sshll.u32 s28, $0x1;
	[dreg:$0x2] =	wrdreg s2  }
0xa9: {  	[dreg:$0x3] =	wrdreg s4  }
0xaa: {  	[dreg:$0x4] =	wrdreg $0xC0  }
0xab: {  	_ =	task [dreg:s6], $0x5FFFF  }
0xac: {  	[dreg:$0x1] =	wrdreg $0xFFFFFFFF  }
0xad: {  	[dreg:$0x0] =	wrdreg $0x60  }
0xae: {  	[dreg:$0x2] =	wrdreg s24  }
0xaf: {  	[dreg:$0x3] =	wrdreg $0x9  }
0xb0: {  	_ =	task.clear_ibuf [dreg:s6], $0x4FFFF;
	_ =	strace $0x90000046  }
0xb1: {  	s29 =	simm.s32 $0x9;
	_ =	strace $0x80000048  }
0xb2: {  	_ =	swait.ge [sflag:s29], $0x1  }
0xb3: {  	[sflag:s29] =	ssyncadd.s32 $0xFFFFFFFF  }
0xb4: {  	_ =	strace $0x90000048  }
0xb5: {  	_ =	sfence  }
0xb6: {  	s30 =	sld [smem:$0x0];
	_ =	sdelay $0x2  }
0xb7: {  	s31 =	sshll.u32 s1, $0xD;
	s1 =	sshrl.u32 s1, $0x2  }
0xb8: {  	s3 =	sand.u32 $0x4000, s31;
	s1 =	sadd.s32 s1, s30  }
0xb9: {  	s0 =	sor.u32 s3, s0;
	s1 =	sshll.u32 s1, $0x11  }
0xba: {  	s0 =	sor.u32 s1, s0  }
0xbb: {  	s0 =	sadd.s32 $0x8F2B, s0  }
0xbc: {  	[sflag:s0] =	ssyncadd.remote.s32 $0x1  }
0xbd: {  	_ =	sfence.sel $0xFFFF  }
0xbe: {  	[dreg:$0x0] =	wrdreg $0xFFFFFFFF;
	(pc) =	sbr.abs _section_cstart, $3  }
0xbf: {  	[dreg:$0x1] =	wrdreg $0xFFFFFFFF  }
0xc0: {  	_ =	task.clear_ibuf [dreg:s6], $0x2FFFF;
	_ =	strace $0x9FFFFFFF  }
0xc1: {  	(tm) =	ssettm $0x7FFFFFFF  }
tec
execute0_lowered:
.L_overlay_start_1:
0x0: {  	(tag) =	ssettag $0x1  }
0x1: {  	s7 =	rddreg [dreg:$0x0]  }
0x2: {  	s0 =	rddreg [dreg:$0x1];
	_ =	strace $0x80000047  }
0x3: {  	s1 =	srdreg.scid;
	s4 =	simm.s32 $0x1;
	s9 =	simm.s32 $0x3  }
0x4: {  	s12 =	simm.s32 $0x0;
	s10 =	simm.s32 $0x0;
	s5 =	sshll.u32 s1, $0x4  }
.Ltmp0:
0x5: {  	s1 =	stileid.u32;
	s5 =	sand.u32 $0x10, s5;
	(pc) =	sbr.rel .LBB2_1-.Ltmp0, $4  }
0x6: {  	s2 =	sadd.s32 $0x1200, s7;
	s3 =	sadd.s32 $0x81200, s7;
	s6 =	sor.u32 s1, s5  }
0x7: {  	[sflag:s4] =	ssyncpa.u1 $0x0;
	s5 =	simm.s32 $0x2;
	s6 =	sshll.u32 s6, $0x7  }
0x8: {  	s7 =	sadd.s32 $0x81400, s7;
	[sflag:s5] =	ssyncpa.u1 $0x0;
	s8 =	sadd.s32 $0x80, s6  }
0x9: {  	vm0 =	vmmov $0xff;
	vm1 =	vcmask $0x3F20;
	[sflag:s9] =	ssyncpa.u1 $0x0;
	s9 =	simm.s32 $0x80;
	s11 =	smov.u32 s6  }
.LBB2_9:
0xa: {  	p0 =	seq.s32 s10, $0x2  }
.Ltmp1:
0xb: {  	_ = 	snop;
	(pc) =	sbr.rel @p0 .LBB2_11-.Ltmp1, $1  }
0xc: {  	_ =	sdelay $0x3  }
.LBB2_10:
0xd: {  	s12 =	sadd.s32 $0x80, s11  }
0xe: {  	s13 =	smov.u32 s6;
	p0 =	slt.s32 s12, s8  }
0xf: {  	s13 =	smov.u32 @p0 s12  }
0x10: {  	s10 =	sadd.s32 $0x1, s10;
	s12 =	smov.u32 s11;
	s11 =	smov.u32 s13  }
.LBB2_1:
0x11: {  	p0 =	sne.s32 s10, $0x0  }
.Ltmp2:
0x12: {  	_ = 	snop;
	(pc) =	sbr.rel @!p0 .LBB2_2-.Ltmp2, $1  }
0x13: {  	_ =	sdelay $0x3  }
0x14: {  	s13 =	sand.u32 $0x1, s10  }
0x15: {  	p0 =	seq.s32 s13, $0x0  }
.Ltmp3:
0x16: {  	_ = 	snop;
	(pc) =	sbr.rel @p0 .LBB2_9-.Ltmp3, $1  }
0x17: {  	_ =	sdelay $0x3  }
0x18: {  	_ =	swait.ge [sflag:s5], $0x80  }
0x19: {  	[sflag:s5] =	ssyncset.done $0x0  }
0x1a: {  	s13 =	simm.s32 $0x0;
	[sflag:s5] =	ssyncadd.s32 $0xFFFFFF80  }
0x1b: {  	v0 =	vld.msk [tilespmem:s13+$0x80 ss:$0x1], $0xffff;
	_ =	sdelay $0x4  }
0x1c: {  	v1 =	vshll.u32 v0, $0x4  }
0x1d: {  	vm2 =	veq.s32 v0, $0x80000000;
	v0 =	vshll.u32 v0, $0x13;
	v1 =	vand.u32 $0x7FF80, v1  }
0x1e: {  	v0 =	vand.u32 $0x380000, v0;
	v1 =	vsel vm2, $0xFFFFFF80, v1  }
0x1f: {  	v0 =	vsel vm2, $0xFFF80000, v0;
	v2 =	vand.u32 $0xFFFFFC00, v1  }
0x20: {  	v1 =	vand.u32 $0x380, v1;
	v0 =	vadd.s32 v0, v2  }
0x21: {  	v0 =	vor.u32 v1, v0  }
0x22: {  	v0 =	vshrl.u32 v0, $0x3;
	_ =	sdelay $0x3  }
0x23: {  	s13 =	simm.s32 $0x4100  }
0x24: {  	[tilespmem:s13], [sflag:$0x1] =	stream.indirect_vreg.gather [hbm:s2], $0x80, v0, vm0, $0x38;
	[tilespmem:$0x8100] =	vst v63  }
0x25: {  	s14 =	simm.s32 $0x4500;
	s31 =	simm.s32 $0x10  }
0x26: {  	[tilespmem:s14], [sflag:$0x1] =	stream.indirect_vreg.gather [hbm:s2], $0x80, v0, vm1, $0x38;
	[tilespmem:$0x8100] =	vst v63  }
0x27: {  	s14 =	simm.s32 $0x80;
	v0 =	vld.msk [tilespmem:s31+$0x80 ss:$0x1], $0xffff  }
.LBB2_5:
0x28: {  	p0 =	sne.s32 s14, $0x1C0;
	_ =	sdelay $0x4  }
0x29: {  	v1 =	vshll.u32 v0, $0x4  }
0x2a: {  	vm2 =	veq.s32 v0, $0x80000000;
	v0 =	vshll.u32 v0, $0x13;
	v1 =	vand.u32 $0x7FF80, v1  }
0x2b: {  	v0 =	vand.u32 $0x380000, v0;
	v1 =	vsel vm2, $0xFFFFFF80, v1  }
0x2c: {  	v0 =	vsel vm2, $0xFFF80000, v0;
	v2 =	vand.u32 $0xFFFFFC00, v1  }
0x2d: {  	v1 =	vand.u32 $0x380, v1;
	v0 =	vadd.s32 v0, v2  }
0x2e: {  	v0 =	vor.u32 v1, v0  }
0x2f: {  	v0 =	vshrl.u32 v0, $0x3;
	_ =	sdelay $0x3  }
.Ltmp4:
0x30: {  	s13 =	sadd.s32 $0x800, s13;
	(pc) =	sbr.rel @p0 .LBB2_5-.Ltmp4, $4  }
0x31: {  	[tilespmem:s13], [sflag:$0x1] =	stream.indirect_vreg.gather [hbm:s2], $0x80, v0, vm0, $0x38;
	[tilespmem:$0x8100] =	vst v63  }
0x32: {  	s15 =	sshra.s32 s14, $0x2;
	s16 =	sadd.s32 $0x400, s13  }
0x33: {  	[tilespmem:s16], [sflag:$0x1] =	stream.indirect_vreg.gather [hbm:s2], $0x80, v0, vm1, $0x38;
	[tilespmem:$0x8100] =	vst v63  }
0x34: {  	s14 =	sadd.s32 $0x40, s14;
	v0 =	vld.msk [tilespmem:s15+$0x80 ss:$0x1], $0xffff  }
0x35: {  	_ =	sdelay $0x3  }
0x36: {  	v1 =	vshll.u32 v0, $0x4  }
0x37: {  	vm2 =	veq.s32 v0, $0x80000000;
	v63 =	vshll.u32 v0, $0x13;
	v1 =	vand.u32 $0x7FF80, v1  }
0x38: {  	v0 =	vand.u32 $0x380000, v63;
	v1 =	vsel vm2, $0xFFFFFF80, v1  }
0x39: {  	v0 =	vsel vm2, $0xFFF80000, v0;
	v2 =	vand.u32 $0xFFFFFC00, v1  }
0x3a: {  	v1 =	vand.u32 $0x380, v1;
	v0 =	vadd.s32 v0, v2  }
0x3b: {  	v0 =	vor.u32 v1, v0  }
0x3c: {  	v0 =	vshrl.u32 v0, $0x3;
	_ =	sdelay $0x3  }
0x3d: {  	s13 =	sadd.s32 $0x800, s13  }
0x3e: {  	[tilespmem:s13], [sflag:$0x1] =	stream.indirect_vreg.gather [hbm:s2], $0x80, v0, vm0, $0x38;
	[tilespmem:$0x8100] =	vst v63  }
0x3f: {  	s13 =	sadd.s32 $0x400, s13  }
0x40: {  	[tilespmem:s13], [sflag:$0x1] =	stream.indirect_vreg.gather [hbm:s2], $0x80, v0, vm1, $0x38;
	[tilespmem:$0x8100] =	vst v63  }
0x41: {  	s12 =	sshll.u32 s12, $0x4;
	s14 =	simm.s32 $0x80;
	_ =	swait.ge [sflag:s4], $0x4000  }
0x42: {  	s15 =	simm.s32 $0x4500;
	s12 =	sadd.s32 s12, s7;
	[sflag:s4] =	ssyncset.done $0x0  }
0x43: {  	s16 =	sadd.s32 $0x0, s12;
	s13 =	simm.s32 $0x4100;
	[sflag:s4] =	ssyncadd.s32 $0xFFFFC000  }
.LBB2_7:
0x44: {  	[hbm:s16] =	stream.linear.scatter [tilespmem:s13], [sflag:$0x3], $0x400, $0x38;
	[tilespmem:$0x8100] =	vst v63  }
0x45: {  	s16 =	smov.u32 s14;
	s13 =	smov.u32 s15;
	p0 =	sne.s32 s14, $0x780  }
.Ltmp5:
0x46: {  	s14 =	sadd.s32 $0x80, s14;
	(pc) =	sbr.rel @p0 .LBB2_7-.Ltmp5, $2  }
0x47: {  	_ =	sdelay $0x2  }
0x48: {  	s15 =	sadd.s32 $0x400, s15;
	s16 =	sadd.s32 s16, s12  }
.Ltmp6:
0x49: {  	(pc) =	sbr.rel .LBB2_9-.Ltmp6, $2  }
0x4a: {  	_ =	sdelay $0x2  }
0x4b: {  	[hbm:s16] =	stream.linear.scatter [tilespmem:s13], [sflag:$0x3], $0x400, $0x38;
	[tilespmem:$0x8100] =	vst v63  }
.LBB2_2:
.Ltmp7:
0x4c: {  	(pc) =	sbr.rel .LBB2_10-.Ltmp7, $4  }
0x4d: {  	_ = 	snop  }
0x4e: {  	s12 =	sshrl.u32 s11, $0x3  }
0x4f: {  	s13 =	sand.u32 $0x7, s11;
	s12 =	sadd.s32 s3, s12  }
0x50: {  	[tilespmem:s9], [sflag:$0x2] =	stream.linear.gather [hbm4b:s12+s13], $0x80, $0x38;
	[tilespmem:$0x8100] =	vst v63  }
.LBB2_11:
0x51: {  	s2 =	simm.s32 $0x3  }
0x52: {  	_ =	swait.ge [sflag:s2], $0x4000  }
0x53: {  	[sflag:s2] =	ssyncset.done $0x0  }
0x54: {  	[sflag:s2] =	ssyncadd.s32 $0xFFFFC000  }
0x55: {  	_ =	sfence.sel $0x180000  }
0x56: {  	s3 =	simm.s32 $0x2;
	[bflag:$0x0] =	sbarrier.arrive $0xFFFF  }
0x57: {  	[sflag:s3] =	ssyncpa.u1 $0x1  }
0x58: {  	s31 =	simm.s32 $0x1;
	[sflag:s2] =	ssyncpa.u1 $0x1  }
0x59: {  	[sflag:s31] =	ssyncpa.u1 $0x1  }
0x5a: {  	p0 =	sne.s32 s1, $0x0;
	_ =	strace $0x90000047  }
0x5b: {  	s0 =	sadd.s32 @!p0 $0x100000, s0;
	[bflag:$0x2] =	sbarrier.arrive $0xFFFF  }
0x5c: {  	[sflag:s0] =	ssyncadd.tile.s32 @!p0 $0x1;
	_ =	shalt  }
.Lfunc_end2:
_tile_overlayer_lowered:
.L_overlay_start_2:
0x5d: {  	(tag) =	ssettag $0x2  }
0x5e: {  	s0 =	rddreg [dreg:$0x0];
	s2 =	stileid.u32  }
0x5f: {  	s1 =	rddreg [dreg:$0x1];
	p0 =	sne.s32 s2, $0x0  }
0x60: {  	s3 =	rddreg [dreg:$0x2];
	[bflag:$0x3] =	sbarrier.arrive $0xFFFF;
	s2 =	simm.s32 @!p0 $0x1C01  }
0x61: {  	[timem:s3], [sflag:s2] =	dma.local @!p0 [hbm:s0], s1  }
0x62: {  	s0 =	simm.s32 @!p0 $0x1  }
0x63: {  	_ =	swait.ge @!p0 [sflag:s0], s1  }
0x64: {  	s1 =	ssub.s32 @!p0 $0x0, s1;
	[sflag:s0] =	ssyncset.done @!p0 $0x0  }
0x65: {  	[sflag:s0] =	ssyncadd.s32 @!p0 s1  }
0x66: {  	[bflag:$0x3] =	sbarrier.arrive $0xFFFF  }
0x67: {  	_ =	shalt  }

</sc_bundles>
